<compile_context>
chip_gen: v7x
topology: tpu7x:2x2x1
jax: 0.10.2.dev20260603
libtpu: 0.0.44.dev20260713+nightly
codegen_flags: <defaults>
</compile_context>

<pallas_src>
import functools

import jax
import jax.numpy as jnp
from jax import lax
from jax.experimental import pallas as pl
from jax.experimental.pallas import tpu as pltpu
from jax.experimental.pallas import tpu_sc as plsc

N = 10000
E = 320000
D = 128
DH = D // 2
NCLS = 16
NPAD = 10112
NSC = 2
NTEC = 16
ROWS_PER_TILE = NPAD // NTEC
CHUNK = 128
NBUF = 4
NCH_ALL = 2560
E_PAD = NCH_ALL * CHUNK
NCH_COL = NCH_ALL // NTEC
NCH_EDGE = NCH_ALL // (NSC * NTEC)

_MESH = plsc.VectorSubcoreMesh(
    core_axis_name="c", subcore_axis_name="s", num_cores=NSC,
    num_subcores=NTEC)
_SC_PARAMS = pltpu.CompilerParams(use_tc_tiling_on_sc=False)


def _make_spmm(width, col_split, dtype):
  nch = NCH_COL if col_split else NCH_EDGE

  @functools.partial(
      pl.kernel,
      out_type=jax.ShapeDtypeStruct((NSC, NPAD, width), dtype),
      mesh=_MESH,
      compiler_params=_SC_PARAMS,
      scratch_types=[
          pltpu.VMEM((nch, CHUNK), jnp.int32),
          pltpu.VMEM((nch, CHUNK), jnp.int32),
          [pltpu.VMEM((CHUNK, width), dtype)] * NBUF,
          pltpu.VMEM_SHARED((NPAD, width), dtype),
          pltpu.VMEM_SHARED((NPAD, width), dtype),
          [pltpu.SemaphoreType.DMA] * NBUF,
          [pltpu.SemaphoreType.DMA] * NBUF,
      ],
  )
  def spmm(table_hbm, edges_hbm, zeros_hbm, out_hbm,
           src_v, dst_v, rows, tbl_sh, acc_sh, gsem, ssem):
    c = lax.axis_index("c")
    s = lax.axis_index("s")
    r0 = s * ROWS_PER_TILE
    tbl = table_hbm.at[c] if col_split else table_hbm
    c0 = s * NCH_COL if col_split else (c * NTEC + s) * NCH_EDGE
    pltpu.sync_copy(zeros_hbm.at[pl.ds(r0, ROWS_PER_TILE)],
                    acc_sh.at[pl.ds(r0, ROWS_PER_TILE)])
    pltpu.sync_copy(tbl.at[pl.ds(r0, ROWS_PER_TILE)],
                    tbl_sh.at[pl.ds(r0, ROWS_PER_TILE)])
    pltpu.sync_copy(edges_hbm.at[0, pl.ds(c0, nch)], src_v)
    pltpu.sync_copy(edges_hbm.at[1, pl.ds(c0, nch)], dst_v)
    plsc.subcore_barrier()

    pltpu.async_copy(tbl_sh.at[src_v.at[0]], rows[0], gsem[0])
    pltpu.async_copy(tbl_sh.at[src_v.at[1]], rows[1], gsem[1])

    def outer(g, carry):
      for b in range(NBUF):
        t = g * NBUF + b
        b2 = (b + 2) % NBUF

        @pl.when(t >= 2)
        def _():
          pltpu.make_async_copy(
              rows[b2], acc_sh.at[dst_v.at[t - 2]], ssem[b2]).wait()

        @pl.when(t + 2 < nch)
        def _():
          pltpu.async_copy(tbl_sh.at[src_v.at[t + 2]], rows[b2], gsem[b2])

        pltpu.make_async_copy(tbl_sh.at[src_v.at[t]], rows[b], gsem[b]).wait()
        pltpu.async_copy(rows[b], acc_sh.at[dst_v.at[t]], ssem[b], add=True)
      return carry

    lax.fori_loop(0, nch // NBUF, outer, 0)
    pltpu.make_async_copy(
        rows[2], acc_sh.at[dst_v.at[nch - 2]], ssem[2]).wait()
    pltpu.make_async_copy(
        rows[3], acc_sh.at[dst_v.at[nch - 1]], ssem[3]).wait()
    plsc.subcore_barrier()
    pltpu.sync_copy(acc_sh.at[pl.ds(r0, ROWS_PER_TILE)],
                    out_hbm.at[c, pl.ds(r0, ROWS_PER_TILE)])

  return spmm


_spmm_col = _make_spmm(DH, col_split=True, dtype=jnp.bfloat16)
_spmm16 = _make_spmm(NCLS, col_split=False, dtype=jnp.float32)


@functools.partial(
    pl.kernel,
    out_type=jax.ShapeDtypeStruct((NSC, NPAD, NCLS), jnp.float32),
    mesh=_MESH,
    compiler_params=_SC_PARAMS,
    scratch_types=[
        pltpu.VMEM((NCH_EDGE, CHUNK), jnp.int32),
        pltpu.VMEM((CHUNK, NCLS), jnp.float32),
        pltpu.VMEM_SHARED((NPAD, NCLS), jnp.float32),
        [pltpu.SemaphoreType.DMA] * NBUF,
    ],
)
def _deg_kernel(edges_hbm, ones_hbm, zeros_hbm, out_hbm,
                dst_v, ones_v, acc_sh, ssem):
  c = lax.axis_index("c")
  s = lax.axis_index("s")
  r0 = s * ROWS_PER_TILE
  c0 = (c * NTEC + s) * NCH_EDGE
  pltpu.sync_copy(zeros_hbm.at[pl.ds(r0, ROWS_PER_TILE)],
                  acc_sh.at[pl.ds(r0, ROWS_PER_TILE)])
  pltpu.sync_copy(edges_hbm.at[1, pl.ds(c0, NCH_EDGE)], dst_v)
  pltpu.sync_copy(ones_hbm, ones_v)
  plsc.subcore_barrier()

  def outer(g, carry):
    for b in range(NBUF):
      t = g * NBUF + b

      @pl.when(t >= NBUF)
      def _():
        pltpu.make_async_copy(ones_v, acc_sh.at[dst_v.at[t - NBUF]],
                              ssem[b]).wait()

      pltpu.async_copy(ones_v, acc_sh.at[dst_v.at[t]], ssem[b], add=True)
    return carry

  lax.fori_loop(0, NCH_EDGE // NBUF, outer, 0)
  for b in range(NBUF):
    pltpu.make_async_copy(ones_v, acc_sh.at[dst_v.at[NCH_EDGE - NBUF + b]],
                          ssem[b]).wait()
  plsc.subcore_barrier()
  pltpu.sync_copy(acc_sh.at[pl.ds(r0, ROWS_PER_TILE)],
                  out_hbm.at[c, pl.ds(r0, ROWS_PER_TILE)])


def _kprep_body(ei_ref, out_ref):
  out_ref[:, 0:E] = ei_ref[...].astype(jnp.int32)
  out_ref[:, E:E_PAD] = jnp.full((2, E_PAD - E), N, jnp.int32)


GBLK = NPAD // 8
OBLK = N // 10


def _dinv_blk(degp):
  deg = degp[0, :, 0:1] + degp[1, :, 0:1]
  return jnp.where(deg > 0, lax.rsqrt(jnp.maximum(deg, 1.0)), 0.0)


def _rowmask(g):
  rows = g * GBLK + lax.broadcasted_iota(jnp.int32, (GBLK, 1), 0)
  return rows < N


def _k0_body(degp_ref, x_ref, hs_ref, dinv_ref):
  g = pl.program_id(0)
  dinv = jnp.where(_rowmask(g), _dinv_blk(degp_ref[...]), 0.0)
  hs = (x_ref[...] * dinv).astype(jnp.bfloat16)
  hs_ref[0] = hs[:, 0:DH]
  hs_ref[1] = hs[:, DH:D]
  dinv_ref[...] = jnp.broadcast_to(dinv, (GBLK, D))


def _k1_body(dinv_ref, p_ref, w_ref, b_ref, out_ref):
  dinv = dinv_ref[:, 0:1]
  agg = jnp.concatenate(
      [p_ref[0], p_ref[1]], axis=1).astype(jnp.float32) * dinv
  h = jnp.maximum(
      jnp.dot(agg, w_ref[...], preferred_element_type=jnp.float32)
      + b_ref[...], 0.0)
  hs = (h * dinv).astype(jnp.bfloat16)
  out_ref[0] = hs[:, 0:DH]
  out_ref[1] = hs[:, DH:D]


def _k2_body(dinv_ref, p_ref, w2_ref, b2_ref, w3_ref, out_ref):
  dinv = dinv_ref[:, 0:1]
  agg = jnp.concatenate(
      [p_ref[0], p_ref[1]], axis=1).astype(jnp.float32) * dinv
  h = jnp.maximum(
      jnp.dot(agg, w2_ref[...], preferred_element_type=jnp.float32)
      + b2_ref[...], 0.0)
  out_ref[...] = jnp.dot(h * dinv, w3_ref[...],
                         preferred_element_type=jnp.float32)


def _k3_body(dinv_ref, p_ref, b_ref, out_ref):
  out_ref[...] = (p_ref[0] + p_ref[1]) * dinv_ref[:, 0:1] + b_ref[...]


def _blk3(width):
  return pl.BlockSpec((NSC, GBLK, width), lambda g: (0, g, 0))


def _full(shape):
  return pl.BlockSpec(shape, lambda g: (0,) * len(shape))


def kernel(x, edge_index, W1, b1, W2, b2, W3, b3):
  edges_b = pl.pallas_call(
      _kprep_body,
      out_shape=jax.ShapeDtypeStruct((2, E_PAD), jnp.int32))(
          edge_index).reshape(2, NCH_ALL, CHUNK)
  x_pad = jnp.pad(x, ((0, NPAD - N), (0, 0)))
  zeros64 = jnp.zeros((NPAD, DH), jnp.bfloat16)
  zeros16 = jnp.zeros((NPAD, NCLS), jnp.float32)
  ones16 = jnp.ones((CHUNK, NCLS), jnp.float32)
  grid = NPAD // GBLK

  degp = _deg_kernel(edges_b, ones16, zeros16)
  hs0, dinv128 = pl.pallas_call(
      _k0_body,
      grid=(grid,),
      in_specs=[_blk3(NCLS), pl.BlockSpec((GBLK, D), lambda g: (g, 0))],
      out_specs=[_blk3(DH), pl.BlockSpec((GBLK, D), lambda g: (g, 0))],
      out_shape=[jax.ShapeDtypeStruct((NSC, NPAD, DH), jnp.bfloat16),
                 jax.ShapeDtypeStruct((NPAD, D), jnp.float32)])(
          degp, x_pad)
  p1 = _spmm_col(hs0, edges_b, zeros64)
  hs1 = pl.pallas_call(
      _k1_body,
      grid=(grid,),
      in_specs=[pl.BlockSpec((GBLK, D), lambda g: (g, 0)), _blk3(DH),
                _full((D, D)), _full((D,))],
      out_specs=_blk3(DH),
      out_shape=jax.ShapeDtypeStruct((NSC, NPAD, DH), jnp.bfloat16))(
          dinv128, p1, W1, b1)
  p2 = _spmm_col(hs1, edges_b, zeros64)
  z = pl.pallas_call(
      _k2_body,
      grid=(grid,),
      in_specs=[pl.BlockSpec((GBLK, D), lambda g: (g, 0)), _blk3(DH),
                _full((D, D)), _full((D,)), _full((D, NCLS))],
      out_specs=pl.BlockSpec((GBLK, NCLS), lambda g: (g, 0)),
      out_shape=jax.ShapeDtypeStruct((NPAD, NCLS), jnp.float32))(
          dinv128, p2, W2, b2, W3)
  p3 = _spmm16(z, edges_b, zeros16)
  out = pl.pallas_call(
      _k3_body,
      grid=(N // OBLK,),
      in_specs=[pl.BlockSpec((OBLK, D), lambda g: (g, 0)),
                pl.BlockSpec((NSC, OBLK, NCLS), lambda g: (0, g, 0)),
                _full((NCLS,))],
      out_specs=pl.BlockSpec((OBLK, NCLS), lambda g: (g, 0)),
      out_shape=jax.ShapeDtypeStruct((N, NCLS), jnp.float32))(
          dinv128, p3, b3)
  return out

# --- scband reference (transcript-rebuilt; emitter-appended) ---
"""Pipeline reference for scband-mgsl-kge-20710332301839 (READ-ONLY COPY).

The authoritative reference and input builder live on the scoring server;
editing this copy changes nothing except your own understanding.
"""

import jax, jax.numpy as jnp
import numpy as np

N_NODES = 10000
N_EDGES = 320000
D_FEAT = 128
N_HIDDEN = 128
N_CLASSES = 16


def _gcn_layer(h, W, b, src, dst, dinv):
    # DGL GraphConv with norm='both': D^{-1/2} A D^{-1/2} X W + b
    hs = h * dinv[:, None]
    msg = jnp.take(hs, src, axis=0)
    agg = jax.ops.segment_sum(msg, dst, num_segments=N_NODES)
    agg = agg * dinv[:, None]
    return agg @ W + b


def setup_inputs(seed: int = 0) -> dict:
    key = jax.random.key(seed)
    ks = jax.random.split(key, 9)
    x = jax.random.normal(ks[0], (N_NODES, D_FEAT), dtype=jnp.float32)
    edge_index = jax.random.randint(ks[1], (2, N_EDGES), 0, N_NODES)
    W1 = jax.random.normal(ks[2], (D_FEAT, N_HIDDEN), dtype=jnp.float32) * 0.05
    b1 = jnp.zeros((N_HIDDEN,), dtype=jnp.float32)
    W2 = jax.random.normal(ks[3], (N_HIDDEN, N_HIDDEN), dtype=jnp.float32) * 0.05
    b2 = jnp.zeros((N_HIDDEN,), dtype=jnp.float32)
    W3 = jax.random.normal(ks[4], (N_HIDDEN, N_CLASSES), dtype=jnp.float32) * 0.05
    b3 = jnp.zeros((N_CLASSES,), dtype=jnp.float32)
    return {"x": x, "edge_index": edge_index, "W1": W1, "b1": b1,
            "W2": W2, "b2": b2, "W3": W3, "b3": b3}


def reference(x, edge_index, W1, b1, W2, b2, W3, b3):
    src = edge_index[0]
    dst = edge_index[1]
    deg = jax.ops.segment_sum(jnp.ones((N_EDGES,), dtype=x.dtype), dst, num_segments=N_NODES)
    dinv = jnp.where(deg > 0, jax.lax.rsqrt(jnp.maximum(deg, 1.0)), 0.0)
    # GCN: layer0 (in->hidden, relu), layer1 (hidden->hidden, relu), output layer (hidden->classes)
    h = jax.nn.relu(_gcn_layer(x, W1, b1, src, dst, dinv))
    h = jax.nn.relu(_gcn_layer(h, W2, b2, src, dst, dinv))  # dropout in eval mode = identity
    out = _gcn_layer(h, W3, b3, src, dst, dinv)
    return out

if __name__ == "__main__":
    import jax
    _d = setup_inputs()
    print(jax.jit(kernel)(*tuple(_d.values())))

</pallas_src>

<mosaic_0001>
#map = affine_map<(d0, d1) -> (0, 0)>
#map1 = affine_map<(d0, d1) -> (0, 0, 0)>
module attributes {stable_mosaic.version = 14 : i64} {
  func.func @spmm(%arg0: i32, %arg1: i32, %arg2: memref<10112x16xf32, #tpu.memory_space<hbm>>, %arg3: memref<2x2560x128xi32, #tpu.memory_space<hbm>>, %arg4: memref<10112x16xf32, #tpu.memory_space<hbm>>, %arg5: memref<2x10112x16xf32, #tpu.memory_space<hbm>>, %arg6: memref<80x128xi32, #tpu.memory_space<vmem>>, %arg7: memref<80x128xi32, #tpu.memory_space<vmem>>, %arg8: memref<128x16xf32, #tpu.memory_space<vmem>>, %arg9: memref<128x16xf32, #tpu.memory_space<vmem>>, %arg10: memref<128x16xf32, #tpu.memory_space<vmem>>, %arg11: memref<128x16xf32, #tpu.memory_space<vmem>>, %arg12: memref<10112x16xf32, #tpu.memory_space<vmem_shared>>, %arg13: memref<10112x16xf32, #tpu.memory_space<vmem_shared>>, %arg14: memref<!tpu.dma_semaphore, #tpu.memory_space<semaphore_mem>>, %arg15: memref<!tpu.dma_semaphore, #tpu.memory_space<semaphore_mem>>, %arg16: memref<!tpu.dma_semaphore, #tpu.memory_space<semaphore_mem>>, %arg17: memref<!tpu.dma_semaphore, #tpu.memory_space<semaphore_mem>>, %arg18: memref<!tpu.dma_semaphore, #tpu.memory_space<semaphore_mem>>, %arg19: memref<!tpu.dma_semaphore, #tpu.memory_space<semaphore_mem>>, %arg20: memref<!tpu.dma_semaphore, #tpu.memory_space<semaphore_mem>>, %arg21: memref<!tpu.dma_semaphore, #tpu.memory_space<semaphore_mem>>) attributes {dimension_semantics = [#tpu.dimension_semantics<core_parallel>, #tpu.dimension_semantics<subcore_parallel>], iteration_bounds = array<i64: 2, 16>, scalar_prefetch = 0 : i64, scratch_operands = 16 : i64, tpu.core_type = #tpu.core_type<sc_vector_subcore>, window_params = [{transform_indices = #map}, {transform_indices = #map1}, {transform_indices = #map}, {transform_indices = #map1}]} {
    %mul3A = arith.constant 632 : i32
    %mul3A_0 = arith.muli %arg1, %mul3A : i32
    %mul3A_1 = arith.constant 16 : i32
    %mul3A_2 = arith.muli %arg0, %mul3A_1 : i32
    %add3A = arith.addi %mul3A_2, %arg1 : i32
    %mul3A_3 = arith.constant 80 : i32
    %mul3A_4 = arith.muli %add3A, %mul3A_3 : i32
    "tpu.region"() ({
      %run_scoped3A_38 = tpu.sem_alloc : memref<!tpu.dma_semaphore, #tpu.memory_space<semaphore_mem>>
      %dma_start3A_39 = arith.constant 0 : i32
      %dma_start3A_40 = tpu.memref_slice %arg13[%mul3A_0, %dma_start3A_39] : memref<10112x16xf32, #tpu.memory_space<vmem_shared>> -> memref<632x16xf32, #tpu.memory_space<vmem_shared>>
      %dma_start3A_41 = arith.constant 0 : i32
      %dma_start3A_42 = tpu.memref_slice %arg4[%mul3A_0, %dma_start3A_41] : memref<10112x16xf32, #tpu.memory_space<hbm>> -> memref<632x16xf32, #tpu.memory_space<hbm>>
      tpu.enqueue_dma source(%dma_start3A_42 : memref<632x16xf32, #tpu.memory_space<hbm>>) target(%dma_start3A_40 : memref<632x16xf32, #tpu.memory_space<vmem_shared>>) target_semaphore(%run_scoped3A_38 : memref<!tpu.dma_semaphore, #tpu.memory_space<semaphore_mem>>)
      %dma_wait3A_43 = arith.constant 0 : i32
      %dma_wait3A_44 = tpu.memref_slice %arg13[%mul3A_0, %dma_wait3A_43] : memref<10112x16xf32, #tpu.memory_space<vmem_shared>> -> memref<632x16xf32, #tpu.memory_space<vmem_shared>>
      %dma_wait3A_45 = arith.constant 0 : i32
      %dma_wait3A_46 = tpu.memref_slice %arg4[%mul3A_0, %dma_wait3A_45] : memref<10112x16xf32, #tpu.memory_space<hbm>> -> memref<632x16xf32, #tpu.memory_space<hbm>>
      tpu.wait_dma2 semaphore(%run_scoped3A_38 : memref<!tpu.dma_semaphore, #tpu.memory_space<semaphore_mem>>) src(%dma_wait3A_46 : memref<632x16xf32, #tpu.memory_space<hbm>>) dst(%dma_wait3A_44 : memref<632x16xf32, #tpu.memory_space<vmem_shared>>)
      tpu.yield
    }) : () -> ()
    "tpu.region"() ({
      %run_scoped3A_38 = tpu.sem_alloc : memref<!tpu.dma_semaphore, #tpu.memory_space<semaphore_mem>>
      %dma_start3A_39 = arith.constant 0 : i32
      %dma_start3A_40 = tpu.memref_slice %arg12[%mul3A_0, %dma_start3A_39] : memref<10112x16xf32, #tpu.memory_space<vmem_shared>> -> memref<632x16xf32, #tpu.memory_space<vmem_shared>>
      %dma_start3A_41 = arith.constant 0 : i32
      %dma_start3A_42 = tpu.memref_slice %arg2[%mul3A_0, %dma_start3A_41] : memref<10112x16xf32, #tpu.memory_space<hbm>> -> memref<632x16xf32, #tpu.memory_space<hbm>>
      tpu.enqueue_dma source(%dma_start3A_42 : memref<632x16xf32, #tpu.memory_space<hbm>>) target(%dma_start3A_40 : memref<632x16xf32, #tpu.memory_space<vmem_shared>>) target_semaphore(%run_scoped3A_38 : memref<!tpu.dma_semaphore, #tpu.memory_space<semaphore_mem>>)
      %dma_wait3A_43 = arith.constant 0 : i32
      %dma_wait3A_44 = tpu.memref_slice %arg12[%mul3A_0, %dma_wait3A_43] : memref<10112x16xf32, #tpu.memory_space<vmem_shared>> -> memref<632x16xf32, #tpu.memory_space<vmem_shared>>
      %dma_wait3A_45 = arith.constant 0 : i32
      %dma_wait3A_46 = tpu.memref_slice %arg2[%mul3A_0, %dma_wait3A_45] : memref<10112x16xf32, #tpu.memory_space<hbm>> -> memref<632x16xf32, #tpu.memory_space<hbm>>
      tpu.wait_dma2 semaphore(%run_scoped3A_38 : memref<!tpu.dma_semaphore, #tpu.memory_space<semaphore_mem>>) src(%dma_wait3A_46 : memref<632x16xf32, #tpu.memory_space<hbm>>) dst(%dma_wait3A_44 : memref<632x16xf32, #tpu.memory_space<vmem_shared>>)
      tpu.yield
    }) : () -> ()
    %run_scoped3A = arith.constant 0 : i32
    "tpu.region"() ({
      %run_scoped3A_38 = tpu.sem_alloc : memref<!tpu.dma_semaphore, #tpu.memory_space<semaphore_mem>>
      %dma_start3A_39 = arith.constant 0 : i32
      %dma_start3A_40 = tpu.memref_slice %arg3[%run_scoped3A, %mul3A_4, %dma_start3A_39] : memref<2x2560x128xi32, #tpu.memory_space<hbm>> -> memref<1x80x128xi32, #tpu.memory_space<hbm>>
      %dma_start3A_41 = tpu.memref_squeeze %dma_start3A_40 : memref<1x80x128xi32, #tpu.memory_space<hbm>> -> memref<80x128xi32, #tpu.memory_space<hbm>>
      %dma_start3A_42 = arith.constant 0 : i32
      %dma_start3A_43 = tpu.memref_slice %arg3[%run_scoped3A, %mul3A_4, %dma_start3A_42] : memref<2x2560x128xi32, #tpu.memory_space<hbm>> -> memref<1x80x128xi32, #tpu.memory_space<hbm>>
      %dma_start3A_44 = tpu.memref_squeeze %dma_start3A_43 : memref<1x80x128xi32, #tpu.memory_space<hbm>> -> memref<80x128xi32, #tpu.memory_space<hbm>>
      tpu.enqueue_dma source(%dma_start3A_44 : memref<80x128xi32, #tpu.memory_space<hbm>>) target(%arg6 : memref<80x128xi32, #tpu.memory_space<vmem>>) target_semaphore(%run_scoped3A_38 : memref<!tpu.dma_semaphore, #tpu.memory_space<semaphore_mem>>)
      %dma_wait3A_45 = arith.constant 0 : i32
      %dma_wait3A_46 = tpu.memref_slice %arg3[%run_scoped3A, %mul3A_4, %dma_wait3A_45] : memref<2x2560x128xi32, #tpu.memory_space<hbm>> -> memref<1x80x128xi32, #tpu.memory_space<hbm>>
      %dma_wait3A_47 = tpu.memref_squeeze %dma_wait3A_46 : memref<1x80x128xi32, #tpu.memory_space<hbm>> -> memref<80x128xi32, #tpu.memory_space<hbm>>
      %dma_wait3A_48 = arith.constant 0 : i32
      %dma_wait3A_49 = tpu.memref_slice %arg3[%run_scoped3A, %mul3A_4, %dma_wait3A_48] : memref<2x2560x128xi32, #tpu.memory_space<hbm>> -> memref<1x80x128xi32, #tpu.memory_space<hbm>>
      %dma_wait3A_50 = tpu.memref_squeeze %dma_wait3A_49 : memref<1x80x128xi32, #tpu.memory_space<hbm>> -> memref<80x128xi32, #tpu.memory_space<hbm>>
      tpu.wait_dma2 semaphore(%run_scoped3A_38 : memref<!tpu.dma_semaphore, #tpu.memory_space<semaphore_mem>>) src(%dma_wait3A_50 : memref<80x128xi32, #tpu.memory_space<hbm>>) dst(%arg6 : memref<80x128xi32, #tpu.memory_space<vmem>>)
      tpu.yield
    }) : () -> ()
    %run_scoped3A_5 = arith.constant 1 : i32
    "tpu.region"() ({
      %run_scoped3A_38 = tpu.sem_alloc : memref<!tpu.dma_semaphore, #tpu.memory_space<semaphore_mem>>
      %dma_start3A_39 = arith.constant 0 : i32
      %dma_start3A_40 = tpu.memref_slice %arg3[%run_scoped3A_5, %mul3A_4, %dma_start3A_39] : memref<2x2560x128xi32, #tpu.memory_space<hbm>> -> memref<1x80x128xi32, #tpu.memory_space<hbm>>
      %dma_start3A_41 = tpu.memref_squeeze %dma_start3A_40 : memref<1x80x128xi32, #tpu.memory_space<hbm>> -> memref<80x128xi32, #tpu.memory_space<hbm>>
      %dma_start3A_42 = arith.constant 0 : i32
      %dma_start3A_43 = tpu.memref_slice %arg3[%run_scoped3A_5, %mul3A_4, %dma_start3A_42] : memref<2x2560x128xi32, #tpu.memory_space<hbm>> -> memref<1x80x128xi32, #tpu.memory_space<hbm>>
      %dma_start3A_44 = tpu.memref_squeeze %dma_start3A_43 : memref<1x80x128xi32, #tpu.memory_space<hbm>> -> memref<80x128xi32, #tpu.memory_space<hbm>>
      tpu.enqueue_dma source(%dma_start3A_44 : memref<80x128xi32, #tpu.memory_space<hbm>>) target(%arg7 : memref<80x128xi32, #tpu.memory_space<vmem>>) target_semaphore(%run_scoped3A_38 : memref<!tpu.dma_semaphore, #tpu.memory_space<semaphore_mem>>)
      %dma_wait3A_45 = arith.constant 0 : i32
      %dma_wait3A_46 = tpu.memref_slice %arg3[%run_scoped3A_5, %mul3A_4, %dma_wait3A_45] : memref<2x2560x128xi32, #tpu.memory_space<hbm>> -> memref<1x80x128xi32, #tpu.memory_space<hbm>>
      %dma_wait3A_47 = tpu.memref_squeeze %dma_wait3A_46 : memref<1x80x128xi32, #tpu.memory_space<hbm>> -> memref<80x128xi32, #tpu.memory_space<hbm>>
      %dma_wait3A_48 = arith.constant 0 : i32
      %dma_wait3A_49 = tpu.memref_slice %arg3[%run_scoped3A_5, %mul3A_4, %dma_wait3A_48] : memref<2x2560x128xi32, #tpu.memory_space<hbm>> -> memref<1x80x128xi32, #tpu.memory_space<hbm>>
      %dma_wait3A_50 = tpu.memref_squeeze %dma_wait3A_49 : memref<1x80x128xi32, #tpu.memory_space<hbm>> -> memref<80x128xi32, #tpu.memory_space<hbm>>
      tpu.wait_dma2 semaphore(%run_scoped3A_38 : memref<!tpu.dma_semaphore, #tpu.memory_space<semaphore_mem>>) src(%dma_wait3A_50 : memref<80x128xi32, #tpu.memory_space<hbm>>) dst(%arg7 : memref<80x128xi32, #tpu.memory_space<vmem>>)
      tpu.yield
    }) : () -> ()
    %barrier3A = arith.constant 0 : index
    tpu.barrier barrier_id(%barrier3A)
    %dma_start3A = arith.constant 0 : i32
    %dma_start3A_6 = arith.constant 0 : i32
    %dma_start3A_7 = tpu.memref_slice %arg6[%dma_start3A, %dma_start3A_6] : memref<80x128xi32, #tpu.memory_space<vmem>> -> memref<1x128xi32, #tpu.memory_space<vmem>>
    %dma_start3A_8 = tpu.memref_squeeze %dma_start3A_7 : memref<1x128xi32, #tpu.memory_space<vmem>> -> memref<128xi32, #tpu.memory_space<vmem>>
    %dma_start3A_9 = arith.constant 0 : i32
    %dma_start3A_10 = arith.constant 0 : i32
    %dma_start3A_11 = tpu.memref_slice %arg12[%dma_start3A_9, %dma_start3A_10] : memref<10112x16xf32, #tpu.memory_space<vmem_shared>> -> memref<10112x16xf32, #tpu.memory_space<vmem_shared>>
    tpu.enqueue_indirect_dma source(%dma_start3A_11 : memref<10112x16xf32, #tpu.memory_space<vmem_shared>>) target(%arg8 : memref<128x16xf32, #tpu.memory_space<vmem>>) offsets(%dma_start3A_8 : memref<128xi32, #tpu.memory_space<vmem>>) semaphore(%arg14 : memref<!tpu.dma_semaphore, #tpu.memory_space<semaphore_mem>>)
    %dma_start3A_12 = arith.constant 1 : i32
    %dma_start3A_13 = arith.constant 0 : i32
    %dma_start3A_14 = tpu.memref_slice %arg6[%dma_start3A_12, %dma_start3A_13] : memref<80x128xi32, #tpu.memory_space<vmem>> -> memref<1x128xi32, #tpu.memory_space<vmem>>
    %dma_start3A_15 = tpu.memref_squeeze %dma_start3A_14 : memref<1x128xi32, #tpu.memory_space<vmem>> -> memref<128xi32, #tpu.memory_space<vmem>>
    %dma_start3A_16 = arith.constant 0 : i32
    %dma_start3A_17 = arith.constant 0 : i32
    %dma_start3A_18 = tpu.memref_slice %arg12[%dma_start3A_16, %dma_start3A_17] : memref<10112x16xf32, #tpu.memory_space<vmem_shared>> -> memref<10112x16xf32, #tpu.memory_space<vmem_shared>>
    tpu.enqueue_indirect_dma source(%dma_start3A_18 : memref<10112x16xf32, #tpu.memory_space<vmem_shared>>) target(%arg9 : memref<128x16xf32, #tpu.memory_space<vmem>>) offsets(%dma_start3A_15 : memref<128xi32, #tpu.memory_space<vmem>>) semaphore(%arg15 : memref<!tpu.dma_semaphore, #tpu.memory_space<semaphore_mem>>)
    %scan3A = arith.constant 0 : i32
    %scan3A_19 = arith.constant 0 : i32
    %scan3A_20 = arith.constant 20 : i32
    %scan3A_21 = arith.addi %scan3A_19, %scan3A_20 : i32
    %scan3A_22 = arith.constant 1 : i32
    scf.for %scan3A_38 = %scan3A_19 to %scan3A_21 step %scan3A_22  : i32 {
      %mul3A_39 = arith.constant 4 : i32
      %mul3A_40 = arith.muli %scan3A_38, %mul3A_39 : i32
      %add3A_41 = arith.constant 0 : i32
      %add3A_42 = arith.addi %mul3A_40, %add3A_41 : i32
      %ge3A = arith.constant 2 : i32
      %ge3A_43 = arith.cmpi sge, %add3A_42, %ge3A : i32
      %convert_element_type3A = arith.extui %ge3A_43 : i1 to i32
      %cond3A = arith.constant 0 : i32
      %cond3A_44 = arith.cmpi ne, %convert_element_type3A, %cond3A : i32
      scf.if %cond3A_44 {
        %sub3A = arith.constant 2 : i32
        %sub3A_147 = arith.subi %add3A_42, %sub3A : i32
        %dma_wait3A_148 = arith.constant 0 : i32
        %dma_wait3A_149 = tpu.memref_slice %arg7[%sub3A_147, %dma_wait3A_148] : memref<80x128xi32, #tpu.memory_space<vmem>> -> memref<1x128xi32, #tpu.memory_space<vmem>>
        %dma_wait3A_150 = tpu.memref_squeeze %dma_wait3A_149 : memref<1x128xi32, #tpu.memory_space<vmem>> -> memref<128xi32, #tpu.memory_space<vmem>>
        %dma_wait3A_151 = arith.constant 0 : i32
        %dma_wait3A_152 = arith.constant 0 : i32
        %dma_wait3A_153 = tpu.memref_slice %arg13[%dma_wait3A_151, %dma_wait3A_152] : memref<10112x16xf32, #tpu.memory_space<vmem_shared>> -> memref<10112x16xf32, #tpu.memory_space<vmem_shared>>
        tpu.wait_indirect_dma semaphore(%arg20 : memref<!tpu.dma_semaphore, #tpu.memory_space<semaphore_mem>>) src(%arg10 : memref<128x16xf32, #tpu.memory_space<vmem>>) dst(%dma_wait3A_153 : memref<10112x16xf32, #tpu.memory_space<vmem_shared>>)
      } else {
      }
      %add3A_45 = arith.constant 2 : i32
      %add3A_46 = arith.addi %add3A_42, %add3A_45 : i32
      %lt3A = arith.constant 80 : i32
      %lt3A_47 = arith.cmpi slt, %add3A_46, %lt3A : i32
      %convert_element_type3A_48 = arith.extui %lt3A_47 : i1 to i32
      %cond3A_49 = arith.constant 0 : i32
      %cond3A_50 = arith.cmpi ne, %convert_element_type3A_48, %cond3A_49 : i32
      scf.if %cond3A_50 {
        %add3A_147 = arith.constant 2 : i32
        %add3A_148 = arith.addi %add3A_42, %add3A_147 : i32
        %dma_start3A_149 = arith.constant 0 : i32
        %dma_start3A_150 = tpu.memref_slice %arg6[%add3A_148, %dma_start3A_149] : memref<80x128xi32, #tpu.memory_space<vmem>> -> memref<1x128xi32, #tpu.memory_space<vmem>>
        %dma_start3A_151 = tpu.memref_squeeze %dma_start3A_150 : memref<1x128xi32, #tpu.memory_space<vmem>> -> memref<128xi32, #tpu.memory_space<vmem>>
        %dma_start3A_152 = arith.constant 0 : i32
        %dma_start3A_153 = arith.constant 0 : i32
        %dma_start3A_154 = tpu.memref_slice %arg12[%dma_start3A_152, %dma_start3A_153] : memref<10112x16xf32, #tpu.memory_space<vmem_shared>> -> memref<10112x16xf32, #tpu.memory_space<vmem_shared>>
        tpu.enqueue_indirect_dma source(%dma_start3A_154 : memref<10112x16xf32, #tpu.memory_space<vmem_shared>>) target(%arg10 : memref<128x16xf32, #tpu.memory_space<vmem>>) offsets(%dma_start3A_151 : memref<128xi32, #tpu.memory_space<vmem>>) semaphore(%arg16 : memref<!tpu.dma_semaphore, #tpu.memory_space<semaphore_mem>>)
      } else {
      }
      %dma_wait3A_51 = arith.constant 0 : i32
      %dma_wait3A_52 = tpu.memref_slice %arg6[%add3A_42, %dma_wait3A_51] : memref<80x128xi32, #tpu.memory_space<vmem>> -> memref<1x128xi32, #tpu.memory_space<vmem>>
      %dma_wait3A_53 = tpu.memref_squeeze %dma_wait3A_52 : memref<1x128xi32, #tpu.memory_space<vmem>> -> memref<128xi32, #tpu.memory_space<vmem>>
      %dma_wait3A_54 = arith.constant 0 : i32
      %dma_wait3A_55 = arith.constant 0 : i32
      %dma_wait3A_56 = tpu.memref_slice %arg12[%dma_wait3A_54, %dma_wait3A_55] : memref<10112x16xf32, #tpu.memory_space<vmem_shared>> -> memref<10112x16xf32, #tpu.memory_space<vmem_shared>>
      tpu.wait_indirect_dma semaphore(%arg14 : memref<!tpu.dma_semaphore, #tpu.memory_space<semaphore_mem>>) src(%dma_wait3A_56 : memref<10112x16xf32, #tpu.memory_space<vmem_shared>>) dst(%arg8 : memref<128x16xf32, #tpu.memory_space<vmem>>)
      %dma_start3A_57 = arith.constant 0 : i32
      %dma_start3A_58 = tpu.memref_slice %arg7[%add3A_42, %dma_start3A_57] : memref<80x128xi32, #tpu.memory_space<vmem>> -> memref<1x128xi32, #tpu.memory_space<vmem>>
      %dma_start3A_59 = tpu.memref_squeeze %dma_start3A_58 : memref<1x128xi32, #tpu.memory_space<vmem>> -> memref<128xi32, #tpu.memory_space<vmem>>
      %dma_start3A_60 = arith.constant 0 : i32
      %dma_start3A_61 = arith.constant 0 : i32
      %dma_start3A_62 = tpu.memref_slice %arg13[%dma_start3A_60, %dma_start3A_61] : memref<10112x16xf32, #tpu.memory_space<vmem_shared>> -> memref<10112x16xf32, #tpu.memory_space<vmem_shared>>
      tpu.enqueue_indirect_dma source(%arg8 : memref<128x16xf32, #tpu.memory_space<vmem>>) target(%dma_start3A_62 : memref<10112x16xf32, #tpu.memory_space<vmem_shared>>) offsets(%dma_start3A_59 : memref<128xi32, #tpu.memory_space<vmem>>) semaphore(%arg18 : memref<!tpu.dma_semaphore, #tpu.memory_space<semaphore_mem>>) {add = true}
      %mul3A_63 = arith.constant 4 : i32
      %mul3A_64 = arith.muli %scan3A_38, %mul3A_63 : i32
      %add3A_65 = arith.constant 1 : i32
      %add3A_66 = arith.addi %mul3A_64, %add3A_65 : i32
      %ge3A_67 = arith.constant 2 : i32
      %ge3A_68 = arith.cmpi sge, %add3A_66, %ge3A_67 : i32
      %convert_element_type3A_69 = arith.extui %ge3A_68 : i1 to i32
      %cond3A_70 = arith.constant 0 : i32
      %cond3A_71 = arith.cmpi ne, %convert_element_type3A_69, %cond3A_70 : i32
      scf.if %cond3A_71 {
        %sub3A = arith.constant 2 : i32
        %sub3A_147 = arith.subi %add3A_66, %sub3A : i32
        %dma_wait3A_148 = arith.constant 0 : i32
        %dma_wait3A_149 = tpu.memref_slice %arg7[%sub3A_147, %dma_wait3A_148] : memref<80x128xi32, #tpu.memory_space<vmem>> -> memref<1x128xi32, #tpu.memory_space<vmem>>
        %dma_wait3A_150 = tpu.memref_squeeze %dma_wait3A_149 : memref<1x128xi32, #tpu.memory_space<vmem>> -> memref<128xi32, #tpu.memory_space<vmem>>
        %dma_wait3A_151 = arith.constant 0 : i32
        %dma_wait3A_152 = arith.constant 0 : i32
        %dma_wait3A_153 = tpu.memref_slice %arg13[%dma_wait3A_151, %dma_wait3A_152] : memref<10112x16xf32, #tpu.memory_space<vmem_shared>> -> memref<10112x16xf32, #tpu.memory_space<vmem_shared>>
        tpu.wait_indirect_dma semaphore(%arg21 : memref<!tpu.dma_semaphore, #tpu.memory_space<semaphore_mem>>) src(%arg11 : memref<128x16xf32, #tpu.memory_space<vmem>>) dst(%dma_wait3A_153 : memref<10112x16xf32, #tpu.memory_space<vmem_shared>>)
      } else {
      }
      %add3A_72 = arith.constant 2 : i32
      %add3A_73 = arith.addi %add3A_66, %add3A_72 : i32
      %lt3A_74 = arith.constant 80 : i32
      %lt3A_75 = arith.cmpi slt, %add3A_73, %lt3A_74 : i32
      %convert_element_type3A_76 = arith.extui %lt3A_75 : i1 to i32
      %cond3A_77 = arith.constant 0 : i32
      %cond3A_78 = arith.cmpi ne, %convert_element_type3A_76, %cond3A_77 : i32
      scf.if %cond3A_78 {
        %add3A_147 = arith.constant 2 : i32
        %add3A_148 = arith.addi %add3A_66, %add3A_147 : i32
        %dma_start3A_149 = arith.constant 0 : i32
        %dma_start3A_150 = tpu.memref_slice %arg6[%add3A_148, %dma_start3A_149] : memref<80x128xi32, #tpu.memory_space<vmem>> -> memref<1x128xi32, #tpu.memory_space<vmem>>
        %dma_start3A_151 = tpu.memref_squeeze %dma_start3A_150 : memref<1x128xi32, #tpu.memory_space<vmem>> -> memref<128xi32, #tpu.memory_space<vmem>>
        %dma_start3A_152 = arith.constant 0 : i32
        %dma_start3A_153 = arith.constant 0 : i32
        %dma_start3A_154 = tpu.memref_slice %arg12[%dma_start3A_152, %dma_start3A_153] : memref<10112x16xf32, #tpu.memory_space<vmem_shared>> -> memref<10112x16xf32, #tpu.memory_space<vmem_shared>>
        tpu.enqueue_indirect_dma source(%dma_start3A_154 : memref<10112x16xf32, #tpu.memory_space<vmem_shared>>) target(%arg11 : memref<128x16xf32, #tpu.memory_space<vmem>>) offsets(%dma_start3A_151 : memref<128xi32, #tpu.memory_space<vmem>>) semaphore(%arg17 : memref<!tpu.dma_semaphore, #tpu.memory_space<semaphore_mem>>)
      } else {
      }
      %dma_wait3A_79 = arith.constant 0 : i32
      %dma_wait3A_80 = tpu.memref_slice %arg6[%add3A_66, %dma_wait3A_79] : memref<80x128xi32, #tpu.memory_space<vmem>> -> memref<1x128xi32, #tpu.memory_space<vmem>>
      %dma_wait3A_81 = tpu.memref_squeeze %dma_wait3A_80 : memref<1x128xi32, #tpu.memory_space<vmem>> -> memref<128xi32, #tpu.memory_space<vmem>>
      %dma_wait3A_82 = arith.constant 0 : i32
      %dma_wait3A_83 = arith.constant 0 : i32
      %dma_wait3A_84 = tpu.memref_slice %arg12[%dma_wait3A_82, %dma_wait3A_83] : memref<10112x16xf32, #tpu.memory_space<vmem_shared>> -> memref<10112x16xf32, #tpu.memory_space<vmem_shared>>
      tpu.wait_indirect_dma semaphore(%arg15 : memref<!tpu.dma_semaphore, #tpu.memory_space<semaphore_mem>>) src(%dma_wait3A_84 : memref<10112x16xf32, #tpu.memory_space<vmem_shared>>) dst(%arg9 : memref<128x16xf32, #tpu.memory_space<vmem>>)
      %dma_start3A_85 = arith.constant 0 : i32
      %dma_start3A_86 = tpu.memref_slice %arg7[%add3A_66, %dma_start3A_85] : memref<80x128xi32, #tpu.memory_space<vmem>> -> memref<1x128xi32, #tpu.memory_space<vmem>>
      %dma_start3A_87 = tpu.memref_squeeze %dma_start3A_86 : memref<1x128xi32, #tpu.memory_space<vmem>> -> memref<128xi32, #tpu.memory_space<vmem>>
      %dma_start3A_88 = arith.constant 0 : i32
      %dma_start3A_89 = arith.constant 0 : i32
      %dma_start3A_90 = tpu.memref_slice %arg13[%dma_start3A_88, %dma_start3A_89] : memref<10112x16xf32, #tpu.memory_space<vmem_shared>> -> memref<10112x16xf32, #tpu.memory_space<vmem_shared>>
      tpu.enqueue_indirect_dma source(%arg9 : memref<128x16xf32, #tpu.memory_space<vmem>>) target(%dma_start3A_90 : memref<10112x16xf32, #tpu.memory_space<vmem_shared>>) offsets(%dma_start3A_87 : memref<128xi32, #tpu.memory_space<vmem>>) semaphore(%arg19 : memref<!tpu.dma_semaphore, #tpu.memory_space<semaphore_mem>>) {add = true}
      %mul3A_91 = arith.constant 4 : i32
      %mul3A_92 = arith.muli %scan3A_38, %mul3A_91 : i32
      %add3A_93 = arith.constant 2 : i32
      %add3A_94 = arith.addi %mul3A_92, %add3A_93 : i32
      %ge3A_95 = arith.constant 2 : i32
      %ge3A_96 = arith.cmpi sge, %add3A_94, %ge3A_95 : i32
      %convert_element_type3A_97 = arith.extui %ge3A_96 : i1 to i32
      %cond3A_98 = arith.constant 0 : i32
      %cond3A_99 = arith.cmpi ne, %convert_element_type3A_97, %cond3A_98 : i32
      scf.if %cond3A_99 {
        %sub3A = arith.constant 2 : i32
        %sub3A_147 = arith.subi %add3A_94, %sub3A : i32
        %dma_wait3A_148 = arith.constant 0 : i32
        %dma_wait3A_149 = tpu.memref_slice %arg7[%sub3A_147, %dma_wait3A_148] : memref<80x128xi32, #tpu.memory_space<vmem>> -> memref<1x128xi32, #tpu.memory_space<vmem>>
        %dma_wait3A_150 = tpu.memref_squeeze %dma_wait3A_149 : memref<1x128xi32, #tpu.memory_space<vmem>> -> memref<128xi32, #tpu.memory_space<vmem>>
        %dma_wait3A_151 = arith.constant 0 : i32
        %dma_wait3A_152 = arith.constant 0 : i32
        %dma_wait3A_153 = tpu.memref_slice %arg13[%dma_wait3A_151, %dma_wait3A_152] : memref<10112x16xf32, #tpu.memory_space<vmem_shared>> -> memref<10112x16xf32, #tpu.memory_space<vmem_shared>>
        tpu.wait_indirect_dma semaphore(%arg18 : memref<!tpu.dma_semaphore, #tpu.memory_space<semaphore_mem>>) src(%arg8 : memref<128x16xf32, #tpu.memory_space<vmem>>) dst(%dma_wait3A_153 : memref<10112x16xf32, #tpu.memory_space<vmem_shared>>)
      } else {
      }
      %add3A_100 = arith.constant 2 : i32
      %add3A_101 = arith.addi %add3A_94, %add3A_100 : i32
      %lt3A_102 = arith.constant 80 : i32
      %lt3A_103 = arith.cmpi slt, %add3A_101, %lt3A_102 : i32
      %convert_element_type3A_104 = arith.extui %lt3A_103 : i1 to i32
      %cond3A_105 = arith.constant 0 : i32
      %cond3A_106 = arith.cmpi ne, %convert_element_type3A_104, %cond3A_105 : i32
      scf.if %cond3A_106 {
        %add3A_147 = arith.constant 2 : i32
        %add3A_148 = arith.addi %add3A_94, %add3A_147 : i32
        %dma_start3A_149 = arith.constant 0 : i32
        %dma_start3A_150 = tpu.memref_slice %arg6[%add3A_148, %dma_start3A_149] : memref<80x128xi32, #tpu.memory_space<vmem>> -> memref<1x128xi32, #tpu.memory_space<vmem>>
        %dma_start3A_151 = tpu.memref_squeeze %dma_start3A_150 : memref<1x128xi32, #tpu.memory_space<vmem>> -> memref<128xi32, #tpu.memory_space<vmem>>
        %dma_start3A_152 = arith.constant 0 : i32
        %dma_start3A_153 = arith.constant 0 : i32
        %dma_start3A_154 = tpu.memref_slice %arg12[%dma_start3A_152, %dma_start3A_153] : memref<10112x16xf32, #tpu.memory_space<vmem_shared>> -> memref<10112x16xf32, #tpu.memory_space<vmem_shared>>
        tpu.enqueue_indirect_dma source(%dma_start3A_154 : memref<10112x16xf32, #tpu.memory_space<vmem_shared>>) target(%arg8 : memref<128x16xf32, #tpu.memory_space<vmem>>) offsets(%dma_start3A_151 : memref<128xi32, #tpu.memory_space<vmem>>) semaphore(%arg14 : memref<!tpu.dma_semaphore, #tpu.memory_space<semaphore_mem>>)
      } else {
      }
      %dma_wait3A_107 = arith.constant 0 : i32
      %dma_wait3A_108 = tpu.memref_slice %arg6[%add3A_94, %dma_wait3A_107] : memref<80x128xi32, #tpu.memory_space<vmem>> -> memref<1x128xi32, #tpu.memory_space<vmem>>
      %dma_wait3A_109 = tpu.memref_squeeze %dma_wait3A_108 : memref<1x128xi32, #tpu.memory_space<vmem>> -> memref<128xi32, #tpu.memory_space<vmem>>
      %dma_wait3A_110 = arith.constant 0 : i32
      %dma_wait3A_111 = arith.constant 0 : i32
      %dma_wait3A_112 = tpu.memref_slice %arg12[%dma_wait3A_110, %dma_wait3A_111] : memref<10112x16xf32, #tpu.memory_space<vmem_shared>> -> memref<10112x16xf32, #tpu.memory_space<vmem_shared>>
      tpu.wait_indirect_dma semaphore(%arg16 : memref<!tpu.dma_semaphore, #tpu.memory_space<semaphore_mem>>) src(%dma_wait3A_112 : memref<10112x16xf32, #tpu.memory_space<vmem_shared>>) dst(%arg10 : memref<128x16xf32, #tpu.memory_space<vmem>>)
      %dma_start3A_113 = arith.constant 0 : i32
      %dma_start3A_114 = tpu.memref_slice %arg7[%add3A_94, %dma_start3A_113] : memref<80x128xi32, #tpu.memory_space<vmem>> -> memref<1x128xi32, #tpu.memory_space<vmem>>
      %dma_start3A_115 = tpu.memref_squeeze %dma_start3A_114 : memref<1x128xi32, #tpu.memory_space<vmem>> -> memref<128xi32, #tpu.memory_space<vmem>>
      %dma_start3A_116 = arith.constant 0 : i32
      %dma_start3A_117 = arith.constant 0 : i32
      %dma_start3A_118 = tpu.memref_slice %arg13[%dma_start3A_116, %dma_start3A_117] : memref<10112x16xf32, #tpu.memory_space<vmem_shared>> -> memref<10112x16xf32, #tpu.memory_space<vmem_shared>>
      tpu.enqueue_indirect_dma source(%arg10 : memref<128x16xf32, #tpu.memory_space<vmem>>) target(%dma_start3A_118 : memref<10112x16xf32, #tpu.memory_space<vmem_shared>>) offsets(%dma_start3A_115 : memref<128xi32, #tpu.memory_space<vmem>>) semaphore(%arg20 : memref<!tpu.dma_semaphore, #tpu.memory_space<semaphore_mem>>) {add = true}
      %mul3A_119 = arith.constant 4 : i32
      %mul3A_120 = arith.muli %scan3A_38, %mul3A_119 : i32
      %add3A_121 = arith.constant 3 : i32
      %add3A_122 = arith.addi %mul3A_120, %add3A_121 : i32
      %ge3A_123 = arith.constant 2 : i32
      %ge3A_124 = arith.cmpi sge, %add3A_122, %ge3A_123 : i32
      %convert_element_type3A_125 = arith.extui %ge3A_124 : i1 to i32
      %cond3A_126 = arith.constant 0 : i32
      %cond3A_127 = arith.cmpi ne, %convert_element_type3A_125, %cond3A_126 : i32
      scf.if %cond3A_127 {
        %sub3A = arith.constant 2 : i32
        %sub3A_147 = arith.subi %add3A_122, %sub3A : i32
        %dma_wait3A_148 = arith.constant 0 : i32
        %dma_wait3A_149 = tpu.memref_slice %arg7[%sub3A_147, %dma_wait3A_148] : memref<80x128xi32, #tpu.memory_space<vmem>> -> memref<1x128xi32, #tpu.memory_space<vmem>>
        %dma_wait3A_150 = tpu.memref_squeeze %dma_wait3A_149 : memref<1x128xi32, #tpu.memory_space<vmem>> -> memref<128xi32, #tpu.memory_space<vmem>>
        %dma_wait3A_151 = arith.constant 0 : i32
        %dma_wait3A_152 = arith.constant 0 : i32
        %dma_wait3A_153 = tpu.memref_slice %arg13[%dma_wait3A_151, %dma_wait3A_152] : memref<10112x16xf32, #tpu.memory_space<vmem_shared>> -> memref<10112x16xf32, #tpu.memory_space<vmem_shared>>
        tpu.wait_indirect_dma semaphore(%arg19 : memref<!tpu.dma_semaphore, #tpu.memory_space<semaphore_mem>>) src(%arg9 : memref<128x16xf32, #tpu.memory_space<vmem>>) dst(%dma_wait3A_153 : memref<10112x16xf32, #tpu.memory_space<vmem_shared>>)
      } else {
      }
      %add3A_128 = arith.constant 2 : i32
      %add3A_129 = arith.addi %add3A_122, %add3A_128 : i32
      %lt3A_130 = arith.constant 80 : i32
      %lt3A_131 = arith.cmpi slt, %add3A_129, %lt3A_130 : i32
      %convert_element_type3A_132 = arith.extui %lt3A_131 : i1 to i32
      %cond3A_133 = arith.constant 0 : i32
      %cond3A_134 = arith.cmpi ne, %convert_element_type3A_132, %cond3A_133 : i32
      scf.if %cond3A_134 {
        %add3A_147 = arith.constant 2 : i32
        %add3A_148 = arith.addi %add3A_122, %add3A_147 : i32
        %dma_start3A_149 = arith.constant 0 : i32
        %dma_start3A_150 = tpu.memref_slice %arg6[%add3A_148, %dma_start3A_149] : memref<80x128xi32, #tpu.memory_space<vmem>> -> memref<1x128xi32, #tpu.memory_space<vmem>>
        %dma_start3A_151 = tpu.memref_squeeze %dma_start3A_150 : memref<1x128xi32, #tpu.memory_space<vmem>> -> memref<128xi32, #tpu.memory_space<vmem>>
        %dma_start3A_152 = arith.constant 0 : i32
        %dma_start3A_153 = arith.constant 0 : i32
        %dma_start3A_154 = tpu.memref_slice %arg12[%dma_start3A_152, %dma_start3A_153] : memref<10112x16xf32, #tpu.memory_space<vmem_shared>> -> memref<10112x16xf32, #tpu.memory_space<vmem_shared>>
        tpu.enqueue_indirect_dma source(%dma_start3A_154 : memref<10112x16xf32, #tpu.memory_space<vmem_shared>>) target(%arg9 : memref<128x16xf32, #tpu.memory_space<vmem>>) offsets(%dma_start3A_151 : memref<128xi32, #tpu.memory_space<vmem>>) semaphore(%arg15 : memref<!tpu.dma_semaphore, #tpu.memory_space<semaphore_mem>>)
      } else {
      }
      %dma_wait3A_135 = arith.constant 0 : i32
      %dma_wait3A_136 = tpu.memref_slice %arg6[%add3A_122, %dma_wait3A_135] : memref<80x128xi32, #tpu.memory_space<vmem>> -> memref<1x128xi32, #tpu.memory_space<vmem>>
      %dma_wait3A_137 = tpu.memref_squeeze %dma_wait3A_136 : memref<1x128xi32, #tpu.memory_space<vmem>> -> memref<128xi32, #tpu.memory_space<vmem>>
      %dma_wait3A_138 = arith.constant 0 : i32
      %dma_wait3A_139 = arith.constant 0 : i32
      %dma_wait3A_140 = tpu.memref_slice %arg12[%dma_wait3A_138, %dma_wait3A_139] : memref<10112x16xf32, #tpu.memory_space<vmem_shared>> -> memref<10112x16xf32, #tpu.memory_space<vmem_shared>>
      tpu.wait_indirect_dma semaphore(%arg17 : memref<!tpu.dma_semaphore, #tpu.memory_space<semaphore_mem>>) src(%dma_wait3A_140 : memref<10112x16xf32, #tpu.memory_space<vmem_shared>>) dst(%arg11 : memref<128x16xf32, #tpu.memory_space<vmem>>)
      %dma_start3A_141 = arith.constant 0 : i32
      %dma_start3A_142 = tpu.memref_slice %arg7[%add3A_122, %dma_start3A_141] : memref<80x128xi32, #tpu.memory_space<vmem>> -> memref<1x128xi32, #tpu.memory_space<vmem>>
      %dma_start3A_143 = tpu.memref_squeeze %dma_start3A_142 : memref<1x128xi32, #tpu.memory_space<vmem>> -> memref<128xi32, #tpu.memory_space<vmem>>
      %dma_start3A_144 = arith.constant 0 : i32
      %dma_start3A_145 = arith.constant 0 : i32
      %dma_start3A_146 = tpu.memref_slice %arg13[%dma_start3A_144, %dma_start3A_145] : memref<10112x16xf32, #tpu.memory_space<vmem_shared>> -> memref<10112x16xf32, #tpu.memory_space<vmem_shared>>
      tpu.enqueue_indirect_dma source(%arg11 : memref<128x16xf32, #tpu.memory_space<vmem>>) target(%dma_start3A_146 : memref<10112x16xf32, #tpu.memory_space<vmem_shared>>) offsets(%dma_start3A_143 : memref<128xi32, #tpu.memory_space<vmem>>) semaphore(%arg21 : memref<!tpu.dma_semaphore, #tpu.memory_space<semaphore_mem>>) {add = true}
    }
    %scan3A_23 = arith.constant 20 : i32
    %dma_wait3A = arith.constant 78 : i32
    %dma_wait3A_24 = arith.constant 0 : i32
    %dma_wait3A_25 = tpu.memref_slice %arg7[%dma_wait3A, %dma_wait3A_24] : memref<80x128xi32, #tpu.memory_space<vmem>> -> memref<1x128xi32, #tpu.memory_space<vmem>>
    %dma_wait3A_26 = tpu.memref_squeeze %dma_wait3A_25 : memref<1x128xi32, #tpu.memory_space<vmem>> -> memref<128xi32, #tpu.memory_space<vmem>>
    %dma_wait3A_27 = arith.constant 0 : i32
    %dma_wait3A_28 = arith.constant 0 : i32
    %dma_wait3A_29 = tpu.memref_slice %arg13[%dma_wait3A_27, %dma_wait3A_28] : memref<10112x16xf32, #tpu.memory_space<vmem_shared>> -> memref<10112x16xf32, #tpu.memory_space<vmem_shared>>
    tpu.wait_indirect_dma semaphore(%arg20 : memref<!tpu.dma_semaphore, #tpu.memory_space<semaphore_mem>>) src(%arg10 : memref<128x16xf32, #tpu.memory_space<vmem>>) dst(%dma_wait3A_29 : memref<10112x16xf32, #tpu.memory_space<vmem_shared>>)
    %dma_wait3A_30 = arith.constant 79 : i32
    %dma_wait3A_31 = arith.constant 0 : i32
    %dma_wait3A_32 = tpu.memref_slice %arg7[%dma_wait3A_30, %dma_wait3A_31] : memref<80x128xi32, #tpu.memory_space<vmem>> -> memref<1x128xi32, #tpu.memory_space<vmem>>
    %dma_wait3A_33 = tpu.memref_squeeze %dma_wait3A_32 : memref<1x128xi32, #tpu.memory_space<vmem>> -> memref<128xi32, #tpu.memory_space<vmem>>
    %dma_wait3A_34 = arith.constant 0 : i32
    %dma_wait3A_35 = arith.constant 0 : i32
    %dma_wait3A_36 = tpu.memref_slice %arg13[%dma_wait3A_34, %dma_wait3A_35] : memref<10112x16xf32, #tpu.memory_space<vmem_shared>> -> memref<10112x16xf32, #tpu.memory_space<vmem_shared>>
    tpu.wait_indirect_dma semaphore(%arg21 : memref<!tpu.dma_semaphore, #tpu.memory_space<semaphore_mem>>) src(%arg11 : memref<128x16xf32, #tpu.memory_space<vmem>>) dst(%dma_wait3A_36 : memref<10112x16xf32, #tpu.memory_space<vmem_shared>>)
    %barrier3A_37 = arith.constant 0 : index
    tpu.barrier barrier_id(%barrier3A_37)
    "tpu.region"() ({
      %run_scoped3A_38 = tpu.sem_alloc : memref<!tpu.dma_semaphore, #tpu.memory_space<semaphore_mem>>
      %dma_start3A_39 = arith.constant 0 : i32
      %dma_start3A_40 = tpu.memref_slice %arg5[%arg0, %mul3A_0, %dma_start3A_39] : memref<2x10112x16xf32, #tpu.memory_space<hbm>> -> memref<1x632x16xf32, #tpu.memory_space<hbm>>
      %dma_start3A_41 = tpu.memref_squeeze %dma_start3A_40 : memref<1x632x16xf32, #tpu.memory_space<hbm>> -> memref<632x16xf32, #tpu.memory_space<hbm>>
      %dma_start3A_42 = arith.constant 0 : i32
      %dma_start3A_43 = tpu.memref_slice %arg13[%mul3A_0, %dma_start3A_42] : memref<10112x16xf32, #tpu.memory_space<vmem_shared>> -> memref<632x16xf32, #tpu.memory_space<vmem_shared>>
      tpu.enqueue_dma source(%dma_start3A_43 : memref<632x16xf32, #tpu.memory_space<vmem_shared>>) target(%dma_start3A_41 : memref<632x16xf32, #tpu.memory_space<hbm>>) target_semaphore(%run_scoped3A_38 : memref<!tpu.dma_semaphore, #tpu.memory_space<semaphore_mem>>)
      %dma_wait3A_44 = arith.constant 0 : i32
      %dma_wait3A_45 = tpu.memref_slice %arg5[%arg0, %mul3A_0, %dma_wait3A_44] : memref<2x10112x16xf32, #tpu.memory_space<hbm>> -> memref<1x632x16xf32, #tpu.memory_space<hbm>>
      %dma_wait3A_46 = tpu.memref_squeeze %dma_wait3A_45 : memref<1x632x16xf32, #tpu.memory_space<hbm>> -> memref<632x16xf32, #tpu.memory_space<hbm>>
      %dma_wait3A_47 = arith.constant 0 : i32
      %dma_wait3A_48 = tpu.memref_slice %arg13[%mul3A_0, %dma_wait3A_47] : memref<10112x16xf32, #tpu.memory_space<vmem_shared>> -> memref<632x16xf32, #tpu.memory_space<vmem_shared>>
      tpu.wait_dma2 semaphore(%run_scoped3A_38 : memref<!tpu.dma_semaphore, #tpu.memory_space<semaphore_mem>>) src(%dma_wait3A_48 : memref<632x16xf32, #tpu.memory_space<vmem_shared>>) dst(%dma_wait3A_46 : memref<632x16xf32, #tpu.memory_space<hbm>>)
      tpu.yield
    }) : () -> ()
    return
  }
}

#map = affine_map<(d0, d1) -> (0, 0, 0)>
#map1 = affine_map<(d0, d1) -> (0, 0)>
module attributes {stable_mosaic.version = 14 : i64} {
  func.func @spmm(%arg0: i32, %arg1: i32, %arg2: memref<2x10112x64xbf16, #tpu.memory_space<hbm>>, %arg3: memref<2x2560x128xi32, #tpu.memory_space<hbm>>, %arg4: memref<10112x64xbf16, #tpu.memory_space<hbm>>, %arg5: memref<2x10112x64xbf16, #tpu.memory_space<hbm>>, %arg6: memref<160x128xi32, #tpu.memory_space<vmem>>, %arg7: memref<160x128xi32, #tpu.memory_space<vmem>>, %arg8: memref<128x64xbf16, #tpu.memory_space<vmem>>, %arg9: memref<128x64xbf16, #tpu.memory_space<vmem>>, %arg10: memref<128x64xbf16, #tpu.memory_space<vmem>>, %arg11: memref<128x64xbf16, #tpu.memory_space<vmem>>, %arg12: memref<10112x64xbf16, #tpu.memory_space<vmem_shared>>, %arg13: memref<10112x64xbf16, #tpu.memory_space<vmem_shared>>, %arg14: memref<!tpu.dma_semaphore, #tpu.memory_space<semaphore_mem>>, %arg15: memref<!tpu.dma_semaphore, #tpu.memory_space<semaphore_mem>>, %arg16: memref<!tpu.dma_semaphore, #tpu.memory_space<semaphore_mem>>, %arg17: memref<!tpu.dma_semaphore, #tpu.memory_space<semaphore_mem>>, %arg18: memref<!tpu.dma_semaphore, #tpu.memory_space<semaphore_mem>>, %arg19: memref<!tpu.dma_semaphore, #tpu.memory_space<semaphore_mem>>, %arg20: memref<!tpu.dma_semaphore, #tpu.memory_space<semaphore_mem>>, %arg21: memref<!tpu.dma_semaphore, #tpu.memory_space<semaphore_mem>>) attributes {dimension_semantics = [#tpu.dimension_semantics<core_parallel>, #tpu.dimension_semantics<subcore_parallel>], iteration_bounds = array<i64: 2, 16>, scalar_prefetch = 0 : i64, scratch_operands = 16 : i64, tpu.core_type = #tpu.core_type<sc_vector_subcore>, window_params = [{transform_indices = #map}, {transform_indices = #map}, {transform_indices = #map1}, {transform_indices = #map}]} {
    %mul3A = arith.constant 632 : i32
    %mul3A_0 = arith.muli %arg1, %mul3A : i32
    %mul3A_1 = arith.constant 160 : i32
    %mul3A_2 = arith.muli %arg1, %mul3A_1 : i32
    "tpu.region"() ({
      %run_scoped3A_36 = tpu.sem_alloc : memref<!tpu.dma_semaphore, #tpu.memory_space<semaphore_mem>>
      %dma_start3A_37 = arith.constant 0 : i32
      %dma_start3A_38 = tpu.memref_slice %arg13[%mul3A_0, %dma_start3A_37] : memref<10112x64xbf16, #tpu.memory_space<vmem_shared>> -> memref<632x64xbf16, #tpu.memory_space<vmem_shared>>
      %dma_start3A_39 = arith.constant 0 : i32
      %dma_start3A_40 = tpu.memref_slice %arg4[%mul3A_0, %dma_start3A_39] : memref<10112x64xbf16, #tpu.memory_space<hbm>> -> memref<632x64xbf16, #tpu.memory_space<hbm>>
      tpu.enqueue_dma source(%dma_start3A_40 : memref<632x64xbf16, #tpu.memory_space<hbm>>) target(%dma_start3A_38 : memref<632x64xbf16, #tpu.memory_space<vmem_shared>>) target_semaphore(%run_scoped3A_36 : memref<!tpu.dma_semaphore, #tpu.memory_space<semaphore_mem>>)
      %dma_wait3A_41 = arith.constant 0 : i32
      %dma_wait3A_42 = tpu.memref_slice %arg13[%mul3A_0, %dma_wait3A_41] : memref<10112x64xbf16, #tpu.memory_space<vmem_shared>> -> memref<632x64xbf16, #tpu.memory_space<vmem_shared>>
      %dma_wait3A_43 = arith.constant 0 : i32
      %dma_wait3A_44 = tpu.memref_slice %arg4[%mul3A_0, %dma_wait3A_43] : memref<10112x64xbf16, #tpu.memory_space<hbm>> -> memref<632x64xbf16, #tpu.memory_space<hbm>>
      tpu.wait_dma2 semaphore(%run_scoped3A_36 : memref<!tpu.dma_semaphore, #tpu.memory_space<semaphore_mem>>) src(%dma_wait3A_44 : memref<632x64xbf16, #tpu.memory_space<hbm>>) dst(%dma_wait3A_42 : memref<632x64xbf16, #tpu.memory_space<vmem_shared>>)
      tpu.yield
    }) : () -> ()
    "tpu.region"() ({
      %run_scoped3A_36 = tpu.sem_alloc : memref<!tpu.dma_semaphore, #tpu.memory_space<semaphore_mem>>
      %dma_start3A_37 = arith.constant 0 : i32
      %dma_start3A_38 = tpu.memref_slice %arg12[%mul3A_0, %dma_start3A_37] : memref<10112x64xbf16, #tpu.memory_space<vmem_shared>> -> memref<632x64xbf16, #tpu.memory_space<vmem_shared>>
      %dma_start3A_39 = arith.constant 0 : i32
      %dma_start3A_40 = arith.constant 0 : i32
      %dma_start3A_41 = tpu.memref_slice %arg2[%arg0, %dma_start3A_39, %dma_start3A_40] : memref<2x10112x64xbf16, #tpu.memory_space<hbm>> -> memref<1x10112x64xbf16, #tpu.memory_space<hbm>>
      %dma_start3A_42 = tpu.memref_squeeze %dma_start3A_41 : memref<1x10112x64xbf16, #tpu.memory_space<hbm>> -> memref<10112x64xbf16, #tpu.memory_space<hbm>>
      %dma_start3A_43 = arith.constant 0 : i32
      %dma_start3A_44 = tpu.memref_slice %dma_start3A_42[%mul3A_0, %dma_start3A_43] : memref<10112x64xbf16, #tpu.memory_space<hbm>> -> memref<632x64xbf16, #tpu.memory_space<hbm>>
      tpu.enqueue_dma source(%dma_start3A_44 : memref<632x64xbf16, #tpu.memory_space<hbm>>) target(%dma_start3A_38 : memref<632x64xbf16, #tpu.memory_space<vmem_shared>>) target_semaphore(%run_scoped3A_36 : memref<!tpu.dma_semaphore, #tpu.memory_space<semaphore_mem>>)
      %dma_wait3A_45 = arith.constant 0 : i32
      %dma_wait3A_46 = tpu.memref_slice %arg12[%mul3A_0, %dma_wait3A_45] : memref<10112x64xbf16, #tpu.memory_space<vmem_shared>> -> memref<632x64xbf16, #tpu.memory_space<vmem_shared>>
      %dma_wait3A_47 = arith.constant 0 : i32
      %dma_wait3A_48 = arith.constant 0 : i32
      %dma_wait3A_49 = tpu.memref_slice %arg2[%arg0, %dma_wait3A_47, %dma_wait3A_48] : memref<2x10112x64xbf16, #tpu.memory_space<hbm>> -> memref<1x10112x64xbf16, #tpu.memory_space<hbm>>
      %dma_wait3A_50 = tpu.memref_squeeze %dma_wait3A_49 : memref<1x10112x64xbf16, #tpu.memory_space<hbm>> -> memref<10112x64xbf16, #tpu.memory_space<hbm>>
      %dma_wait3A_51 = arith.constant 0 : i32
      %dma_wait3A_52 = tpu.memref_slice %dma_wait3A_50[%mul3A_0, %dma_wait3A_51] : memref<10112x64xbf16, #tpu.memory_space<hbm>> -> memref<632x64xbf16, #tpu.memory_space<hbm>>
      tpu.wait_dma2 semaphore(%run_scoped3A_36 : memref<!tpu.dma_semaphore, #tpu.memory_space<semaphore_mem>>) src(%dma_wait3A_52 : memref<632x64xbf16, #tpu.memory_space<hbm>>) dst(%dma_wait3A_46 : memref<632x64xbf16, #tpu.memory_space<vmem_shared>>)
      tpu.yield
    }) : () -> ()
    %run_scoped3A = arith.constant 0 : i32
    "tpu.region"() ({
      %run_scoped3A_36 = tpu.sem_alloc : memref<!tpu.dma_semaphore, #tpu.memory_space<semaphore_mem>>
      %dma_start3A_37 = arith.constant 0 : i32
      %dma_start3A_38 = tpu.memref_slice %arg3[%run_scoped3A, %mul3A_2, %dma_start3A_37] : memref<2x2560x128xi32, #tpu.memory_space<hbm>> -> memref<1x160x128xi32, #tpu.memory_space<hbm>>
      %dma_start3A_39 = tpu.memref_squeeze %dma_start3A_38 : memref<1x160x128xi32, #tpu.memory_space<hbm>> -> memref<160x128xi32, #tpu.memory_space<hbm>>
      %dma_start3A_40 = arith.constant 0 : i32
      %dma_start3A_41 = tpu.memref_slice %arg3[%run_scoped3A, %mul3A_2, %dma_start3A_40] : memref<2x2560x128xi32, #tpu.memory_space<hbm>> -> memref<1x160x128xi32, #tpu.memory_space<hbm>>
      %dma_start3A_42 = tpu.memref_squeeze %dma_start3A_41 : memref<1x160x128xi32, #tpu.memory_space<hbm>> -> memref<160x128xi32, #tpu.memory_space<hbm>>
      tpu.enqueue_dma source(%dma_start3A_42 : memref<160x128xi32, #tpu.memory_space<hbm>>) target(%arg6 : memref<160x128xi32, #tpu.memory_space<vmem>>) target_semaphore(%run_scoped3A_36 : memref<!tpu.dma_semaphore, #tpu.memory_space<semaphore_mem>>)
      %dma_wait3A_43 = arith.constant 0 : i32
      %dma_wait3A_44 = tpu.memref_slice %arg3[%run_scoped3A, %mul3A_2, %dma_wait3A_43] : memref<2x2560x128xi32, #tpu.memory_space<hbm>> -> memref<1x160x128xi32, #tpu.memory_space<hbm>>
      %dma_wait3A_45 = tpu.memref_squeeze %dma_wait3A_44 : memref<1x160x128xi32, #tpu.memory_space<hbm>> -> memref<160x128xi32, #tpu.memory_space<hbm>>
      %dma_wait3A_46 = arith.constant 0 : i32
      %dma_wait3A_47 = tpu.memref_slice %arg3[%run_scoped3A, %mul3A_2, %dma_wait3A_46] : memref<2x2560x128xi32, #tpu.memory_space<hbm>> -> memref<1x160x128xi32, #tpu.memory_space<hbm>>
      %dma_wait3A_48 = tpu.memref_squeeze %dma_wait3A_47 : memref<1x160x128xi32, #tpu.memory_space<hbm>> -> memref<160x128xi32, #tpu.memory_space<hbm>>
      tpu.wait_dma2 semaphore(%run_scoped3A_36 : memref<!tpu.dma_semaphore, #tpu.memory_space<semaphore_mem>>) src(%dma_wait3A_48 : memref<160x128xi32, #tpu.memory_space<hbm>>) dst(%arg6 : memref<160x128xi32, #tpu.memory_space<vmem>>)
      tpu.yield
    }) : () -> ()
    %run_scoped3A_3 = arith.constant 1 : i32
    "tpu.region"() ({
      %run_scoped3A_36 = tpu.sem_alloc : memref<!tpu.dma_semaphore, #tpu.memory_space<semaphore_mem>>
      %dma_start3A_37 = arith.constant 0 : i32
      %dma_start3A_38 = tpu.memref_slice %arg3[%run_scoped3A_3, %mul3A_2, %dma_start3A_37] : memref<2x2560x128xi32, #tpu.memory_space<hbm>> -> memref<1x160x128xi32, #tpu.memory_space<hbm>>
      %dma_start3A_39 = tpu.memref_squeeze %dma_start3A_38 : memref<1x160x128xi32, #tpu.memory_space<hbm>> -> memref<160x128xi32, #tpu.memory_space<hbm>>
      %dma_start3A_40 = arith.constant 0 : i32
      %dma_start3A_41 = tpu.memref_slice %arg3[%run_scoped3A_3, %mul3A_2, %dma_start3A_40] : memref<2x2560x128xi32, #tpu.memory_space<hbm>> -> memref<1x160x128xi32, #tpu.memory_space<hbm>>
      %dma_start3A_42 = tpu.memref_squeeze %dma_start3A_41 : memref<1x160x128xi32, #tpu.memory_space<hbm>> -> memref<160x128xi32, #tpu.memory_space<hbm>>
      tpu.enqueue_dma source(%dma_start3A_42 : memref<160x128xi32, #tpu.memory_space<hbm>>) target(%arg7 : memref<160x128xi32, #tpu.memory_space<vmem>>) target_semaphore(%run_scoped3A_36 : memref<!tpu.dma_semaphore, #tpu.memory_space<semaphore_mem>>)
      %dma_wait3A_43 = arith.constant 0 : i32
      %dma_wait3A_44 = tpu.memref_slice %arg3[%run_scoped3A_3, %mul3A_2, %dma_wait3A_43] : memref<2x2560x128xi32, #tpu.memory_space<hbm>> -> memref<1x160x128xi32, #tpu.memory_space<hbm>>
      %dma_wait3A_45 = tpu.memref_squeeze %dma_wait3A_44 : memref<1x160x128xi32, #tpu.memory_space<hbm>> -> memref<160x128xi32, #tpu.memory_space<hbm>>
      %dma_wait3A_46 = arith.constant 0 : i32
      %dma_wait3A_47 = tpu.memref_slice %arg3[%run_scoped3A_3, %mul3A_2, %dma_wait3A_46] : memref<2x2560x128xi32, #tpu.memory_space<hbm>> -> memref<1x160x128xi32, #tpu.memory_space<hbm>>
      %dma_wait3A_48 = tpu.memref_squeeze %dma_wait3A_47 : memref<1x160x128xi32, #tpu.memory_space<hbm>> -> memref<160x128xi32, #tpu.memory_space<hbm>>
      tpu.wait_dma2 semaphore(%run_scoped3A_36 : memref<!tpu.dma_semaphore, #tpu.memory_space<semaphore_mem>>) src(%dma_wait3A_48 : memref<160x128xi32, #tpu.memory_space<hbm>>) dst(%arg7 : memref<160x128xi32, #tpu.memory_space<vmem>>)
      tpu.yield
    }) : () -> ()
    %barrier3A = arith.constant 0 : index
    tpu.barrier barrier_id(%barrier3A)
    %dma_start3A = arith.constant 0 : i32
    %dma_start3A_4 = arith.constant 0 : i32
    %dma_start3A_5 = tpu.memref_slice %arg6[%dma_start3A, %dma_start3A_4] : memref<160x128xi32, #tpu.memory_space<vmem>> -> memref<1x128xi32, #tpu.memory_space<vmem>>
    %dma_start3A_6 = tpu.memref_squeeze %dma_start3A_5 : memref<1x128xi32, #tpu.memory_space<vmem>> -> memref<128xi32, #tpu.memory_space<vmem>>
    %dma_start3A_7 = arith.constant 0 : i32
    %dma_start3A_8 = arith.constant 0 : i32
    %dma_start3A_9 = tpu.memref_slice %arg12[%dma_start3A_7, %dma_start3A_8] : memref<10112x64xbf16, #tpu.memory_space<vmem_shared>> -> memref<10112x64xbf16, #tpu.memory_space<vmem_shared>>
    tpu.enqueue_indirect_dma source(%dma_start3A_9 : memref<10112x64xbf16, #tpu.memory_space<vmem_shared>>) target(%arg8 : memref<128x64xbf16, #tpu.memory_space<vmem>>) offsets(%dma_start3A_6 : memref<128xi32, #tpu.memory_space<vmem>>) semaphore(%arg14 : memref<!tpu.dma_semaphore, #tpu.memory_space<semaphore_mem>>)
    %dma_start3A_10 = arith.constant 1 : i32
    %dma_start3A_11 = arith.constant 0 : i32
    %dma_start3A_12 = tpu.memref_slice %arg6[%dma_start3A_10, %dma_start3A_11] : memref<160x128xi32, #tpu.memory_space<vmem>> -> memref<1x128xi32, #tpu.memory_space<vmem>>
    %dma_start3A_13 = tpu.memref_squeeze %dma_start3A_12 : memref<1x128xi32, #tpu.memory_space<vmem>> -> memref<128xi32, #tpu.memory_space<vmem>>
    %dma_start3A_14 = arith.constant 0 : i32
    %dma_start3A_15 = arith.constant 0 : i32
    %dma_start3A_16 = tpu.memref_slice %arg12[%dma_start3A_14, %dma_start3A_15] : memref<10112x64xbf16, #tpu.memory_space<vmem_shared>> -> memref<10112x64xbf16, #tpu.memory_space<vmem_shared>>
    tpu.enqueue_indirect_dma source(%dma_start3A_16 : memref<10112x64xbf16, #tpu.memory_space<vmem_shared>>) target(%arg9 : memref<128x64xbf16, #tpu.memory_space<vmem>>) offsets(%dma_start3A_13 : memref<128xi32, #tpu.memory_space<vmem>>) semaphore(%arg15 : memref<!tpu.dma_semaphore, #tpu.memory_space<semaphore_mem>>)
    %scan3A = arith.constant 0 : i32
    %scan3A_17 = arith.constant 0 : i32
    %scan3A_18 = arith.constant 40 : i32
    %scan3A_19 = arith.addi %scan3A_17, %scan3A_18 : i32
    %scan3A_20 = arith.constant 1 : i32
    scf.for %scan3A_36 = %scan3A_17 to %scan3A_19 step %scan3A_20  : i32 {
      %mul3A_37 = arith.constant 4 : i32
      %mul3A_38 = arith.muli %scan3A_36, %mul3A_37 : i32
      %add3A = arith.constant 0 : i32
      %add3A_39 = arith.addi %mul3A_38, %add3A : i32
      %ge3A = arith.constant 2 : i32
      %ge3A_40 = arith.cmpi sge, %add3A_39, %ge3A : i32
      %convert_element_type3A = arith.extui %ge3A_40 : i1 to i32
      %cond3A = arith.constant 0 : i32
      %cond3A_41 = arith.cmpi ne, %convert_element_type3A, %cond3A : i32
      scf.if %cond3A_41 {
        %sub3A = arith.constant 2 : i32
        %sub3A_144 = arith.subi %add3A_39, %sub3A : i32
        %dma_wait3A_145 = arith.constant 0 : i32
        %dma_wait3A_146 = tpu.memref_slice %arg7[%sub3A_144, %dma_wait3A_145] : memref<160x128xi32, #tpu.memory_space<vmem>> -> memref<1x128xi32, #tpu.memory_space<vmem>>
        %dma_wait3A_147 = tpu.memref_squeeze %dma_wait3A_146 : memref<1x128xi32, #tpu.memory_space<vmem>> -> memref<128xi32, #tpu.memory_space<vmem>>
        %dma_wait3A_148 = arith.constant 0 : i32
        %dma_wait3A_149 = arith.constant 0 : i32
        %dma_wait3A_150 = tpu.memref_slice %arg13[%dma_wait3A_148, %dma_wait3A_149] : memref<10112x64xbf16, #tpu.memory_space<vmem_shared>> -> memref<10112x64xbf16, #tpu.memory_space<vmem_shared>>
        tpu.wait_indirect_dma semaphore(%arg20 : memref<!tpu.dma_semaphore, #tpu.memory_space<semaphore_mem>>) src(%arg10 : memref<128x64xbf16, #tpu.memory_space<vmem>>) dst(%dma_wait3A_150 : memref<10112x64xbf16, #tpu.memory_space<vmem_shared>>)
      } else {
      }
      %add3A_42 = arith.constant 2 : i32
      %add3A_43 = arith.addi %add3A_39, %add3A_42 : i32
      %lt3A = arith.constant 160 : i32
      %lt3A_44 = arith.cmpi slt, %add3A_43, %lt3A : i32
      %convert_element_type3A_45 = arith.extui %lt3A_44 : i1 to i32
      %cond3A_46 = arith.constant 0 : i32
      %cond3A_47 = arith.cmpi ne, %convert_element_type3A_45, %cond3A_46 : i32
      scf.if %cond3A_47 {
        %add3A_144 = arith.constant 2 : i32
        %add3A_145 = arith.addi %add3A_39, %add3A_144 : i32
        %dma_start3A_146 = arith.constant 0 : i32
        %dma_start3A_147 = tpu.memref_slice %arg6[%add3A_145, %dma_start3A_146] : memref<160x128xi32, #tpu.memory_space<vmem>> -> memref<1x128xi32, #tpu.memory_space<vmem>>
        %dma_start3A_148 = tpu.memref_squeeze %dma_start3A_147 : memref<1x128xi32, #tpu.memory_space<vmem>> -> memref<128xi32, #tpu.memory_space<vmem>>
        %dma_start3A_149 = arith.constant 0 : i32
        %dma_start3A_150 = arith.constant 0 : i32
        %dma_start3A_151 = tpu.memref_slice %arg12[%dma_start3A_149, %dma_start3A_150] : memref<10112x64xbf16, #tpu.memory_space<vmem_shared>> -> memref<10112x64xbf16, #tpu.memory_space<vmem_shared>>
        tpu.enqueue_indirect_dma source(%dma_start3A_151 : memref<10112x64xbf16, #tpu.memory_space<vmem_shared>>) target(%arg10 : memref<128x64xbf16, #tpu.memory_space<vmem>>) offsets(%dma_start3A_148 : memref<128xi32, #tpu.memory_space<vmem>>) semaphore(%arg16 : memref<!tpu.dma_semaphore, #tpu.memory_space<semaphore_mem>>)
      } else {
      }
      %dma_wait3A_48 = arith.constant 0 : i32
      %dma_wait3A_49 = tpu.memref_slice %arg6[%add3A_39, %dma_wait3A_48] : memref<160x128xi32, #tpu.memory_space<vmem>> -> memref<1x128xi32, #tpu.memory_space<vmem>>
      %dma_wait3A_50 = tpu.memref_squeeze %dma_wait3A_49 : memref<1x128xi32, #tpu.memory_space<vmem>> -> memref<128xi32, #tpu.memory_space<vmem>>
      %dma_wait3A_51 = arith.constant 0 : i32
      %dma_wait3A_52 = arith.constant 0 : i32
      %dma_wait3A_53 = tpu.memref_slice %arg12[%dma_wait3A_51, %dma_wait3A_52] : memref<10112x64xbf16, #tpu.memory_space<vmem_shared>> -> memref<10112x64xbf16, #tpu.memory_space<vmem_shared>>
      tpu.wait_indirect_dma semaphore(%arg14 : memref<!tpu.dma_semaphore, #tpu.memory_space<semaphore_mem>>) src(%dma_wait3A_53 : memref<10112x64xbf16, #tpu.memory_space<vmem_shared>>) dst(%arg8 : memref<128x64xbf16, #tpu.memory_space<vmem>>)
      %dma_start3A_54 = arith.constant 0 : i32
      %dma_start3A_55 = tpu.memref_slice %arg7[%add3A_39, %dma_start3A_54] : memref<160x128xi32, #tpu.memory_space<vmem>> -> memref<1x128xi32, #tpu.memory_space<vmem>>
      %dma_start3A_56 = tpu.memref_squeeze %dma_start3A_55 : memref<1x128xi32, #tpu.memory_space<vmem>> -> memref<128xi32, #tpu.memory_space<vmem>>
      %dma_start3A_57 = arith.constant 0 : i32
      %dma_start3A_58 = arith.constant 0 : i32
      %dma_start3A_59 = tpu.memref_slice %arg13[%dma_start3A_57, %dma_start3A_58] : memref<10112x64xbf16, #tpu.memory_space<vmem_shared>> -> memref<10112x64xbf16, #tpu.memory_space<vmem_shared>>
      tpu.enqueue_indirect_dma source(%arg8 : memref<128x64xbf16, #tpu.memory_space<vmem>>) target(%dma_start3A_59 : memref<10112x64xbf16, #tpu.memory_space<vmem_shared>>) offsets(%dma_start3A_56 : memref<128xi32, #tpu.memory_space<vmem>>) semaphore(%arg18 : memref<!tpu.dma_semaphore, #tpu.memory_space<semaphore_mem>>) {add = true}
      %mul3A_60 = arith.constant 4 : i32
      %mul3A_61 = arith.muli %scan3A_36, %mul3A_60 : i32
      %add3A_62 = arith.constant 1 : i32
      %add3A_63 = arith.addi %mul3A_61, %add3A_62 : i32
      %ge3A_64 = arith.constant 2 : i32
      %ge3A_65 = arith.cmpi sge, %add3A_63, %ge3A_64 : i32
      %convert_element_type3A_66 = arith.extui %ge3A_65 : i1 to i32
      %cond3A_67 = arith.constant 0 : i32
      %cond3A_68 = arith.cmpi ne, %convert_element_type3A_66, %cond3A_67 : i32
      scf.if %cond3A_68 {
        %sub3A = arith.constant 2 : i32
        %sub3A_144 = arith.subi %add3A_63, %sub3A : i32
        %dma_wait3A_145 = arith.constant 0 : i32
        %dma_wait3A_146 = tpu.memref_slice %arg7[%sub3A_144, %dma_wait3A_145] : memref<160x128xi32, #tpu.memory_space<vmem>> -> memref<1x128xi32, #tpu.memory_space<vmem>>
        %dma_wait3A_147 = tpu.memref_squeeze %dma_wait3A_146 : memref<1x128xi32, #tpu.memory_space<vmem>> -> memref<128xi32, #tpu.memory_space<vmem>>
        %dma_wait3A_148 = arith.constant 0 : i32
        %dma_wait3A_149 = arith.constant 0 : i32
        %dma_wait3A_150 = tpu.memref_slice %arg13[%dma_wait3A_148, %dma_wait3A_149] : memref<10112x64xbf16, #tpu.memory_space<vmem_shared>> -> memref<10112x64xbf16, #tpu.memory_space<vmem_shared>>
        tpu.wait_indirect_dma semaphore(%arg21 : memref<!tpu.dma_semaphore, #tpu.memory_space<semaphore_mem>>) src(%arg11 : memref<128x64xbf16, #tpu.memory_space<vmem>>) dst(%dma_wait3A_150 : memref<10112x64xbf16, #tpu.memory_space<vmem_shared>>)
      } else {
      }
      %add3A_69 = arith.constant 2 : i32
      %add3A_70 = arith.addi %add3A_63, %add3A_69 : i32
      %lt3A_71 = arith.constant 160 : i32
      %lt3A_72 = arith.cmpi slt, %add3A_70, %lt3A_71 : i32
      %convert_element_type3A_73 = arith.extui %lt3A_72 : i1 to i32
      %cond3A_74 = arith.constant 0 : i32
      %cond3A_75 = arith.cmpi ne, %convert_element_type3A_73, %cond3A_74 : i32
      scf.if %cond3A_75 {
        %add3A_144 = arith.constant 2 : i32
        %add3A_145 = arith.addi %add3A_63, %add3A_144 : i32
        %dma_start3A_146 = arith.constant 0 : i32
        %dma_start3A_147 = tpu.memref_slice %arg6[%add3A_145, %dma_start3A_146] : memref<160x128xi32, #tpu.memory_space<vmem>> -> memref<1x128xi32, #tpu.memory_space<vmem>>
        %dma_start3A_148 = tpu.memref_squeeze %dma_start3A_147 : memref<1x128xi32, #tpu.memory_space<vmem>> -> memref<128xi32, #tpu.memory_space<vmem>>
        %dma_start3A_149 = arith.constant 0 : i32
        %dma_start3A_150 = arith.constant 0 : i32
        %dma_start3A_151 = tpu.memref_slice %arg12[%dma_start3A_149, %dma_start3A_150] : memref<10112x64xbf16, #tpu.memory_space<vmem_shared>> -> memref<10112x64xbf16, #tpu.memory_space<vmem_shared>>
        tpu.enqueue_indirect_dma source(%dma_start3A_151 : memref<10112x64xbf16, #tpu.memory_space<vmem_shared>>) target(%arg11 : memref<128x64xbf16, #tpu.memory_space<vmem>>) offsets(%dma_start3A_148 : memref<128xi32, #tpu.memory_space<vmem>>) semaphore(%arg17 : memref<!tpu.dma_semaphore, #tpu.memory_space<semaphore_mem>>)
      } else {
      }
      %dma_wait3A_76 = arith.constant 0 : i32
      %dma_wait3A_77 = tpu.memref_slice %arg6[%add3A_63, %dma_wait3A_76] : memref<160x128xi32, #tpu.memory_space<vmem>> -> memref<1x128xi32, #tpu.memory_space<vmem>>
      %dma_wait3A_78 = tpu.memref_squeeze %dma_wait3A_77 : memref<1x128xi32, #tpu.memory_space<vmem>> -> memref<128xi32, #tpu.memory_space<vmem>>
      %dma_wait3A_79 = arith.constant 0 : i32
      %dma_wait3A_80 = arith.constant 0 : i32
      %dma_wait3A_81 = tpu.memref_slice %arg12[%dma_wait3A_79, %dma_wait3A_80] : memref<10112x64xbf16, #tpu.memory_space<vmem_shared>> -> memref<10112x64xbf16, #tpu.memory_space<vmem_shared>>
      tpu.wait_indirect_dma semaphore(%arg15 : memref<!tpu.dma_semaphore, #tpu.memory_space<semaphore_mem>>) src(%dma_wait3A_81 : memref<10112x64xbf16, #tpu.memory_space<vmem_shared>>) dst(%arg9 : memref<128x64xbf16, #tpu.memory_space<vmem>>)
      %dma_start3A_82 = arith.constant 0 : i32
      %dma_start3A_83 = tpu.memref_slice %arg7[%add3A_63, %dma_start3A_82] : memref<160x128xi32, #tpu.memory_space<vmem>> -> memref<1x128xi32, #tpu.memory_space<vmem>>
      %dma_start3A_84 = tpu.memref_squeeze %dma_start3A_83 : memref<1x128xi32, #tpu.memory_space<vmem>> -> memref<128xi32, #tpu.memory_space<vmem>>
      %dma_start3A_85 = arith.constant 0 : i32
      %dma_start3A_86 = arith.constant 0 : i32
      %dma_start3A_87 = tpu.memref_slice %arg13[%dma_start3A_85, %dma_start3A_86] : memref<10112x64xbf16, #tpu.memory_space<vmem_shared>> -> memref<10112x64xbf16, #tpu.memory_space<vmem_shared>>
      tpu.enqueue_indirect_dma source(%arg9 : memref<128x64xbf16, #tpu.memory_space<vmem>>) target(%dma_start3A_87 : memref<10112x64xbf16, #tpu.memory_space<vmem_shared>>) offsets(%dma_start3A_84 : memref<128xi32, #tpu.memory_space<vmem>>) semaphore(%arg19 : memref<!tpu.dma_semaphore, #tpu.memory_space<semaphore_mem>>) {add = true}
      %mul3A_88 = arith.constant 4 : i32
      %mul3A_89 = arith.muli %scan3A_36, %mul3A_88 : i32
      %add3A_90 = arith.constant 2 : i32
      %add3A_91 = arith.addi %mul3A_89, %add3A_90 : i32
      %ge3A_92 = arith.constant 2 : i32
      %ge3A_93 = arith.cmpi sge, %add3A_91, %ge3A_92 : i32
      %convert_element_type3A_94 = arith.extui %ge3A_93 : i1 to i32
      %cond3A_95 = arith.constant 0 : i32
      %cond3A_96 = arith.cmpi ne, %convert_element_type3A_94, %cond3A_95 : i32
      scf.if %cond3A_96 {
        %sub3A = arith.constant 2 : i32
        %sub3A_144 = arith.subi %add3A_91, %sub3A : i32
        %dma_wait3A_145 = arith.constant 0 : i32
        %dma_wait3A_146 = tpu.memref_slice %arg7[%sub3A_144, %dma_wait3A_145] : memref<160x128xi32, #tpu.memory_space<vmem>> -> memref<1x128xi32, #tpu.memory_space<vmem>>
        %dma_wait3A_147 = tpu.memref_squeeze %dma_wait3A_146 : memref<1x128xi32, #tpu.memory_space<vmem>> -> memref<128xi32, #tpu.memory_space<vmem>>
        %dma_wait3A_148 = arith.constant 0 : i32
        %dma_wait3A_149 = arith.constant 0 : i32
        %dma_wait3A_150 = tpu.memref_slice %arg13[%dma_wait3A_148, %dma_wait3A_149] : memref<10112x64xbf16, #tpu.memory_space<vmem_shared>> -> memref<10112x64xbf16, #tpu.memory_space<vmem_shared>>
        tpu.wait_indirect_dma semaphore(%arg18 : memref<!tpu.dma_semaphore, #tpu.memory_space<semaphore_mem>>) src(%arg8 : memref<128x64xbf16, #tpu.memory_space<vmem>>) dst(%dma_wait3A_150 : memref<10112x64xbf16, #tpu.memory_space<vmem_shared>>)
      } else {
      }
      %add3A_97 = arith.constant 2 : i32
      %add3A_98 = arith.addi %add3A_91, %add3A_97 : i32
      %lt3A_99 = arith.constant 160 : i32
      %lt3A_100 = arith.cmpi slt, %add3A_98, %lt3A_99 : i32
      %convert_element_type3A_101 = arith.extui %lt3A_100 : i1 to i32
      %cond3A_102 = arith.constant 0 : i32
      %cond3A_103 = arith.cmpi ne, %convert_element_type3A_101, %cond3A_102 : i32
      scf.if %cond3A_103 {
        %add3A_144 = arith.constant 2 : i32
        %add3A_145 = arith.addi %add3A_91, %add3A_144 : i32
        %dma_start3A_146 = arith.constant 0 : i32
        %dma_start3A_147 = tpu.memref_slice %arg6[%add3A_145, %dma_start3A_146] : memref<160x128xi32, #tpu.memory_space<vmem>> -> memref<1x128xi32, #tpu.memory_space<vmem>>
        %dma_start3A_148 = tpu.memref_squeeze %dma_start3A_147 : memref<1x128xi32, #tpu.memory_space<vmem>> -> memref<128xi32, #tpu.memory_space<vmem>>
        %dma_start3A_149 = arith.constant 0 : i32
        %dma_start3A_150 = arith.constant 0 : i32
        %dma_start3A_151 = tpu.memref_slice %arg12[%dma_start3A_149, %dma_start3A_150] : memref<10112x64xbf16, #tpu.memory_space<vmem_shared>> -> memref<10112x64xbf16, #tpu.memory_space<vmem_shared>>
        tpu.enqueue_indirect_dma source(%dma_start3A_151 : memref<10112x64xbf16, #tpu.memory_space<vmem_shared>>) target(%arg8 : memref<128x64xbf16, #tpu.memory_space<vmem>>) offsets(%dma_start3A_148 : memref<128xi32, #tpu.memory_space<vmem>>) semaphore(%arg14 : memref<!tpu.dma_semaphore, #tpu.memory_space<semaphore_mem>>)
      } else {
      }
      %dma_wait3A_104 = arith.constant 0 : i32
      %dma_wait3A_105 = tpu.memref_slice %arg6[%add3A_91, %dma_wait3A_104] : memref<160x128xi32, #tpu.memory_space<vmem>> -> memref<1x128xi32, #tpu.memory_space<vmem>>
      %dma_wait3A_106 = tpu.memref_squeeze %dma_wait3A_105 : memref<1x128xi32, #tpu.memory_space<vmem>> -> memref<128xi32, #tpu.memory_space<vmem>>
      %dma_wait3A_107 = arith.constant 0 : i32
      %dma_wait3A_108 = arith.constant 0 : i32
      %dma_wait3A_109 = tpu.memref_slice %arg12[%dma_wait3A_107, %dma_wait3A_108] : memref<10112x64xbf16, #tpu.memory_space<vmem_shared>> -> memref<10112x64xbf16, #tpu.memory_space<vmem_shared>>
      tpu.wait_indirect_dma semaphore(%arg16 : memref<!tpu.dma_semaphore, #tpu.memory_space<semaphore_mem>>) src(%dma_wait3A_109 : memref<10112x64xbf16, #tpu.memory_space<vmem_shared>>) dst(%arg10 : memref<128x64xbf16, #tpu.memory_space<vmem>>)
      %dma_start3A_110 = arith.constant 0 : i32
      %dma_start3A_111 = tpu.memref_slice %arg7[%add3A_91, %dma_start3A_110] : memref<160x128xi32, #tpu.memory_space<vmem>> -> memref<1x128xi32, #tpu.memory_space<vmem>>
      %dma_start3A_112 = tpu.memref_squeeze %dma_start3A_111 : memref<1x128xi32, #tpu.memory_space<vmem>> -> memref<128xi32, #tpu.memory_space<vmem>>
      %dma_start3A_113 = arith.constant 0 : i32
      %dma_start3A_114 = arith.constant 0 : i32
      %dma_start3A_115 = tpu.memref_slice %arg13[%dma_start3A_113, %dma_start3A_114] : memref<10112x64xbf16, #tpu.memory_space<vmem_shared>> -> memref<10112x64xbf16, #tpu.memory_space<vmem_shared>>
      tpu.enqueue_indirect_dma source(%arg10 : memref<128x64xbf16, #tpu.memory_space<vmem>>) target(%dma_start3A_115 : memref<10112x64xbf16, #tpu.memory_space<vmem_shared>>) offsets(%dma_start3A_112 : memref<128xi32, #tpu.memory_space<vmem>>) semaphore(%arg20 : memref<!tpu.dma_semaphore, #tpu.memory_space<semaphore_mem>>) {add = true}
      %mul3A_116 = arith.constant 4 : i32
      %mul3A_117 = arith.muli %scan3A_36, %mul3A_116 : i32
      %add3A_118 = arith.constant 3 : i32
      %add3A_119 = arith.addi %mul3A_117, %add3A_118 : i32
      %ge3A_120 = arith.constant 2 : i32
      %ge3A_121 = arith.cmpi sge, %add3A_119, %ge3A_120 : i32
      %convert_element_type3A_122 = arith.extui %ge3A_121 : i1 to i32
      %cond3A_123 = arith.constant 0 : i32
      %cond3A_124 = arith.cmpi ne, %convert_element_type3A_122, %cond3A_123 : i32
      scf.if %cond3A_124 {
        %sub3A = arith.constant 2 : i32
        %sub3A_144 = arith.subi %add3A_119, %sub3A : i32
        %dma_wait3A_145 = arith.constant 0 : i32
        %dma_wait3A_146 = tpu.memref_slice %arg7[%sub3A_144, %dma_wait3A_145] : memref<160x128xi32, #tpu.memory_space<vmem>> -> memref<1x128xi32, #tpu.memory_space<vmem>>
        %dma_wait3A_147 = tpu.memref_squeeze %dma_wait3A_146 : memref<1x128xi32, #tpu.memory_space<vmem>> -> memref<128xi32, #tpu.memory_space<vmem>>
        %dma_wait3A_148 = arith.constant 0 : i32
        %dma_wait3A_149 = arith.constant 0 : i32
        %dma_wait3A_150 = tpu.memref_slice %arg13[%dma_wait3A_148, %dma_wait3A_149] : memref<10112x64xbf16, #tpu.memory_space<vmem_shared>> -> memref<10112x64xbf16, #tpu.memory_space<vmem_shared>>
        tpu.wait_indirect_dma semaphore(%arg19 : memref<!tpu.dma_semaphore, #tpu.memory_space<semaphore_mem>>) src(%arg9 : memref<128x64xbf16, #tpu.memory_space<vmem>>) dst(%dma_wait3A_150 : memref<10112x64xbf16, #tpu.memory_space<vmem_shared>>)
      } else {
      }
      %add3A_125 = arith.constant 2 : i32
      %add3A_126 = arith.addi %add3A_119, %add3A_125 : i32
      %lt3A_127 = arith.constant 160 : i32
      %lt3A_128 = arith.cmpi slt, %add3A_126, %lt3A_127 : i32
      %convert_element_type3A_129 = arith.extui %lt3A_128 : i1 to i32
      %cond3A_130 = arith.constant 0 : i32
      %cond3A_131 = arith.cmpi ne, %convert_element_type3A_129, %cond3A_130 : i32
      scf.if %cond3A_131 {
        %add3A_144 = arith.constant 2 : i32
        %add3A_145 = arith.addi %add3A_119, %add3A_144 : i32
        %dma_start3A_146 = arith.constant 0 : i32
        %dma_start3A_147 = tpu.memref_slice %arg6[%add3A_145, %dma_start3A_146] : memref<160x128xi32, #tpu.memory_space<vmem>> -> memref<1x128xi32, #tpu.memory_space<vmem>>
        %dma_start3A_148 = tpu.memref_squeeze %dma_start3A_147 : memref<1x128xi32, #tpu.memory_space<vmem>> -> memref<128xi32, #tpu.memory_space<vmem>>
        %dma_start3A_149 = arith.constant 0 : i32
        %dma_start3A_150 = arith.constant 0 : i32
        %dma_start3A_151 = tpu.memref_slice %arg12[%dma_start3A_149, %dma_start3A_150] : memref<10112x64xbf16, #tpu.memory_space<vmem_shared>> -> memref<10112x64xbf16, #tpu.memory_space<vmem_shared>>
        tpu.enqueue_indirect_dma source(%dma_start3A_151 : memref<10112x64xbf16, #tpu.memory_space<vmem_shared>>) target(%arg9 : memref<128x64xbf16, #tpu.memory_space<vmem>>) offsets(%dma_start3A_148 : memref<128xi32, #tpu.memory_space<vmem>>) semaphore(%arg15 : memref<!tpu.dma_semaphore, #tpu.memory_space<semaphore_mem>>)
      } else {
      }
      %dma_wait3A_132 = arith.constant 0 : i32
      %dma_wait3A_133 = tpu.memref_slice %arg6[%add3A_119, %dma_wait3A_132] : memref<160x128xi32, #tpu.memory_space<vmem>> -> memref<1x128xi32, #tpu.memory_space<vmem>>
      %dma_wait3A_134 = tpu.memref_squeeze %dma_wait3A_133 : memref<1x128xi32, #tpu.memory_space<vmem>> -> memref<128xi32, #tpu.memory_space<vmem>>
      %dma_wait3A_135 = arith.constant 0 : i32
      %dma_wait3A_136 = arith.constant 0 : i32
      %dma_wait3A_137 = tpu.memref_slice %arg12[%dma_wait3A_135, %dma_wait3A_136] : memref<10112x64xbf16, #tpu.memory_space<vmem_shared>> -> memref<10112x64xbf16, #tpu.memory_space<vmem_shared>>
      tpu.wait_indirect_dma semaphore(%arg17 : memref<!tpu.dma_semaphore, #tpu.memory_space<semaphore_mem>>) src(%dma_wait3A_137 : memref<10112x64xbf16, #tpu.memory_space<vmem_shared>>) dst(%arg11 : memref<128x64xbf16, #tpu.memory_space<vmem>>)
      %dma_start3A_138 = arith.constant 0 : i32
      %dma_start3A_139 = tpu.memref_slice %arg7[%add3A_119, %dma_start3A_138] : memref<160x128xi32, #tpu.memory_space<vmem>> -> memref<1x128xi32, #tpu.memory_space<vmem>>
      %dma_start3A_140 = tpu.memref_squeeze %dma_start3A_139 : memref<1x128xi32, #tpu.memory_space<vmem>> -> memref<128xi32, #tpu.memory_space<vmem>>
      %dma_start3A_141 = arith.constant 0 : i32
      %dma_start3A_142 = arith.constant 0 : i32
      %dma_start3A_143 = tpu.memref_slice %arg13[%dma_start3A_141, %dma_start3A_142] : memref<10112x64xbf16, #tpu.memory_space<vmem_shared>> -> memref<10112x64xbf16, #tpu.memory_space<vmem_shared>>
      tpu.enqueue_indirect_dma source(%arg11 : memref<128x64xbf16, #tpu.memory_space<vmem>>) target(%dma_start3A_143 : memref<10112x64xbf16, #tpu.memory_space<vmem_shared>>) offsets(%dma_start3A_140 : memref<128xi32, #tpu.memory_space<vmem>>) semaphore(%arg21 : memref<!tpu.dma_semaphore, #tpu.memory_space<semaphore_mem>>) {add = true}
    }
    %scan3A_21 = arith.constant 40 : i32
    %dma_wait3A = arith.constant 158 : i32
    %dma_wait3A_22 = arith.constant 0 : i32
    %dma_wait3A_23 = tpu.memref_slice %arg7[%dma_wait3A, %dma_wait3A_22] : memref<160x128xi32, #tpu.memory_space<vmem>> -> memref<1x128xi32, #tpu.memory_space<vmem>>
    %dma_wait3A_24 = tpu.memref_squeeze %dma_wait3A_23 : memref<1x128xi32, #tpu.memory_space<vmem>> -> memref<128xi32, #tpu.memory_space<vmem>>
    %dma_wait3A_25 = arith.constant 0 : i32
    %dma_wait3A_26 = arith.constant 0 : i32
    %dma_wait3A_27 = tpu.memref_slice %arg13[%dma_wait3A_25, %dma_wait3A_26] : memref<10112x64xbf16, #tpu.memory_space<vmem_shared>> -> memref<10112x64xbf16, #tpu.memory_space<vmem_shared>>
    tpu.wait_indirect_dma semaphore(%arg20 : memref<!tpu.dma_semaphore, #tpu.memory_space<semaphore_mem>>) src(%arg10 : memref<128x64xbf16, #tpu.memory_space<vmem>>) dst(%dma_wait3A_27 : memref<10112x64xbf16, #tpu.memory_space<vmem_shared>>)
    %dma_wait3A_28 = arith.constant 159 : i32
    %dma_wait3A_29 = arith.constant 0 : i32
    %dma_wait3A_30 = tpu.memref_slice %arg7[%dma_wait3A_28, %dma_wait3A_29] : memref<160x128xi32, #tpu.memory_space<vmem>> -> memref<1x128xi32, #tpu.memory_space<vmem>>
    %dma_wait3A_31 = tpu.memref_squeeze %dma_wait3A_30 : memref<1x128xi32, #tpu.memory_space<vmem>> -> memref<128xi32, #tpu.memory_space<vmem>>
    %dma_wait3A_32 = arith.constant 0 : i32
    %dma_wait3A_33 = arith.constant 0 : i32
    %dma_wait3A_34 = tpu.memref_slice %arg13[%dma_wait3A_32, %dma_wait3A_33] : memref<10112x64xbf16, #tpu.memory_space<vmem_shared>> -> memref<10112x64xbf16, #tpu.memory_space<vmem_shared>>
    tpu.wait_indirect_dma semaphore(%arg21 : memref<!tpu.dma_semaphore, #tpu.memory_space<semaphore_mem>>) src(%arg11 : memref<128x64xbf16, #tpu.memory_space<vmem>>) dst(%dma_wait3A_34 : memref<10112x64xbf16, #tpu.memory_space<vmem_shared>>)
    %barrier3A_35 = arith.constant 0 : index
    tpu.barrier barrier_id(%barrier3A_35)
    "tpu.region"() ({
      %run_scoped3A_36 = tpu.sem_alloc : memref<!tpu.dma_semaphore, #tpu.memory_space<semaphore_mem>>
      %dma_start3A_37 = arith.constant 0 : i32
      %dma_start3A_38 = tpu.memref_slice %arg5[%arg0, %mul3A_0, %dma_start3A_37] : memref<2x10112x64xbf16, #tpu.memory_space<hbm>> -> memref<1x632x64xbf16, #tpu.memory_space<hbm>>
      %dma_start3A_39 = tpu.memref_squeeze %dma_start3A_38 : memref<1x632x64xbf16, #tpu.memory_space<hbm>> -> memref<632x64xbf16, #tpu.memory_space<hbm>>
      %dma_start3A_40 = arith.constant 0 : i32
      %dma_start3A_41 = tpu.memref_slice %arg13[%mul3A_0, %dma_start3A_40] : memref<10112x64xbf16, #tpu.memory_space<vmem_shared>> -> memref<632x64xbf16, #tpu.memory_space<vmem_shared>>
      tpu.enqueue_dma source(%dma_start3A_41 : memref<632x64xbf16, #tpu.memory_space<vmem_shared>>) target(%dma_start3A_39 : memref<632x64xbf16, #tpu.memory_space<hbm>>) target_semaphore(%run_scoped3A_36 : memref<!tpu.dma_semaphore, #tpu.memory_space<semaphore_mem>>)
      %dma_wait3A_42 = arith.constant 0 : i32
      %dma_wait3A_43 = tpu.memref_slice %arg5[%arg0, %mul3A_0, %dma_wait3A_42] : memref<2x10112x64xbf16, #tpu.memory_space<hbm>> -> memref<1x632x64xbf16, #tpu.memory_space<hbm>>
      %dma_wait3A_44 = tpu.memref_squeeze %dma_wait3A_43 : memref<1x632x64xbf16, #tpu.memory_space<hbm>> -> memref<632x64xbf16, #tpu.memory_space<hbm>>
      %dma_wait3A_45 = arith.constant 0 : i32
      %dma_wait3A_46 = tpu.memref_slice %arg13[%mul3A_0, %dma_wait3A_45] : memref<10112x64xbf16, #tpu.memory_space<vmem_shared>> -> memref<632x64xbf16, #tpu.memory_space<vmem_shared>>
      tpu.wait_dma2 semaphore(%run_scoped3A_36 : memref<!tpu.dma_semaphore, #tpu.memory_space<semaphore_mem>>) src(%dma_wait3A_46 : memref<632x64xbf16, #tpu.memory_space<vmem_shared>>) dst(%dma_wait3A_44 : memref<632x64xbf16, #tpu.memory_space<hbm>>)
      tpu.yield
    }) : () -> ()
    return
  }
}

#map = affine_map<(d0, d1) -> (0, 0, 0)>
#map1 = affine_map<(d0, d1) -> (0, 0)>
module attributes {stable_mosaic.version = 14 : i64} {
  func.func @_deg_kernel(%arg0: i32, %arg1: i32, %arg2: memref<2x2560x128xi32, #tpu.memory_space<hbm>>, %arg3: memref<128x16xf32, #tpu.memory_space<hbm>>, %arg4: memref<10112x16xf32, #tpu.memory_space<hbm>>, %arg5: memref<2x10112x16xf32, #tpu.memory_space<hbm>>, %arg6: memref<80x128xi32, #tpu.memory_space<vmem>>, %arg7: memref<128x16xf32, #tpu.memory_space<vmem>>, %arg8: memref<10112x16xf32, #tpu.memory_space<vmem_shared>>, %arg9: memref<!tpu.dma_semaphore, #tpu.memory_space<semaphore_mem>>, %arg10: memref<!tpu.dma_semaphore, #tpu.memory_space<semaphore_mem>>, %arg11: memref<!tpu.dma_semaphore, #tpu.memory_space<semaphore_mem>>, %arg12: memref<!tpu.dma_semaphore, #tpu.memory_space<semaphore_mem>>) attributes {dimension_semantics = [#tpu.dimension_semantics<core_parallel>, #tpu.dimension_semantics<subcore_parallel>], iteration_bounds = array<i64: 2, 16>, scalar_prefetch = 0 : i64, scratch_operands = 7 : i64, tpu.core_type = #tpu.core_type<sc_vector_subcore>, window_params = [{transform_indices = #map}, {transform_indices = #map1}, {transform_indices = #map1}, {transform_indices = #map}]} {
    %mul3A = arith.constant 632 : i32
    %mul3A_0 = arith.muli %arg1, %mul3A : i32
    %mul3A_1 = arith.constant 16 : i32
    %mul3A_2 = arith.muli %arg0, %mul3A_1 : i32
    %add3A = arith.addi %mul3A_2, %arg1 : i32
    %mul3A_3 = arith.constant 80 : i32
    %mul3A_4 = arith.muli %add3A, %mul3A_3 : i32
    "tpu.region"() ({
      %run_scoped3A_38 = tpu.sem_alloc : memref<!tpu.dma_semaphore, #tpu.memory_space<semaphore_mem>>
      %dma_start3A = arith.constant 0 : i32
      %dma_start3A_39 = tpu.memref_slice %arg8[%mul3A_0, %dma_start3A] : memref<10112x16xf32, #tpu.memory_space<vmem_shared>> -> memref<632x16xf32, #tpu.memory_space<vmem_shared>>
      %dma_start3A_40 = arith.constant 0 : i32
      %dma_start3A_41 = tpu.memref_slice %arg4[%mul3A_0, %dma_start3A_40] : memref<10112x16xf32, #tpu.memory_space<hbm>> -> memref<632x16xf32, #tpu.memory_space<hbm>>
      tpu.enqueue_dma source(%dma_start3A_41 : memref<632x16xf32, #tpu.memory_space<hbm>>) target(%dma_start3A_39 : memref<632x16xf32, #tpu.memory_space<vmem_shared>>) target_semaphore(%run_scoped3A_38 : memref<!tpu.dma_semaphore, #tpu.memory_space<semaphore_mem>>)
      %dma_wait3A_42 = arith.constant 0 : i32
      %dma_wait3A_43 = tpu.memref_slice %arg8[%mul3A_0, %dma_wait3A_42] : memref<10112x16xf32, #tpu.memory_space<vmem_shared>> -> memref<632x16xf32, #tpu.memory_space<vmem_shared>>
      %dma_wait3A_44 = arith.constant 0 : i32
      %dma_wait3A_45 = tpu.memref_slice %arg4[%mul3A_0, %dma_wait3A_44] : memref<10112x16xf32, #tpu.memory_space<hbm>> -> memref<632x16xf32, #tpu.memory_space<hbm>>
      tpu.wait_dma2 semaphore(%run_scoped3A_38 : memref<!tpu.dma_semaphore, #tpu.memory_space<semaphore_mem>>) src(%dma_wait3A_45 : memref<632x16xf32, #tpu.memory_space<hbm>>) dst(%dma_wait3A_43 : memref<632x16xf32, #tpu.memory_space<vmem_shared>>)
      tpu.yield
    }) : () -> ()
    %run_scoped3A = arith.constant 1 : i32
    "tpu.region"() ({
      %run_scoped3A_38 = tpu.sem_alloc : memref<!tpu.dma_semaphore, #tpu.memory_space<semaphore_mem>>
      %dma_start3A = arith.constant 0 : i32
      %dma_start3A_39 = tpu.memref_slice %arg2[%run_scoped3A, %mul3A_4, %dma_start3A] : memref<2x2560x128xi32, #tpu.memory_space<hbm>> -> memref<1x80x128xi32, #tpu.memory_space<hbm>>
      %dma_start3A_40 = tpu.memref_squeeze %dma_start3A_39 : memref<1x80x128xi32, #tpu.memory_space<hbm>> -> memref<80x128xi32, #tpu.memory_space<hbm>>
      %dma_start3A_41 = arith.constant 0 : i32
      %dma_start3A_42 = tpu.memref_slice %arg2[%run_scoped3A, %mul3A_4, %dma_start3A_41] : memref<2x2560x128xi32, #tpu.memory_space<hbm>> -> memref<1x80x128xi32, #tpu.memory_space<hbm>>
      %dma_start3A_43 = tpu.memref_squeeze %dma_start3A_42 : memref<1x80x128xi32, #tpu.memory_space<hbm>> -> memref<80x128xi32, #tpu.memory_space<hbm>>
      tpu.enqueue_dma source(%dma_start3A_43 : memref<80x128xi32, #tpu.memory_space<hbm>>) target(%arg6 : memref<80x128xi32, #tpu.memory_space<vmem>>) target_semaphore(%run_scoped3A_38 : memref<!tpu.dma_semaphore, #tpu.memory_space<semaphore_mem>>)
      %dma_wait3A_44 = arith.constant 0 : i32
      %dma_wait3A_45 = tpu.memref_slice %arg2[%run_scoped3A, %mul3A_4, %dma_wait3A_44] : memref<2x2560x128xi32, #tpu.memory_space<hbm>> -> memref<1x80x128xi32, #tpu.memory_space<hbm>>
      %dma_wait3A_46 = tpu.memref_squeeze %dma_wait3A_45 : memref<1x80x128xi32, #tpu.memory_space<hbm>> -> memref<80x128xi32, #tpu.memory_space<hbm>>
      %dma_wait3A_47 = arith.constant 0 : i32
      %dma_wait3A_48 = tpu.memref_slice %arg2[%run_scoped3A, %mul3A_4, %dma_wait3A_47] : memref<2x2560x128xi32, #tpu.memory_space<hbm>> -> memref<1x80x128xi32, #tpu.memory_space<hbm>>
      %dma_wait3A_49 = tpu.memref_squeeze %dma_wait3A_48 : memref<1x80x128xi32, #tpu.memory_space<hbm>> -> memref<80x128xi32, #tpu.memory_space<hbm>>
      tpu.wait_dma2 semaphore(%run_scoped3A_38 : memref<!tpu.dma_semaphore, #tpu.memory_space<semaphore_mem>>) src(%dma_wait3A_49 : memref<80x128xi32, #tpu.memory_space<hbm>>) dst(%arg6 : memref<80x128xi32, #tpu.memory_space<vmem>>)
      tpu.yield
    }) : () -> ()
    "tpu.region"() ({
      %run_scoped3A_38 = tpu.sem_alloc : memref<!tpu.dma_semaphore, #tpu.memory_space<semaphore_mem>>
      tpu.enqueue_dma source(%arg3 : memref<128x16xf32, #tpu.memory_space<hbm>>) target(%arg7 : memref<128x16xf32, #tpu.memory_space<vmem>>) target_semaphore(%run_scoped3A_38 : memref<!tpu.dma_semaphore, #tpu.memory_space<semaphore_mem>>)
      tpu.wait_dma2 semaphore(%run_scoped3A_38 : memref<!tpu.dma_semaphore, #tpu.memory_space<semaphore_mem>>) src(%arg3 : memref<128x16xf32, #tpu.memory_space<hbm>>) dst(%arg7 : memref<128x16xf32, #tpu.memory_space<vmem>>)
      tpu.yield
    }) : () -> ()
    %barrier3A = arith.constant 0 : index
    tpu.barrier barrier_id(%barrier3A)
    %scan3A = arith.constant 0 : i32
    %scan3A_5 = arith.constant 0 : i32
    %scan3A_6 = arith.constant 20 : i32
    %scan3A_7 = arith.addi %scan3A_5, %scan3A_6 : i32
    %scan3A_8 = arith.constant 1 : i32
    scf.for %scan3A_38 = %scan3A_5 to %scan3A_7 step %scan3A_8  : i32 {
      %mul3A_39 = arith.constant 4 : i32
      %mul3A_40 = arith.muli %scan3A_38, %mul3A_39 : i32
      %add3A_41 = arith.constant 0 : i32
      %add3A_42 = arith.addi %mul3A_40, %add3A_41 : i32
      %ge3A = arith.constant 4 : i32
      %ge3A_43 = arith.cmpi sge, %add3A_42, %ge3A : i32
      %convert_element_type3A = arith.extui %ge3A_43 : i1 to i32
      %cond3A = arith.constant 0 : i32
      %cond3A_44 = arith.cmpi ne, %convert_element_type3A, %cond3A : i32
      scf.if %cond3A_44 {
        %sub3A = arith.constant 4 : i32
        %sub3A_95 = arith.subi %add3A_42, %sub3A : i32
        %dma_wait3A_96 = arith.constant 0 : i32
        %dma_wait3A_97 = tpu.memref_slice %arg6[%sub3A_95, %dma_wait3A_96] : memref<80x128xi32, #tpu.memory_space<vmem>> -> memref<1x128xi32, #tpu.memory_space<vmem>>
        %dma_wait3A_98 = tpu.memref_squeeze %dma_wait3A_97 : memref<1x128xi32, #tpu.memory_space<vmem>> -> memref<128xi32, #tpu.memory_space<vmem>>
        %dma_wait3A_99 = arith.constant 0 : i32
        %dma_wait3A_100 = arith.constant 0 : i32
        %dma_wait3A_101 = tpu.memref_slice %arg8[%dma_wait3A_99, %dma_wait3A_100] : memref<10112x16xf32, #tpu.memory_space<vmem_shared>> -> memref<10112x16xf32, #tpu.memory_space<vmem_shared>>
        tpu.wait_indirect_dma semaphore(%arg9 : memref<!tpu.dma_semaphore, #tpu.memory_space<semaphore_mem>>) src(%arg7 : memref<128x16xf32, #tpu.memory_space<vmem>>) dst(%dma_wait3A_101 : memref<10112x16xf32, #tpu.memory_space<vmem_shared>>)
      } else {
      }
      %dma_start3A = arith.constant 0 : i32
      %dma_start3A_45 = tpu.memref_slice %arg6[%add3A_42, %dma_start3A] : memref<80x128xi32, #tpu.memory_space<vmem>> -> memref<1x128xi32, #tpu.memory_space<vmem>>
      %dma_start3A_46 = tpu.memref_squeeze %dma_start3A_45 : memref<1x128xi32, #tpu.memory_space<vmem>> -> memref<128xi32, #tpu.memory_space<vmem>>
      %dma_start3A_47 = arith.constant 0 : i32
      %dma_start3A_48 = arith.constant 0 : i32
      %dma_start3A_49 = tpu.memref_slice %arg8[%dma_start3A_47, %dma_start3A_48] : memref<10112x16xf32, #tpu.memory_space<vmem_shared>> -> memref<10112x16xf32, #tpu.memory_space<vmem_shared>>
      tpu.enqueue_indirect_dma source(%arg7 : memref<128x16xf32, #tpu.memory_space<vmem>>) target(%dma_start3A_49 : memref<10112x16xf32, #tpu.memory_space<vmem_shared>>) offsets(%dma_start3A_46 : memref<128xi32, #tpu.memory_space<vmem>>) semaphore(%arg9 : memref<!tpu.dma_semaphore, #tpu.memory_space<semaphore_mem>>) {add = true}
      %mul3A_50 = arith.constant 4 : i32
      %mul3A_51 = arith.muli %scan3A_38, %mul3A_50 : i32
      %add3A_52 = arith.constant 1 : i32
      %add3A_53 = arith.addi %mul3A_51, %add3A_52 : i32
      %ge3A_54 = arith.constant 4 : i32
      %ge3A_55 = arith.cmpi sge, %add3A_53, %ge3A_54 : i32
      %convert_element_type3A_56 = arith.extui %ge3A_55 : i1 to i32
      %cond3A_57 = arith.constant 0 : i32
      %cond3A_58 = arith.cmpi ne, %convert_element_type3A_56, %cond3A_57 : i32
      scf.if %cond3A_58 {
        %sub3A = arith.constant 4 : i32
        %sub3A_95 = arith.subi %add3A_53, %sub3A : i32
        %dma_wait3A_96 = arith.constant 0 : i32
        %dma_wait3A_97 = tpu.memref_slice %arg6[%sub3A_95, %dma_wait3A_96] : memref<80x128xi32, #tpu.memory_space<vmem>> -> memref<1x128xi32, #tpu.memory_space<vmem>>
        %dma_wait3A_98 = tpu.memref_squeeze %dma_wait3A_97 : memref<1x128xi32, #tpu.memory_space<vmem>> -> memref<128xi32, #tpu.memory_space<vmem>>
        %dma_wait3A_99 = arith.constant 0 : i32
        %dma_wait3A_100 = arith.constant 0 : i32
        %dma_wait3A_101 = tpu.memref_slice %arg8[%dma_wait3A_99, %dma_wait3A_100] : memref<10112x16xf32, #tpu.memory_space<vmem_shared>> -> memref<10112x16xf32, #tpu.memory_space<vmem_shared>>
        tpu.wait_indirect_dma semaphore(%arg10 : memref<!tpu.dma_semaphore, #tpu.memory_space<semaphore_mem>>) src(%arg7 : memref<128x16xf32, #tpu.memory_space<vmem>>) dst(%dma_wait3A_101 : memref<10112x16xf32, #tpu.memory_space<vmem_shared>>)
      } else {
      }
      %dma_start3A_59 = arith.constant 0 : i32
      %dma_start3A_60 = tpu.memref_slice %arg6[%add3A_53, %dma_start3A_59] : memref<80x128xi32, #tpu.memory_space<vmem>> -> memref<1x128xi32, #tpu.memory_space<vmem>>
      %dma_start3A_61 = tpu.memref_squeeze %dma_start3A_60 : memref<1x128xi32, #tpu.memory_space<vmem>> -> memref<128xi32, #tpu.memory_space<vmem>>
      %dma_start3A_62 = arith.constant 0 : i32
      %dma_start3A_63 = arith.constant 0 : i32
      %dma_start3A_64 = tpu.memref_slice %arg8[%dma_start3A_62, %dma_start3A_63] : memref<10112x16xf32, #tpu.memory_space<vmem_shared>> -> memref<10112x16xf32, #tpu.memory_space<vmem_shared>>
      tpu.enqueue_indirect_dma source(%arg7 : memref<128x16xf32, #tpu.memory_space<vmem>>) target(%dma_start3A_64 : memref<10112x16xf32, #tpu.memory_space<vmem_shared>>) offsets(%dma_start3A_61 : memref<128xi32, #tpu.memory_space<vmem>>) semaphore(%arg10 : memref<!tpu.dma_semaphore, #tpu.memory_space<semaphore_mem>>) {add = true}
      %mul3A_65 = arith.constant 4 : i32
      %mul3A_66 = arith.muli %scan3A_38, %mul3A_65 : i32
      %add3A_67 = arith.constant 2 : i32
      %add3A_68 = arith.addi %mul3A_66, %add3A_67 : i32
      %ge3A_69 = arith.constant 4 : i32
      %ge3A_70 = arith.cmpi sge, %add3A_68, %ge3A_69 : i32
      %convert_element_type3A_71 = arith.extui %ge3A_70 : i1 to i32
      %cond3A_72 = arith.constant 0 : i32
      %cond3A_73 = arith.cmpi ne, %convert_element_type3A_71, %cond3A_72 : i32
      scf.if %cond3A_73 {
        %sub3A = arith.constant 4 : i32
        %sub3A_95 = arith.subi %add3A_68, %sub3A : i32
        %dma_wait3A_96 = arith.constant 0 : i32
        %dma_wait3A_97 = tpu.memref_slice %arg6[%sub3A_95, %dma_wait3A_96] : memref<80x128xi32, #tpu.memory_space<vmem>> -> memref<1x128xi32, #tpu.memory_space<vmem>>
        %dma_wait3A_98 = tpu.memref_squeeze %dma_wait3A_97 : memref<1x128xi32, #tpu.memory_space<vmem>> -> memref<128xi32, #tpu.memory_space<vmem>>
        %dma_wait3A_99 = arith.constant 0 : i32
        %dma_wait3A_100 = arith.constant 0 : i32
        %dma_wait3A_101 = tpu.memref_slice %arg8[%dma_wait3A_99, %dma_wait3A_100] : memref<10112x16xf32, #tpu.memory_space<vmem_shared>> -> memref<10112x16xf32, #tpu.memory_space<vmem_shared>>
        tpu.wait_indirect_dma semaphore(%arg11 : memref<!tpu.dma_semaphore, #tpu.memory_space<semaphore_mem>>) src(%arg7 : memref<128x16xf32, #tpu.memory_space<vmem>>) dst(%dma_wait3A_101 : memref<10112x16xf32, #tpu.memory_space<vmem_shared>>)
      } else {
      }
      %dma_start3A_74 = arith.constant 0 : i32
      %dma_start3A_75 = tpu.memref_slice %arg6[%add3A_68, %dma_start3A_74] : memref<80x128xi32, #tpu.memory_space<vmem>> -> memref<1x128xi32, #tpu.memory_space<vmem>>
      %dma_start3A_76 = tpu.memref_squeeze %dma_start3A_75 : memref<1x128xi32, #tpu.memory_space<vmem>> -> memref<128xi32, #tpu.memory_space<vmem>>
      %dma_start3A_77 = arith.constant 0 : i32
      %dma_start3A_78 = arith.constant 0 : i32
      %dma_start3A_79 = tpu.memref_slice %arg8[%dma_start3A_77, %dma_start3A_78] : memref<10112x16xf32, #tpu.memory_space<vmem_shared>> -> memref<10112x16xf32, #tpu.memory_space<vmem_shared>>
      tpu.enqueue_indirect_dma source(%arg7 : memref<128x16xf32, #tpu.memory_space<vmem>>) target(%dma_start3A_79 : memref<10112x16xf32, #tpu.memory_space<vmem_shared>>) offsets(%dma_start3A_76 : memref<128xi32, #tpu.memory_space<vmem>>) semaphore(%arg11 : memref<!tpu.dma_semaphore, #tpu.memory_space<semaphore_mem>>) {add = true}
      %mul3A_80 = arith.constant 4 : i32
      %mul3A_81 = arith.muli %scan3A_38, %mul3A_80 : i32
      %add3A_82 = arith.constant 3 : i32
      %add3A_83 = arith.addi %mul3A_81, %add3A_82 : i32
      %ge3A_84 = arith.constant 4 : i32
      %ge3A_85 = arith.cmpi sge, %add3A_83, %ge3A_84 : i32
      %convert_element_type3A_86 = arith.extui %ge3A_85 : i1 to i32
      %cond3A_87 = arith.constant 0 : i32
      %cond3A_88 = arith.cmpi ne, %convert_element_type3A_86, %cond3A_87 : i32
      scf.if %cond3A_88 {
        %sub3A = arith.constant 4 : i32
        %sub3A_95 = arith.subi %add3A_83, %sub3A : i32
        %dma_wait3A_96 = arith.constant 0 : i32
        %dma_wait3A_97 = tpu.memref_slice %arg6[%sub3A_95, %dma_wait3A_96] : memref<80x128xi32, #tpu.memory_space<vmem>> -> memref<1x128xi32, #tpu.memory_space<vmem>>
        %dma_wait3A_98 = tpu.memref_squeeze %dma_wait3A_97 : memref<1x128xi32, #tpu.memory_space<vmem>> -> memref<128xi32, #tpu.memory_space<vmem>>
        %dma_wait3A_99 = arith.constant 0 : i32
        %dma_wait3A_100 = arith.constant 0 : i32
        %dma_wait3A_101 = tpu.memref_slice %arg8[%dma_wait3A_99, %dma_wait3A_100] : memref<10112x16xf32, #tpu.memory_space<vmem_shared>> -> memref<10112x16xf32, #tpu.memory_space<vmem_shared>>
        tpu.wait_indirect_dma semaphore(%arg12 : memref<!tpu.dma_semaphore, #tpu.memory_space<semaphore_mem>>) src(%arg7 : memref<128x16xf32, #tpu.memory_space<vmem>>) dst(%dma_wait3A_101 : memref<10112x16xf32, #tpu.memory_space<vmem_shared>>)
      } else {
      }
      %dma_start3A_89 = arith.constant 0 : i32
      %dma_start3A_90 = tpu.memref_slice %arg6[%add3A_83, %dma_start3A_89] : memref<80x128xi32, #tpu.memory_space<vmem>> -> memref<1x128xi32, #tpu.memory_space<vmem>>
      %dma_start3A_91 = tpu.memref_squeeze %dma_start3A_90 : memref<1x128xi32, #tpu.memory_space<vmem>> -> memref<128xi32, #tpu.memory_space<vmem>>
      %dma_start3A_92 = arith.constant 0 : i32
      %dma_start3A_93 = arith.constant 0 : i32
      %dma_start3A_94 = tpu.memref_slice %arg8[%dma_start3A_92, %dma_start3A_93] : memref<10112x16xf32, #tpu.memory_space<vmem_shared>> -> memref<10112x16xf32, #tpu.memory_space<vmem_shared>>
      tpu.enqueue_indirect_dma source(%arg7 : memref<128x16xf32, #tpu.memory_space<vmem>>) target(%dma_start3A_94 : memref<10112x16xf32, #tpu.memory_space<vmem_shared>>) offsets(%dma_start3A_91 : memref<128xi32, #tpu.memory_space<vmem>>) semaphore(%arg12 : memref<!tpu.dma_semaphore, #tpu.memory_space<semaphore_mem>>) {add = true}
    }
    %scan3A_9 = arith.constant 20 : i32
    %dma_wait3A = arith.constant 76 : i32
    %dma_wait3A_10 = arith.constant 0 : i32
    %dma_wait3A_11 = tpu.memref_slice %arg6[%dma_wait3A, %dma_wait3A_10] : memref<80x128xi32, #tpu.memory_space<vmem>> -> memref<1x128xi32, #tpu.memory_space<vmem>>
    %dma_wait3A_12 = tpu.memref_squeeze %dma_wait3A_11 : memref<1x128xi32, #tpu.memory_space<vmem>> -> memref<128xi32, #tpu.memory_space<vmem>>
    %dma_wait3A_13 = arith.constant 0 : i32
    %dma_wait3A_14 = arith.constant 0 : i32
    %dma_wait3A_15 = tpu.memref_slice %arg8[%dma_wait3A_13, %dma_wait3A_14] : memref<10112x16xf32, #tpu.memory_space<vmem_shared>> -> memref<10112x16xf32, #tpu.memory_space<vmem_shared>>
    tpu.wait_indirect_dma semaphore(%arg9 : memref<!tpu.dma_semaphore, #tpu.memory_space<semaphore_mem>>) src(%arg7 : memref<128x16xf32, #tpu.memory_space<vmem>>) dst(%dma_wait3A_15 : memref<10112x16xf32, #tpu.memory_space<vmem_shared>>)
    %dma_wait3A_16 = arith.constant 77 : i32
    %dma_wait3A_17 = arith.constant 0 : i32
    %dma_wait3A_18 = tpu.memref_slice %arg6[%dma_wait3A_16, %dma_wait3A_17] : memref<80x128xi32, #tpu.memory_space<vmem>> -> memref<1x128xi32, #tpu.memory_space<vmem>>
    %dma_wait3A_19 = tpu.memref_squeeze %dma_wait3A_18 : memref<1x128xi32, #tpu.memory_space<vmem>> -> memref<128xi32, #tpu.memory_space<vmem>>
    %dma_wait3A_20 = arith.constant 0 : i32
    %dma_wait3A_21 = arith.constant 0 : i32
    %dma_wait3A_22 = tpu.memref_slice %arg8[%dma_wait3A_20, %dma_wait3A_21] : memref<10112x16xf32, #tpu.memory_space<vmem_shared>> -> memref<10112x16xf32, #tpu.memory_space<vmem_shared>>
    tpu.wait_indirect_dma semaphore(%arg10 : memref<!tpu.dma_semaphore, #tpu.memory_space<semaphore_mem>>) src(%arg7 : memref<128x16xf32, #tpu.memory_space<vmem>>) dst(%dma_wait3A_22 : memref<10112x16xf32, #tpu.memory_space<vmem_shared>>)
    %dma_wait3A_23 = arith.constant 78 : i32
    %dma_wait3A_24 = arith.constant 0 : i32
    %dma_wait3A_25 = tpu.memref_slice %arg6[%dma_wait3A_23, %dma_wait3A_24] : memref<80x128xi32, #tpu.memory_space<vmem>> -> memref<1x128xi32, #tpu.memory_space<vmem>>
    %dma_wait3A_26 = tpu.memref_squeeze %dma_wait3A_25 : memref<1x128xi32, #tpu.memory_space<vmem>> -> memref<128xi32, #tpu.memory_space<vmem>>
    %dma_wait3A_27 = arith.constant 0 : i32
    %dma_wait3A_28 = arith.constant 0 : i32
    %dma_wait3A_29 = tpu.memref_slice %arg8[%dma_wait3A_27, %dma_wait3A_28] : memref<10112x16xf32, #tpu.memory_space<vmem_shared>> -> memref<10112x16xf32, #tpu.memory_space<vmem_shared>>
    tpu.wait_indirect_dma semaphore(%arg11 : memref<!tpu.dma_semaphore, #tpu.memory_space<semaphore_mem>>) src(%arg7 : memref<128x16xf32, #tpu.memory_space<vmem>>) dst(%dma_wait3A_29 : memref<10112x16xf32, #tpu.memory_space<vmem_shared>>)
    %dma_wait3A_30 = arith.constant 79 : i32
    %dma_wait3A_31 = arith.constant 0 : i32
    %dma_wait3A_32 = tpu.memref_slice %arg6[%dma_wait3A_30, %dma_wait3A_31] : memref<80x128xi32, #tpu.memory_space<vmem>> -> memref<1x128xi32, #tpu.memory_space<vmem>>
    %dma_wait3A_33 = tpu.memref_squeeze %dma_wait3A_32 : memref<1x128xi32, #tpu.memory_space<vmem>> -> memref<128xi32, #tpu.memory_space<vmem>>
    %dma_wait3A_34 = arith.constant 0 : i32
    %dma_wait3A_35 = arith.constant 0 : i32
    %dma_wait3A_36 = tpu.memref_slice %arg8[%dma_wait3A_34, %dma_wait3A_35] : memref<10112x16xf32, #tpu.memory_space<vmem_shared>> -> memref<10112x16xf32, #tpu.memory_space<vmem_shared>>
    tpu.wait_indirect_dma semaphore(%arg12 : memref<!tpu.dma_semaphore, #tpu.memory_space<semaphore_mem>>) src(%arg7 : memref<128x16xf32, #tpu.memory_space<vmem>>) dst(%dma_wait3A_36 : memref<10112x16xf32, #tpu.memory_space<vmem_shared>>)
    %barrier3A_37 = arith.constant 0 : index
    tpu.barrier barrier_id(%barrier3A_37)
    "tpu.region"() ({
      %run_scoped3A_38 = tpu.sem_alloc : memref<!tpu.dma_semaphore, #tpu.memory_space<semaphore_mem>>
      %dma_start3A = arith.constant 0 : i32
      %dma_start3A_39 = tpu.memref_slice %arg5[%arg0, %mul3A_0, %dma_start3A] : memref<2x10112x16xf32, #tpu.memory_space<hbm>> -> memref<1x632x16xf32, #tpu.memory_space<hbm>>
      %dma_start3A_40 = tpu.memref_squeeze %dma_start3A_39 : memref<1x632x16xf32, #tpu.memory_space<hbm>> -> memref<632x16xf32, #tpu.memory_space<hbm>>
      %dma_start3A_41 = arith.constant 0 : i32
      %dma_start3A_42 = tpu.memref_slice %arg8[%mul3A_0, %dma_start3A_41] : memref<10112x16xf32, #tpu.memory_space<vmem_shared>> -> memref<632x16xf32, #tpu.memory_space<vmem_shared>>
      tpu.enqueue_dma source(%dma_start3A_42 : memref<632x16xf32, #tpu.memory_space<vmem_shared>>) target(%dma_start3A_40 : memref<632x16xf32, #tpu.memory_space<hbm>>) target_semaphore(%run_scoped3A_38 : memref<!tpu.dma_semaphore, #tpu.memory_space<semaphore_mem>>)
      %dma_wait3A_43 = arith.constant 0 : i32
      %dma_wait3A_44 = tpu.memref_slice %arg5[%arg0, %mul3A_0, %dma_wait3A_43] : memref<2x10112x16xf32, #tpu.memory_space<hbm>> -> memref<1x632x16xf32, #tpu.memory_space<hbm>>
      %dma_wait3A_45 = tpu.memref_squeeze %dma_wait3A_44 : memref<1x632x16xf32, #tpu.memory_space<hbm>> -> memref<632x16xf32, #tpu.memory_space<hbm>>
      %dma_wait3A_46 = arith.constant 0 : i32
      %dma_wait3A_47 = tpu.memref_slice %arg8[%mul3A_0, %dma_wait3A_46] : memref<10112x16xf32, #tpu.memory_space<vmem_shared>> -> memref<632x16xf32, #tpu.memory_space<vmem_shared>>
      tpu.wait_dma2 semaphore(%run_scoped3A_38 : memref<!tpu.dma_semaphore, #tpu.memory_space<semaphore_mem>>) src(%dma_wait3A_47 : memref<632x16xf32, #tpu.memory_space<vmem_shared>>) dst(%dma_wait3A_45 : memref<632x16xf32, #tpu.memory_space<hbm>>)
      tpu.yield
    }) : () -> ()
    return
  }
}

#map = affine_map<(d0, d1) -> (0, 0, 0)>
#map1 = affine_map<(d0, d1) -> (0, 0)>
module attributes {stable_mosaic.version = 14 : i64} {
  func.func @spmm(%arg0: i32, %arg1: i32, %arg2: memref<2x10112x64xbf16, #tpu.memory_space<hbm>>, %arg3: memref<2x2560x128xi32, #tpu.memory_space<hbm>>, %arg4: memref<10112x64xbf16, #tpu.memory_space<hbm>>, %arg5: memref<2x10112x64xbf16, #tpu.memory_space<hbm>>, %arg6: memref<160x128xi32, #tpu.memory_space<vmem>>, %arg7: memref<160x128xi32, #tpu.memory_space<vmem>>, %arg8: memref<128x64xbf16, #tpu.memory_space<vmem>>, %arg9: memref<128x64xbf16, #tpu.memory_space<vmem>>, %arg10: memref<128x64xbf16, #tpu.memory_space<vmem>>, %arg11: memref<128x64xbf16, #tpu.memory_space<vmem>>, %arg12: memref<10112x64xbf16, #tpu.memory_space<vmem_shared>>, %arg13: memref<10112x64xbf16, #tpu.memory_space<vmem_shared>>, %arg14: memref<!tpu.dma_semaphore, #tpu.memory_space<semaphore_mem>>, %arg15: memref<!tpu.dma_semaphore, #tpu.memory_space<semaphore_mem>>, %arg16: memref<!tpu.dma_semaphore, #tpu.memory_space<semaphore_mem>>, %arg17: memref<!tpu.dma_semaphore, #tpu.memory_space<semaphore_mem>>, %arg18: memref<!tpu.dma_semaphore, #tpu.memory_space<semaphore_mem>>, %arg19: memref<!tpu.dma_semaphore, #tpu.memory_space<semaphore_mem>>, %arg20: memref<!tpu.dma_semaphore, #tpu.memory_space<semaphore_mem>>, %arg21: memref<!tpu.dma_semaphore, #tpu.memory_space<semaphore_mem>>) attributes {dimension_semantics = [#tpu.dimension_semantics<core_parallel>, #tpu.dimension_semantics<subcore_parallel>], iteration_bounds = array<i64: 2, 16>, scalar_prefetch = 0 : i64, scratch_operands = 16 : i64, tpu.core_type = #tpu.core_type<sc_vector_subcore>, window_params = [{transform_indices = #map}, {transform_indices = #map}, {transform_indices = #map1}, {transform_indices = #map}]} {
    %mul3A = arith.constant 632 : i32
    %mul3A_0 = arith.muli %arg1, %mul3A : i32
    %mul3A_1 = arith.constant 160 : i32
    %mul3A_2 = arith.muli %arg1, %mul3A_1 : i32
    "tpu.region"() ({
      %run_scoped3A_36 = tpu.sem_alloc : memref<!tpu.dma_semaphore, #tpu.memory_space<semaphore_mem>>
      %dma_start3A_37 = arith.constant 0 : i32
      %dma_start3A_38 = tpu.memref_slice %arg13[%mul3A_0, %dma_start3A_37] : memref<10112x64xbf16, #tpu.memory_space<vmem_shared>> -> memref<632x64xbf16, #tpu.memory_space<vmem_shared>>
      %dma_start3A_39 = arith.constant 0 : i32
      %dma_start3A_40 = tpu.memref_slice %arg4[%mul3A_0, %dma_start3A_39] : memref<10112x64xbf16, #tpu.memory_space<hbm>> -> memref<632x64xbf16, #tpu.memory_space<hbm>>
      tpu.enqueue_dma source(%dma_start3A_40 : memref<632x64xbf16, #tpu.memory_space<hbm>>) target(%dma_start3A_38 : memref<632x64xbf16, #tpu.memory_space<vmem_shared>>) target_semaphore(%run_scoped3A_36 : memref<!tpu.dma_semaphore, #tpu.memory_space<semaphore_mem>>)
      %dma_wait3A_41 = arith.constant 0 : i32
      %dma_wait3A_42 = tpu.memref_slice %arg13[%mul3A_0, %dma_wait3A_41] : memref<10112x64xbf16, #tpu.memory_space<vmem_shared>> -> memref<632x64xbf16, #tpu.memory_space<vmem_shared>>
      %dma_wait3A_43 = arith.constant 0 : i32
      %dma_wait3A_44 = tpu.memref_slice %arg4[%mul3A_0, %dma_wait3A_43] : memref<10112x64xbf16, #tpu.memory_space<hbm>> -> memref<632x64xbf16, #tpu.memory_space<hbm>>
      tpu.wait_dma2 semaphore(%run_scoped3A_36 : memref<!tpu.dma_semaphore, #tpu.memory_space<semaphore_mem>>) src(%dma_wait3A_44 : memref<632x64xbf16, #tpu.memory_space<hbm>>) dst(%dma_wait3A_42 : memref<632x64xbf16, #tpu.memory_space<vmem_shared>>)
      tpu.yield
    }) : () -> ()
    "tpu.region"() ({
      %run_scoped3A_36 = tpu.sem_alloc : memref<!tpu.dma_semaphore, #tpu.memory_space<semaphore_mem>>
      %dma_start3A_37 = arith.constant 0 : i32
      %dma_start3A_38 = tpu.memref_slice %arg12[%mul3A_0, %dma_start3A_37] : memref<10112x64xbf16, #tpu.memory_space<vmem_shared>> -> memref<632x64xbf16, #tpu.memory_space<vmem_shared>>
      %dma_start3A_39 = arith.constant 0 : i32
      %dma_start3A_40 = arith.constant 0 : i32
      %dma_start3A_41 = tpu.memref_slice %arg2[%arg0, %dma_start3A_39, %dma_start3A_40] : memref<2x10112x64xbf16, #tpu.memory_space<hbm>> -> memref<1x10112x64xbf16, #tpu.memory_space<hbm>>
      %dma_start3A_42 = tpu.memref_squeeze %dma_start3A_41 : memref<1x10112x64xbf16, #tpu.memory_space<hbm>> -> memref<10112x64xbf16, #tpu.memory_space<hbm>>
      %dma_start3A_43 = arith.constant 0 : i32
      %dma_start3A_44 = tpu.memref_slice %dma_start3A_42[%mul3A_0, %dma_start3A_43] : memref<10112x64xbf16, #tpu.memory_space<hbm>> -> memref<632x64xbf16, #tpu.memory_space<hbm>>
      tpu.enqueue_dma source(%dma_start3A_44 : memref<632x64xbf16, #tpu.memory_space<hbm>>) target(%dma_start3A_38 : memref<632x64xbf16, #tpu.memory_space<vmem_shared>>) target_semaphore(%run_scoped3A_36 : memref<!tpu.dma_semaphore, #tpu.memory_space<semaphore_mem>>)
      %dma_wait3A_45 = arith.constant 0 : i32
      %dma_wait3A_46 = tpu.memref_slice %arg12[%mul3A_0, %dma_wait3A_45] : memref<10112x64xbf16, #tpu.memory_space<vmem_shared>> -> memref<632x64xbf16, #tpu.memory_space<vmem_shared>>
      %dma_wait3A_47 = arith.constant 0 : i32
      %dma_wait3A_48 = arith.constant 0 : i32
      %dma_wait3A_49 = tpu.memref_slice %arg2[%arg0, %dma_wait3A_47, %dma_wait3A_48] : memref<2x10112x64xbf16, #tpu.memory_space<hbm>> -> memref<1x10112x64xbf16, #tpu.memory_space<hbm>>
      %dma_wait3A_50 = tpu.memref_squeeze %dma_wait3A_49 : memref<1x10112x64xbf16, #tpu.memory_space<hbm>> -> memref<10112x64xbf16, #tpu.memory_space<hbm>>
      %dma_wait3A_51 = arith.constant 0 : i32
      %dma_wait3A_52 = tpu.memref_slice %dma_wait3A_50[%mul3A_0, %dma_wait3A_51] : memref<10112x64xbf16, #tpu.memory_space<hbm>> -> memref<632x64xbf16, #tpu.memory_space<hbm>>
      tpu.wait_dma2 semaphore(%run_scoped3A_36 : memref<!tpu.dma_semaphore, #tpu.memory_space<semaphore_mem>>) src(%dma_wait3A_52 : memref<632x64xbf16, #tpu.memory_space<hbm>>) dst(%dma_wait3A_46 : memref<632x64xbf16, #tpu.memory_space<vmem_shared>>)
      tpu.yield
    }) : () -> ()
    %run_scoped3A = arith.constant 0 : i32
    "tpu.region"() ({
      %run_scoped3A_36 = tpu.sem_alloc : memref<!tpu.dma_semaphore, #tpu.memory_space<semaphore_mem>>
      %dma_start3A_37 = arith.constant 0 : i32
      %dma_start3A_38 = tpu.memref_slice %arg3[%run_scoped3A, %mul3A_2, %dma_start3A_37] : memref<2x2560x128xi32, #tpu.memory_space<hbm>> -> memref<1x160x128xi32, #tpu.memory_space<hbm>>
      %dma_start3A_39 = tpu.memref_squeeze %dma_start3A_38 : memref<1x160x128xi32, #tpu.memory_space<hbm>> -> memref<160x128xi32, #tpu.memory_space<hbm>>
      %dma_start3A_40 = arith.constant 0 : i32
      %dma_start3A_41 = tpu.memref_slice %arg3[%run_scoped3A, %mul3A_2, %dma_start3A_40] : memref<2x2560x128xi32, #tpu.memory_space<hbm>> -> memref<1x160x128xi32, #tpu.memory_space<hbm>>
      %dma_start3A_42 = tpu.memref_squeeze %dma_start3A_41 : memref<1x160x128xi32, #tpu.memory_space<hbm>> -> memref<160x128xi32, #tpu.memory_space<hbm>>
      tpu.enqueue_dma source(%dma_start3A_42 : memref<160x128xi32, #tpu.memory_space<hbm>>) target(%arg6 : memref<160x128xi32, #tpu.memory_space<vmem>>) target_semaphore(%run_scoped3A_36 : memref<!tpu.dma_semaphore, #tpu.memory_space<semaphore_mem>>)
      %dma_wait3A_43 = arith.constant 0 : i32
      %dma_wait3A_44 = tpu.memref_slice %arg3[%run_scoped3A, %mul3A_2, %dma_wait3A_43] : memref<2x2560x128xi32, #tpu.memory_space<hbm>> -> memref<1x160x128xi32, #tpu.memory_space<hbm>>
      %dma_wait3A_45 = tpu.memref_squeeze %dma_wait3A_44 : memref<1x160x128xi32, #tpu.memory_space<hbm>> -> memref<160x128xi32, #tpu.memory_space<hbm>>
      %dma_wait3A_46 = arith.constant 0 : i32
      %dma_wait3A_47 = tpu.memref_slice %arg3[%run_scoped3A, %mul3A_2, %dma_wait3A_46] : memref<2x2560x128xi32, #tpu.memory_space<hbm>> -> memref<1x160x128xi32, #tpu.memory_space<hbm>>
      %dma_wait3A_48 = tpu.memref_squeeze %dma_wait3A_47 : memref<1x160x128xi32, #tpu.memory_space<hbm>> -> memref<160x128xi32, #tpu.memory_space<hbm>>
      tpu.wait_dma2 semaphore(%run_scoped3A_36 : memref<!tpu.dma_semaphore, #tpu.memory_space<semaphore_mem>>) src(%dma_wait3A_48 : memref<160x128xi32, #tpu.memory_space<hbm>>) dst(%arg6 : memref<160x128xi32, #tpu.memory_space<vmem>>)
      tpu.yield
    }) : () -> ()
    %run_scoped3A_3 = arith.constant 1 : i32
    "tpu.region"() ({
      %run_scoped3A_36 = tpu.sem_alloc : memref<!tpu.dma_semaphore, #tpu.memory_space<semaphore_mem>>
      %dma_start3A_37 = arith.constant 0 : i32
      %dma_start3A_38 = tpu.memref_slice %arg3[%run_scoped3A_3, %mul3A_2, %dma_start3A_37] : memref<2x2560x128xi32, #tpu.memory_space<hbm>> -> memref<1x160x128xi32, #tpu.memory_space<hbm>>
      %dma_start3A_39 = tpu.memref_squeeze %dma_start3A_38 : memref<1x160x128xi32, #tpu.memory_space<hbm>> -> memref<160x128xi32, #tpu.memory_space<hbm>>
      %dma_start3A_40 = arith.constant 0 : i32
      %dma_start3A_41 = tpu.memref_slice %arg3[%run_scoped3A_3, %mul3A_2, %dma_start3A_40] : memref<2x2560x128xi32, #tpu.memory_space<hbm>> -> memref<1x160x128xi32, #tpu.memory_space<hbm>>
      %dma_start3A_42 = tpu.memref_squeeze %dma_start3A_41 : memref<1x160x128xi32, #tpu.memory_space<hbm>> -> memref<160x128xi32, #tpu.memory_space<hbm>>
      tpu.enqueue_dma source(%dma_start3A_42 : memref<160x128xi32, #tpu.memory_space<hbm>>) target(%arg7 : memref<160x128xi32, #tpu.memory_space<vmem>>) target_semaphore(%run_scoped3A_36 : memref<!tpu.dma_semaphore, #tpu.memory_space<semaphore_mem>>)
      %dma_wait3A_43 = arith.constant 0 : i32
      %dma_wait3A_44 = tpu.memref_slice %arg3[%run_scoped3A_3, %mul3A_2, %dma_wait3A_43] : memref<2x2560x128xi32, #tpu.memory_space<hbm>> -> memref<1x160x128xi32, #tpu.memory_space<hbm>>
      %dma_wait3A_45 = tpu.memref_squeeze %dma_wait3A_44 : memref<1x160x128xi32, #tpu.memory_space<hbm>> -> memref<160x128xi32, #tpu.memory_space<hbm>>
      %dma_wait3A_46 = arith.constant 0 : i32
      %dma_wait3A_47 = tpu.memref_slice %arg3[%run_scoped3A_3, %mul3A_2, %dma_wait3A_46] : memref<2x2560x128xi32, #tpu.memory_space<hbm>> -> memref<1x160x128xi32, #tpu.memory_space<hbm>>
      %dma_wait3A_48 = tpu.memref_squeeze %dma_wait3A_47 : memref<1x160x128xi32, #tpu.memory_space<hbm>> -> memref<160x128xi32, #tpu.memory_space<hbm>>
      tpu.wait_dma2 semaphore(%run_scoped3A_36 : memref<!tpu.dma_semaphore, #tpu.memory_space<semaphore_mem>>) src(%dma_wait3A_48 : memref<160x128xi32, #tpu.memory_space<hbm>>) dst(%arg7 : memref<160x128xi32, #tpu.memory_space<vmem>>)
      tpu.yield
    }) : () -> ()
    %barrier3A = arith.constant 0 : index
    tpu.barrier barrier_id(%barrier3A)
    %dma_start3A = arith.constant 0 : i32
    %dma_start3A_4 = arith.constant 0 : i32
    %dma_start3A_5 = tpu.memref_slice %arg6[%dma_start3A, %dma_start3A_4] : memref<160x128xi32, #tpu.memory_space<vmem>> -> memref<1x128xi32, #tpu.memory_space<vmem>>
    %dma_start3A_6 = tpu.memref_squeeze %dma_start3A_5 : memref<1x128xi32, #tpu.memory_space<vmem>> -> memref<128xi32, #tpu.memory_space<vmem>>
    %dma_start3A_7 = arith.constant 0 : i32
    %dma_start3A_8 = arith.constant 0 : i32
    %dma_start3A_9 = tpu.memref_slice %arg12[%dma_start3A_7, %dma_start3A_8] : memref<10112x64xbf16, #tpu.memory_space<vmem_shared>> -> memref<10112x64xbf16, #tpu.memory_space<vmem_shared>>
    tpu.enqueue_indirect_dma source(%dma_start3A_9 : memref<10112x64xbf16, #tpu.memory_space<vmem_shared>>) target(%arg8 : memref<128x64xbf16, #tpu.memory_space<vmem>>) offsets(%dma_start3A_6 : memref<128xi32, #tpu.memory_space<vmem>>) semaphore(%arg14 : memref<!tpu.dma_semaphore, #tpu.memory_space<semaphore_mem>>)
    %dma_start3A_10 = arith.constant 1 : i32
    %dma_start3A_11 = arith.constant 0 : i32
    %dma_start3A_12 = tpu.memref_slice %arg6[%dma_start3A_10, %dma_start3A_11] : memref<160x128xi32, #tpu.memory_space<vmem>> -> memref<1x128xi32, #tpu.memory_space<vmem>>
    %dma_start3A_13 = tpu.memref_squeeze %dma_start3A_12 : memref<1x128xi32, #tpu.memory_space<vmem>> -> memref<128xi32, #tpu.memory_space<vmem>>
    %dma_start3A_14 = arith.constant 0 : i32
    %dma_start3A_15 = arith.constant 0 : i32
    %dma_start3A_16 = tpu.memref_slice %arg12[%dma_start3A_14, %dma_start3A_15] : memref<10112x64xbf16, #tpu.memory_space<vmem_shared>> -> memref<10112x64xbf16, #tpu.memory_space<vmem_shared>>
    tpu.enqueue_indirect_dma source(%dma_start3A_16 : memref<10112x64xbf16, #tpu.memory_space<vmem_shared>>) target(%arg9 : memref<128x64xbf16, #tpu.memory_space<vmem>>) offsets(%dma_start3A_13 : memref<128xi32, #tpu.memory_space<vmem>>) semaphore(%arg15 : memref<!tpu.dma_semaphore, #tpu.memory_space<semaphore_mem>>)
    %scan3A = arith.constant 0 : i32
    %scan3A_17 = arith.constant 0 : i32
    %scan3A_18 = arith.constant 40 : i32
    %scan3A_19 = arith.addi %scan3A_17, %scan3A_18 : i32
    %scan3A_20 = arith.constant 1 : i32
    scf.for %scan3A_36 = %scan3A_17 to %scan3A_19 step %scan3A_20  : i32 {
      %mul3A_37 = arith.constant 4 : i32
      %mul3A_38 = arith.muli %scan3A_36, %mul3A_37 : i32
      %add3A = arith.constant 0 : i32
      %add3A_39 = arith.addi %mul3A_38, %add3A : i32
      %ge3A = arith.constant 2 : i32
      %ge3A_40 = arith.cmpi sge, %add3A_39, %ge3A : i32
      %convert_element_type3A = arith.extui %ge3A_40 : i1 to i32
      %cond3A = arith.constant 0 : i32
      %cond3A_41 = arith.cmpi ne, %convert_element_type3A, %cond3A : i32
      scf.if %cond3A_41 {
        %sub3A = arith.constant 2 : i32
        %sub3A_144 = arith.subi %add3A_39, %sub3A : i32
        %dma_wait3A_145 = arith.constant 0 : i32
        %dma_wait3A_146 = tpu.memref_slice %arg7[%sub3A_144, %dma_wait3A_145] : memref<160x128xi32, #tpu.memory_space<vmem>> -> memref<1x128xi32, #tpu.memory_space<vmem>>
        %dma_wait3A_147 = tpu.memref_squeeze %dma_wait3A_146 : memref<1x128xi32, #tpu.memory_space<vmem>> -> memref<128xi32, #tpu.memory_space<vmem>>
        %dma_wait3A_148 = arith.constant 0 : i32
        %dma_wait3A_149 = arith.constant 0 : i32
        %dma_wait3A_150 = tpu.memref_slice %arg13[%dma_wait3A_148, %dma_wait3A_149] : memref<10112x64xbf16, #tpu.memory_space<vmem_shared>> -> memref<10112x64xbf16, #tpu.memory_space<vmem_shared>>
        tpu.wait_indirect_dma semaphore(%arg20 : memref<!tpu.dma_semaphore, #tpu.memory_space<semaphore_mem>>) src(%arg10 : memref<128x64xbf16, #tpu.memory_space<vmem>>) dst(%dma_wait3A_150 : memref<10112x64xbf16, #tpu.memory_space<vmem_shared>>)
      } else {
      }
      %add3A_42 = arith.constant 2 : i32
      %add3A_43 = arith.addi %add3A_39, %add3A_42 : i32
      %lt3A = arith.constant 160 : i32
      %lt3A_44 = arith.cmpi slt, %add3A_43, %lt3A : i32
      %convert_element_type3A_45 = arith.extui %lt3A_44 : i1 to i32
      %cond3A_46 = arith.constant 0 : i32
      %cond3A_47 = arith.cmpi ne, %convert_element_type3A_45, %cond3A_46 : i32
      scf.if %cond3A_47 {
        %add3A_144 = arith.constant 2 : i32
        %add3A_145 = arith.addi %add3A_39, %add3A_144 : i32
        %dma_start3A_146 = arith.constant 0 : i32
        %dma_start3A_147 = tpu.memref_slice %arg6[%add3A_145, %dma_start3A_146] : memref<160x128xi32, #tpu.memory_space<vmem>> -> memref<1x128xi32, #tpu.memory_space<vmem>>
        %dma_start3A_148 = tpu.memref_squeeze %dma_start3A_147 : memref<1x128xi32, #tpu.memory_space<vmem>> -> memref<128xi32, #tpu.memory_space<vmem>>
        %dma_start3A_149 = arith.constant 0 : i32
        %dma_start3A_150 = arith.constant 0 : i32
        %dma_start3A_151 = tpu.memref_slice %arg12[%dma_start3A_149, %dma_start3A_150] : memref<10112x64xbf16, #tpu.memory_space<vmem_shared>> -> memref<10112x64xbf16, #tpu.memory_space<vmem_shared>>
        tpu.enqueue_indirect_dma source(%dma_start3A_151 : memref<10112x64xbf16, #tpu.memory_space<vmem_shared>>) target(%arg10 : memref<128x64xbf16, #tpu.memory_space<vmem>>) offsets(%dma_start3A_148 : memref<128xi32, #tpu.memory_space<vmem>>) semaphore(%arg16 : memref<!tpu.dma_semaphore, #tpu.memory_space<semaphore_mem>>)
      } else {
      }
      %dma_wait3A_48 = arith.constant 0 : i32
      %dma_wait3A_49 = tpu.memref_slice %arg6[%add3A_39, %dma_wait3A_48] : memref<160x128xi32, #tpu.memory_space<vmem>> -> memref<1x128xi32, #tpu.memory_space<vmem>>
      %dma_wait3A_50 = tpu.memref_squeeze %dma_wait3A_49 : memref<1x128xi32, #tpu.memory_space<vmem>> -> memref<128xi32, #tpu.memory_space<vmem>>
      %dma_wait3A_51 = arith.constant 0 : i32
      %dma_wait3A_52 = arith.constant 0 : i32
      %dma_wait3A_53 = tpu.memref_slice %arg12[%dma_wait3A_51, %dma_wait3A_52] : memref<10112x64xbf16, #tpu.memory_space<vmem_shared>> -> memref<10112x64xbf16, #tpu.memory_space<vmem_shared>>
      tpu.wait_indirect_dma semaphore(%arg14 : memref<!tpu.dma_semaphore, #tpu.memory_space<semaphore_mem>>) src(%dma_wait3A_53 : memref<10112x64xbf16, #tpu.memory_space<vmem_shared>>) dst(%arg8 : memref<128x64xbf16, #tpu.memory_space<vmem>>)
      %dma_start3A_54 = arith.constant 0 : i32
      %dma_start3A_55 = tpu.memref_slice %arg7[%add3A_39, %dma_start3A_54] : memref<160x128xi32, #tpu.memory_space<vmem>> -> memref<1x128xi32, #tpu.memory_space<vmem>>
      %dma_start3A_56 = tpu.memref_squeeze %dma_start3A_55 : memref<1x128xi32, #tpu.memory_space<vmem>> -> memref<128xi32, #tpu.memory_space<vmem>>
      %dma_start3A_57 = arith.constant 0 : i32
      %dma_start3A_58 = arith.constant 0 : i32
      %dma_start3A_59 = tpu.memref_slice %arg13[%dma_start3A_57, %dma_start3A_58] : memref<10112x64xbf16, #tpu.memory_space<vmem_shared>> -> memref<10112x64xbf16, #tpu.memory_space<vmem_shared>>
      tpu.enqueue_indirect_dma source(%arg8 : memref<128x64xbf16, #tpu.memory_space<vmem>>) target(%dma_start3A_59 : memref<10112x64xbf16, #tpu.memory_space<vmem_shared>>) offsets(%dma_start3A_56 : memref<128xi32, #tpu.memory_space<vmem>>) semaphore(%arg18 : memref<!tpu.dma_semaphore, #tpu.memory_space<semaphore_mem>>) {add = true}
      %mul3A_60 = arith.constant 4 : i32
      %mul3A_61 = arith.muli %scan3A_36, %mul3A_60 : i32
      %add3A_62 = arith.constant 1 : i32
      %add3A_63 = arith.addi %mul3A_61, %add3A_62 : i32
      %ge3A_64 = arith.constant 2 : i32
      %ge3A_65 = arith.cmpi sge, %add3A_63, %ge3A_64 : i32
      %convert_element_type3A_66 = arith.extui %ge3A_65 : i1 to i32
      %cond3A_67 = arith.constant 0 : i32
      %cond3A_68 = arith.cmpi ne, %convert_element_type3A_66, %cond3A_67 : i32
      scf.if %cond3A_68 {
        %sub3A = arith.constant 2 : i32
        %sub3A_144 = arith.subi %add3A_63, %sub3A : i32
        %dma_wait3A_145 = arith.constant 0 : i32
        %dma_wait3A_146 = tpu.memref_slice %arg7[%sub3A_144, %dma_wait3A_145] : memref<160x128xi32, #tpu.memory_space<vmem>> -> memref<1x128xi32, #tpu.memory_space<vmem>>
        %dma_wait3A_147 = tpu.memref_squeeze %dma_wait3A_146 : memref<1x128xi32, #tpu.memory_space<vmem>> -> memref<128xi32, #tpu.memory_space<vmem>>
        %dma_wait3A_148 = arith.constant 0 : i32
        %dma_wait3A_149 = arith.constant 0 : i32
        %dma_wait3A_150 = tpu.memref_slice %arg13[%dma_wait3A_148, %dma_wait3A_149] : memref<10112x64xbf16, #tpu.memory_space<vmem_shared>> -> memref<10112x64xbf16, #tpu.memory_space<vmem_shared>>
        tpu.wait_indirect_dma semaphore(%arg21 : memref<!tpu.dma_semaphore, #tpu.memory_space<semaphore_mem>>) src(%arg11 : memref<128x64xbf16, #tpu.memory_space<vmem>>) dst(%dma_wait3A_150 : memref<10112x64xbf16, #tpu.memory_space<vmem_shared>>)
      } else {
      }
      %add3A_69 = arith.constant 2 : i32
      %add3A_70 = arith.addi %add3A_63, %add3A_69 : i32
      %lt3A_71 = arith.constant 160 : i32
      %lt3A_72 = arith.cmpi slt, %add3A_70, %lt3A_71 : i32
      %convert_element_type3A_73 = arith.extui %lt3A_72 : i1 to i32
      %cond3A_74 = arith.constant 0 : i32
      %cond3A_75 = arith.cmpi ne, %convert_element_type3A_73, %cond3A_74 : i32
      scf.if %cond3A_75 {
        %add3A_144 = arith.constant 2 : i32
        %add3A_145 = arith.addi %add3A_63, %add3A_144 : i32
        %dma_start3A_146 = arith.constant 0 : i32
        %dma_start3A_147 = tpu.memref_slice %arg6[%add3A_145, %dma_start3A_146] : memref<160x128xi32, #tpu.memory_space<vmem>> -> memref<1x128xi32, #tpu.memory_space<vmem>>
        %dma_start3A_148 = tpu.memref_squeeze %dma_start3A_147 : memref<1x128xi32, #tpu.memory_space<vmem>> -> memref<128xi32, #tpu.memory_space<vmem>>
        %dma_start3A_149 = arith.constant 0 : i32
        %dma_start3A_150 = arith.constant 0 : i32
        %dma_start3A_151 = tpu.memref_slice %arg12[%dma_start3A_149, %dma_start3A_150] : memref<10112x64xbf16, #tpu.memory_space<vmem_shared>> -> memref<10112x64xbf16, #tpu.memory_space<vmem_shared>>
        tpu.enqueue_indirect_dma source(%dma_start3A_151 : memref<10112x64xbf16, #tpu.memory_space<vmem_shared>>) target(%arg11 : memref<128x64xbf16, #tpu.memory_space<vmem>>) offsets(%dma_start3A_148 : memref<128xi32, #tpu.memory_space<vmem>>) semaphore(%arg17 : memref<!tpu.dma_semaphore, #tpu.memory_space<semaphore_mem>>)
      } else {
      }
      %dma_wait3A_76 = arith.constant 0 : i32
      %dma_wait3A_77 = tpu.memref_slice %arg6[%add3A_63, %dma_wait3A_76] : memref<160x128xi32, #tpu.memory_space<vmem>> -> memref<1x128xi32, #tpu.memory_space<vmem>>
      %dma_wait3A_78 = tpu.memref_squeeze %dma_wait3A_77 : memref<1x128xi32, #tpu.memory_space<vmem>> -> memref<128xi32, #tpu.memory_space<vmem>>
      %dma_wait3A_79 = arith.constant 0 : i32
      %dma_wait3A_80 = arith.constant 0 : i32
      %dma_wait3A_81 = tpu.memref_slice %arg12[%dma_wait3A_79, %dma_wait3A_80] : memref<10112x64xbf16, #tpu.memory_space<vmem_shared>> -> memref<10112x64xbf16, #tpu.memory_space<vmem_shared>>
      tpu.wait_indirect_dma semaphore(%arg15 : memref<!tpu.dma_semaphore, #tpu.memory_space<semaphore_mem>>) src(%dma_wait3A_81 : memref<10112x64xbf16, #tpu.memory_space<vmem_shared>>) dst(%arg9 : memref<128x64xbf16, #tpu.memory_space<vmem>>)
      %dma_start3A_82 = arith.constant 0 : i32
      %dma_start3A_83 = tpu.memref_slice %arg7[%add3A_63, %dma_start3A_82] : memref<160x128xi32, #tpu.memory_space<vmem>> -> memref<1x128xi32, #tpu.memory_space<vmem>>
      %dma_start3A_84 = tpu.memref_squeeze %dma_start3A_83 : memref<1x128xi32, #tpu.memory_space<vmem>> -> memref<128xi32, #tpu.memory_space<vmem>>
      %dma_start3A_85 = arith.constant 0 : i32
      %dma_start3A_86 = arith.constant 0 : i32
      %dma_start3A_87 = tpu.memref_slice %arg13[%dma_start3A_85, %dma_start3A_86] : memref<10112x64xbf16, #tpu.memory_space<vmem_shared>> -> memref<10112x64xbf16, #tpu.memory_space<vmem_shared>>
      tpu.enqueue_indirect_dma source(%arg9 : memref<128x64xbf16, #tpu.memory_space<vmem>>) target(%dma_start3A_87 : memref<10112x64xbf16, #tpu.memory_space<vmem_shared>>) offsets(%dma_start3A_84 : memref<128xi32, #tpu.memory_space<vmem>>) semaphore(%arg19 : memref<!tpu.dma_semaphore, #tpu.memory_space<semaphore_mem>>) {add = true}
      %mul3A_88 = arith.constant 4 : i32
      %mul3A_89 = arith.muli %scan3A_36, %mul3A_88 : i32
      %add3A_90 = arith.constant 2 : i32
      %add3A_91 = arith.addi %mul3A_89, %add3A_90 : i32
      %ge3A_92 = arith.constant 2 : i32
      %ge3A_93 = arith.cmpi sge, %add3A_91, %ge3A_92 : i32
      %convert_element_type3A_94 = arith.extui %ge3A_93 : i1 to i32
      %cond3A_95 = arith.constant 0 : i32
      %cond3A_96 = arith.cmpi ne, %convert_element_type3A_94, %cond3A_95 : i32
      scf.if %cond3A_96 {
        %sub3A = arith.constant 2 : i32
        %sub3A_144 = arith.subi %add3A_91, %sub3A : i32
        %dma_wait3A_145 = arith.constant 0 : i32
        %dma_wait3A_146 = tpu.memref_slice %arg7[%sub3A_144, %dma_wait3A_145] : memref<160x128xi32, #tpu.memory_space<vmem>> -> memref<1x128xi32, #tpu.memory_space<vmem>>
        %dma_wait3A_147 = tpu.memref_squeeze %dma_wait3A_146 : memref<1x128xi32, #tpu.memory_space<vmem>> -> memref<128xi32, #tpu.memory_space<vmem>>
        %dma_wait3A_148 = arith.constant 0 : i32
        %dma_wait3A_149 = arith.constant 0 : i32
        %dma_wait3A_150 = tpu.memref_slice %arg13[%dma_wait3A_148, %dma_wait3A_149] : memref<10112x64xbf16, #tpu.memory_space<vmem_shared>> -> memref<10112x64xbf16, #tpu.memory_space<vmem_shared>>
        tpu.wait_indirect_dma semaphore(%arg18 : memref<!tpu.dma_semaphore, #tpu.memory_space<semaphore_mem>>) src(%arg8 : memref<128x64xbf16, #tpu.memory_space<vmem>>) dst(%dma_wait3A_150 : memref<10112x64xbf16, #tpu.memory_space<vmem_shared>>)
      } else {
      }
      %add3A_97 = arith.constant 2 : i32
      %add3A_98 = arith.addi %add3A_91, %add3A_97 : i32
      %lt3A_99 = arith.constant 160 : i32
      %lt3A_100 = arith.cmpi slt, %add3A_98, %lt3A_99 : i32
      %convert_element_type3A_101 = arith.extui %lt3A_100 : i1 to i32
      %cond3A_102 = arith.constant 0 : i32
      %cond3A_103 = arith.cmpi ne, %convert_element_type3A_101, %cond3A_102 : i32
      scf.if %cond3A_103 {
        %add3A_144 = arith.constant 2 : i32
        %add3A_145 = arith.addi %add3A_91, %add3A_144 : i32
        %dma_start3A_146 = arith.constant 0 : i32
        %dma_start3A_147 = tpu.memref_slice %arg6[%add3A_145, %dma_start3A_146] : memref<160x128xi32, #tpu.memory_space<vmem>> -> memref<1x128xi32, #tpu.memory_space<vmem>>
        %dma_start3A_148 = tpu.memref_squeeze %dma_start3A_147 : memref<1x128xi32, #tpu.memory_space<vmem>> -> memref<128xi32, #tpu.memory_space<vmem>>
        %dma_start3A_149 = arith.constant 0 : i32
        %dma_start3A_150 = arith.constant 0 : i32
        %dma_start3A_151 = tpu.memref_slice %arg12[%dma_start3A_149, %dma_start3A_150] : memref<10112x64xbf16, #tpu.memory_space<vmem_shared>> -> memref<10112x64xbf16, #tpu.memory_space<vmem_shared>>
        tpu.enqueue_indirect_dma source(%dma_start3A_151 : memref<10112x64xbf16, #tpu.memory_space<vmem_shared>>) target(%arg8 : memref<128x64xbf16, #tpu.memory_space<vmem>>) offsets(%dma_start3A_148 : memref<128xi32, #tpu.memory_space<vmem>>) semaphore(%arg14 : memref<!tpu.dma_semaphore, #tpu.memory_space<semaphore_mem>>)
      } else {
      }
      %dma_wait3A_104 = arith.constant 0 : i32
      %dma_wait3A_105 = tpu.memref_slice %arg6[%add3A_91, %dma_wait3A_104] : memref<160x128xi32, #tpu.memory_space<vmem>> -> memref<1x128xi32, #tpu.memory_space<vmem>>
      %dma_wait3A_106 = tpu.memref_squeeze %dma_wait3A_105 : memref<1x128xi32, #tpu.memory_space<vmem>> -> memref<128xi32, #tpu.memory_space<vmem>>
      %dma_wait3A_107 = arith.constant 0 : i32
      %dma_wait3A_108 = arith.constant 0 : i32
      %dma_wait3A_109 = tpu.memref_slice %arg12[%dma_wait3A_107, %dma_wait3A_108] : memref<10112x64xbf16, #tpu.memory_space<vmem_shared>> -> memref<10112x64xbf16, #tpu.memory_space<vmem_shared>>
      tpu.wait_indirect_dma semaphore(%arg16 : memref<!tpu.dma_semaphore, #tpu.memory_space<semaphore_mem>>) src(%dma_wait3A_109 : memref<10112x64xbf16, #tpu.memory_space<vmem_shared>>) dst(%arg10 : memref<128x64xbf16, #tpu.memory_space<vmem>>)
      %dma_start3A_110 = arith.constant 0 : i32
      %dma_start3A_111 = tpu.memref_slice %arg7[%add3A_91, %dma_start3A_110] : memref<160x128xi32, #tpu.memory_space<vmem>> -> memref<1x128xi32, #tpu.memory_space<vmem>>
      %dma_start3A_112 = tpu.memref_squeeze %dma_start3A_111 : memref<1x128xi32, #tpu.memory_space<vmem>> -> memref<128xi32, #tpu.memory_space<vmem>>
      %dma_start3A_113 = arith.constant 0 : i32
      %dma_start3A_114 = arith.constant 0 : i32
      %dma_start3A_115 = tpu.memref_slice %arg13[%dma_start3A_113, %dma_start3A_114] : memref<10112x64xbf16, #tpu.memory_space<vmem_shared>> -> memref<10112x64xbf16, #tpu.memory_space<vmem_shared>>
      tpu.enqueue_indirect_dma source(%arg10 : memref<128x64xbf16, #tpu.memory_space<vmem>>) target(%dma_start3A_115 : memref<10112x64xbf16, #tpu.memory_space<vmem_shared>>) offsets(%dma_start3A_112 : memref<128xi32, #tpu.memory_space<vmem>>) semaphore(%arg20 : memref<!tpu.dma_semaphore, #tpu.memory_space<semaphore_mem>>) {add = true}
      %mul3A_116 = arith.constant 4 : i32
      %mul3A_117 = arith.muli %scan3A_36, %mul3A_116 : i32
      %add3A_118 = arith.constant 3 : i32
      %add3A_119 = arith.addi %mul3A_117, %add3A_118 : i32
      %ge3A_120 = arith.constant 2 : i32
      %ge3A_121 = arith.cmpi sge, %add3A_119, %ge3A_120 : i32
      %convert_element_type3A_122 = arith.extui %ge3A_121 : i1 to i32
      %cond3A_123 = arith.constant 0 : i32
      %cond3A_124 = arith.cmpi ne, %convert_element_type3A_122, %cond3A_123 : i32
      scf.if %cond3A_124 {
        %sub3A = arith.constant 2 : i32
        %sub3A_144 = arith.subi %add3A_119, %sub3A : i32
        %dma_wait3A_145 = arith.constant 0 : i32
        %dma_wait3A_146 = tpu.memref_slice %arg7[%sub3A_144, %dma_wait3A_145] : memref<160x128xi32, #tpu.memory_space<vmem>> -> memref<1x128xi32, #tpu.memory_space<vmem>>
        %dma_wait3A_147 = tpu.memref_squeeze %dma_wait3A_146 : memref<1x128xi32, #tpu.memory_space<vmem>> -> memref<128xi32, #tpu.memory_space<vmem>>
        %dma_wait3A_148 = arith.constant 0 : i32
        %dma_wait3A_149 = arith.constant 0 : i32
        %dma_wait3A_150 = tpu.memref_slice %arg13[%dma_wait3A_148, %dma_wait3A_149] : memref<10112x64xbf16, #tpu.memory_space<vmem_shared>> -> memref<10112x64xbf16, #tpu.memory_space<vmem_shared>>
        tpu.wait_indirect_dma semaphore(%arg19 : memref<!tpu.dma_semaphore, #tpu.memory_space<semaphore_mem>>) src(%arg9 : memref<128x64xbf16, #tpu.memory_space<vmem>>) dst(%dma_wait3A_150 : memref<10112x64xbf16, #tpu.memory_space<vmem_shared>>)
      } else {
      }
      %add3A_125 = arith.constant 2 : i32
      %add3A_126 = arith.addi %add3A_119, %add3A_125 : i32
      %lt3A_127 = arith.constant 160 : i32
      %lt3A_128 = arith.cmpi slt, %add3A_126, %lt3A_127 : i32
      %convert_element_type3A_129 = arith.extui %lt3A_128 : i1 to i32
      %cond3A_130 = arith.constant 0 : i32
      %cond3A_131 = arith.cmpi ne, %convert_element_type3A_129, %cond3A_130 : i32
      scf.if %cond3A_131 {
        %add3A_144 = arith.constant 2 : i32
        %add3A_145 = arith.addi %add3A_119, %add3A_144 : i32
        %dma_start3A_146 = arith.constant 0 : i32
        %dma_start3A_147 = tpu.memref_slice %arg6[%add3A_145, %dma_start3A_146] : memref<160x128xi32, #tpu.memory_space<vmem>> -> memref<1x128xi32, #tpu.memory_space<vmem>>
        %dma_start3A_148 = tpu.memref_squeeze %dma_start3A_147 : memref<1x128xi32, #tpu.memory_space<vmem>> -> memref<128xi32, #tpu.memory_space<vmem>>
        %dma_start3A_149 = arith.constant 0 : i32
        %dma_start3A_150 = arith.constant 0 : i32
        %dma_start3A_151 = tpu.memref_slice %arg12[%dma_start3A_149, %dma_start3A_150] : memref<10112x64xbf16, #tpu.memory_space<vmem_shared>> -> memref<10112x64xbf16, #tpu.memory_space<vmem_shared>>
        tpu.enqueue_indirect_dma source(%dma_start3A_151 : memref<10112x64xbf16, #tpu.memory_space<vmem_shared>>) target(%arg9 : memref<128x64xbf16, #tpu.memory_space<vmem>>) offsets(%dma_start3A_148 : memref<128xi32, #tpu.memory_space<vmem>>) semaphore(%arg15 : memref<!tpu.dma_semaphore, #tpu.memory_space<semaphore_mem>>)
      } else {
      }
      %dma_wait3A_132 = arith.constant 0 : i32
      %dma_wait3A_133 = tpu.memref_slice %arg6[%add3A_119, %dma_wait3A_132] : memref<160x128xi32, #tpu.memory_space<vmem>> -> memref<1x128xi32, #tpu.memory_space<vmem>>
      %dma_wait3A_134 = tpu.memref_squeeze %dma_wait3A_133 : memref<1x128xi32, #tpu.memory_space<vmem>> -> memref<128xi32, #tpu.memory_space<vmem>>
      %dma_wait3A_135 = arith.constant 0 : i32
      %dma_wait3A_136 = arith.constant 0 : i32
      %dma_wait3A_137 = tpu.memref_slice %arg12[%dma_wait3A_135, %dma_wait3A_136] : memref<10112x64xbf16, #tpu.memory_space<vmem_shared>> -> memref<10112x64xbf16, #tpu.memory_space<vmem_shared>>
      tpu.wait_indirect_dma semaphore(%arg17 : memref<!tpu.dma_semaphore, #tpu.memory_space<semaphore_mem>>) src(%dma_wait3A_137 : memref<10112x64xbf16, #tpu.memory_space<vmem_shared>>) dst(%arg11 : memref<128x64xbf16, #tpu.memory_space<vmem>>)
      %dma_start3A_138 = arith.constant 0 : i32
      %dma_start3A_139 = tpu.memref_slice %arg7[%add3A_119, %dma_start3A_138] : memref<160x128xi32, #tpu.memory_space<vmem>> -> memref<1x128xi32, #tpu.memory_space<vmem>>
      %dma_start3A_140 = tpu.memref_squeeze %dma_start3A_139 : memref<1x128xi32, #tpu.memory_space<vmem>> -> memref<128xi32, #tpu.memory_space<vmem>>
      %dma_start3A_141 = arith.constant 0 : i32
      %dma_start3A_142 = arith.constant 0 : i32
      %dma_start3A_143 = tpu.memref_slice %arg13[%dma_start3A_141, %dma_start3A_142] : memref<10112x64xbf16, #tpu.memory_space<vmem_shared>> -> memref<10112x64xbf16, #tpu.memory_space<vmem_shared>>
      tpu.enqueue_indirect_dma source(%arg11 : memref<128x64xbf16, #tpu.memory_space<vmem>>) target(%dma_start3A_143 : memref<10112x64xbf16, #tpu.memory_space<vmem_shared>>) offsets(%dma_start3A_140 : memref<128xi32, #tpu.memory_space<vmem>>) semaphore(%arg21 : memref<!tpu.dma_semaphore, #tpu.memory_space<semaphore_mem>>) {add = true}
    }
    %scan3A_21 = arith.constant 40 : i32
    %dma_wait3A = arith.constant 158 : i32
    %dma_wait3A_22 = arith.constant 0 : i32
    %dma_wait3A_23 = tpu.memref_slice %arg7[%dma_wait3A, %dma_wait3A_22] : memref<160x128xi32, #tpu.memory_space<vmem>> -> memref<1x128xi32, #tpu.memory_space<vmem>>
    %dma_wait3A_24 = tpu.memref_squeeze %dma_wait3A_23 : memref<1x128xi32, #tpu.memory_space<vmem>> -> memref<128xi32, #tpu.memory_space<vmem>>
    %dma_wait3A_25 = arith.constant 0 : i32
    %dma_wait3A_26 = arith.constant 0 : i32
    %dma_wait3A_27 = tpu.memref_slice %arg13[%dma_wait3A_25, %dma_wait3A_26] : memref<10112x64xbf16, #tpu.memory_space<vmem_shared>> -> memref<10112x64xbf16, #tpu.memory_space<vmem_shared>>
    tpu.wait_indirect_dma semaphore(%arg20 : memref<!tpu.dma_semaphore, #tpu.memory_space<semaphore_mem>>) src(%arg10 : memref<128x64xbf16, #tpu.memory_space<vmem>>) dst(%dma_wait3A_27 : memref<10112x64xbf16, #tpu.memory_space<vmem_shared>>)
    %dma_wait3A_28 = arith.constant 159 : i32
    %dma_wait3A_29 = arith.constant 0 : i32
    %dma_wait3A_30 = tpu.memref_slice %arg7[%dma_wait3A_28, %dma_wait3A_29] : memref<160x128xi32, #tpu.memory_space<vmem>> -> memref<1x128xi32, #tpu.memory_space<vmem>>
    %dma_wait3A_31 = tpu.memref_squeeze %dma_wait3A_30 : memref<1x128xi32, #tpu.memory_space<vmem>> -> memref<128xi32, #tpu.memory_space<vmem>>
    %dma_wait3A_32 = arith.constant 0 : i32
    %dma_wait3A_33 = arith.constant 0 : i32
    %dma_wait3A_34 = tpu.memref_slice %arg13[%dma_wait3A_32, %dma_wait3A_33] : memref<10112x64xbf16, #tpu.memory_space<vmem_shared>> -> memref<10112x64xbf16, #tpu.memory_space<vmem_shared>>
    tpu.wait_indirect_dma semaphore(%arg21 : memref<!tpu.dma_semaphore, #tpu.memory_space<semaphore_mem>>) src(%arg11 : memref<128x64xbf16, #tpu.memory_space<vmem>>) dst(%dma_wait3A_34 : memref<10112x64xbf16, #tpu.memory_space<vmem_shared>>)
    %barrier3A_35 = arith.constant 0 : index
    tpu.barrier barrier_id(%barrier3A_35)
    "tpu.region"() ({
      %run_scoped3A_36 = tpu.sem_alloc : memref<!tpu.dma_semaphore, #tpu.memory_space<semaphore_mem>>
      %dma_start3A_37 = arith.constant 0 : i32
      %dma_start3A_38 = tpu.memref_slice %arg5[%arg0, %mul3A_0, %dma_start3A_37] : memref<2x10112x64xbf16, #tpu.memory_space<hbm>> -> memref<1x632x64xbf16, #tpu.memory_space<hbm>>
      %dma_start3A_39 = tpu.memref_squeeze %dma_start3A_38 : memref<1x632x64xbf16, #tpu.memory_space<hbm>> -> memref<632x64xbf16, #tpu.memory_space<hbm>>
      %dma_start3A_40 = arith.constant 0 : i32
      %dma_start3A_41 = tpu.memref_slice %arg13[%mul3A_0, %dma_start3A_40] : memref<10112x64xbf16, #tpu.memory_space<vmem_shared>> -> memref<632x64xbf16, #tpu.memory_space<vmem_shared>>
      tpu.enqueue_dma source(%dma_start3A_41 : memref<632x64xbf16, #tpu.memory_space<vmem_shared>>) target(%dma_start3A_39 : memref<632x64xbf16, #tpu.memory_space<hbm>>) target_semaphore(%run_scoped3A_36 : memref<!tpu.dma_semaphore, #tpu.memory_space<semaphore_mem>>)
      %dma_wait3A_42 = arith.constant 0 : i32
      %dma_wait3A_43 = tpu.memref_slice %arg5[%arg0, %mul3A_0, %dma_wait3A_42] : memref<2x10112x64xbf16, #tpu.memory_space<hbm>> -> memref<1x632x64xbf16, #tpu.memory_space<hbm>>
      %dma_wait3A_44 = tpu.memref_squeeze %dma_wait3A_43 : memref<1x632x64xbf16, #tpu.memory_space<hbm>> -> memref<632x64xbf16, #tpu.memory_space<hbm>>
      %dma_wait3A_45 = arith.constant 0 : i32
      %dma_wait3A_46 = tpu.memref_slice %arg13[%mul3A_0, %dma_wait3A_45] : memref<10112x64xbf16, #tpu.memory_space<vmem_shared>> -> memref<632x64xbf16, #tpu.memory_space<vmem_shared>>
      tpu.wait_dma2 semaphore(%run_scoped3A_36 : memref<!tpu.dma_semaphore, #tpu.memory_space<semaphore_mem>>) src(%dma_wait3A_46 : memref<632x64xbf16, #tpu.memory_space<vmem_shared>>) dst(%dma_wait3A_44 : memref<632x64xbf16, #tpu.memory_space<hbm>>)
      tpu.yield
    }) : () -> ()
    return
  }
}

module attributes {stable_mosaic.version = 14 : i64} {
  func.func @_kprep_body(%arg0: memref<2x320000xi32, #tpu.memory_space<vmem>>, %arg1: memref<2x327680xi32, #tpu.memory_space<vmem>>) attributes {dimension_semantics = [], scalar_prefetch = 0 : i64, scratch_operands = 0 : i64, tpu.core_type = #tpu.core_type<tc>} {
    %get3A = arith.constant 0 : index
    %get3A_0 = arith.constant 0 : index
    %get3A_1 = vector.load %arg0[%get3A, %get3A_0] : memref<2x320000xi32, #tpu.memory_space<vmem>>, vector<2x320000xi32>
    %swap3A = arith.constant 0 : index
    %swap3A_2 = arith.constant 0 : index
    %swap3A_3 = vector.load %arg1[%swap3A, %swap3A_2] : memref<2x327680xi32, #tpu.memory_space<vmem>>, vector<2x320000xi32>
    tpu.vector_store %arg1[%swap3A, %swap3A_2], %get3A_1 {strides = array<i32>} : memref<2x327680xi32, #tpu.memory_space<vmem>>, vector<2x320000xi32>,
    %broadcast_in_dim3A = arith.constant 10000 : i32
    %broadcast_in_dim3A_4 = vector.broadcast %broadcast_in_dim3A : i32 to vector<2x7680xi32>
    %swap3A_5 = arith.constant 0 : index
    %swap3A_6 = arith.constant 320000 : index
    %swap3A_7 = vector.load %arg1[%swap3A_5, %swap3A_6] : memref<2x327680xi32, #tpu.memory_space<vmem>>, vector<2x7680xi32>
    tpu.vector_store %arg1[%swap3A_5, %swap3A_6], %broadcast_in_dim3A_4 {strides = array<i32>} : memref<2x327680xi32, #tpu.memory_space<vmem>>, vector<2x7680xi32>,
    return
  }
}

module attributes {stable_mosaic.version = 14 : i64} {
  func.func @_k0_body(%arg0: i32, %arg1: memref<2x1264x16xf32, #tpu.memory_space<vmem>>, %arg2: memref<1264x128xf32, #tpu.memory_space<vmem>>, %arg3: memref<2x1264x64xbf16, #tpu.memory_space<vmem>>, %arg4: memref<1264x128xf32, #tpu.memory_space<vmem>>) attributes {dimension_semantics = [#tpu.dimension_semantics<arbitrary>], iteration_bounds = array<i64: 8>, scalar_prefetch = 0 : i64, scratch_operands = 0 : i64, tpu.core_type = #tpu.core_type<tc>, window_params = [{transform_indices = @transform_0, window_bounds = array<i64: 2, 1264, 16>}, {transform_indices = @transform_1, window_bounds = array<i64: 1264, 128>}, {transform_indices = @transform_2, window_bounds = array<i64: 2, 1264, 64>}, {transform_indices = @transform_3, window_bounds = array<i64: 1264, 128>}]} {
    %mul3A = arith.constant 1264 : i32
    %mul3A_0 = arith.muli %arg0, %mul3A : i32
    %iota3A = tpu.iota {dimensions = array<i32: 0>} : vector<1264x1xi32>
    %add3A = vector.broadcast %mul3A_0 : i32 to vector<1264x1xi32>
    %add3A_1 = arith.addi %add3A, %iota3A : vector<1264x1xi32>
    %lt3A = arith.constant 10000 : i32
    %lt3A_2 = vector.broadcast %lt3A : i32 to vector<1264x1xi32>
    %lt3A_3 = arith.cmpi slt, %add3A_1, %lt3A_2 : vector<1264x1xi32>
    %get3A = arith.constant 0 : index
    %get3A_4 = arith.constant 0 : index
    %get3A_5 = arith.constant 0 : index
    %get3A_6 = vector.load %arg1[%get3A, %get3A_4, %get3A_5] : memref<2x1264x16xf32, #tpu.memory_space<vmem>>, vector<2x1264x16xf32>
    %slice3A = vector.extract_strided_slice %get3A_6 {offsets = [0, 0, 0], sizes = [1, 1264, 1], strides = [1, 1, 1]} : vector<2x1264x16xf32> to vector<1x1264x1xf32>
    %squeeze3A = vector.shape_cast %slice3A : vector<1x1264x1xf32> to vector<1264x1xf32>
    %slice3A_7 = vector.extract_strided_slice %get3A_6 {offsets = [1, 0, 0], sizes = [1, 1264, 1], strides = [1, 1, 1]} : vector<2x1264x16xf32> to vector<1x1264x1xf32>
    %squeeze3A_8 = vector.shape_cast %slice3A_7 : vector<1x1264x1xf32> to vector<1264x1xf32>
    %add3A_9 = arith.addf %squeeze3A, %squeeze3A_8 : vector<1264x1xf32>
    %gt3A = arith.constant 0.000000e+00 : f32
    %gt3A_10 = vector.broadcast %gt3A : f32 to vector<1264x1xf32>
    %gt3A_11 = arith.cmpf ogt, %add3A_9, %gt3A_10 : vector<1264x1xf32>
    %max3A = arith.constant 1.000000e+00 : f32
    %max3A_12 = vector.broadcast %max3A : f32 to vector<1264x1xf32>
    %max3A_13 = arith.maximumf %add3A_9, %max3A_12 : vector<1264x1xf32>
    %rsqrt3A = math.rsqrt %max3A_13 : vector<1264x1xf32>
    %jit3A = arith.constant 0.000000e+00 : f32
    %broadcast_in_dim3A = vector.broadcast %jit3A : f32 to vector<1264x1xf32>
    %select_n3A = arith.select %gt3A_11, %rsqrt3A, %broadcast_in_dim3A : vector<1264x1xi1>, vector<1264x1xf32>
    %jit3A_14 = arith.constant 0.000000e+00 : f32
    %broadcast_in_dim3A_15 = vector.broadcast %jit3A_14 : f32 to vector<1264x1xf32>
    %select_n3A_16 = arith.select %lt3A_3, %select_n3A, %broadcast_in_dim3A_15 : vector<1264x1xi1>, vector<1264x1xf32>
    %get3A_17 = arith.constant 0 : index
    %get3A_18 = arith.constant 0 : index
    %get3A_19 = vector.load %arg2[%get3A_17, %get3A_18] : memref<1264x128xf32, #tpu.memory_space<vmem>>, vector<1264x128xf32>
    %mul3A_20 = vector.broadcast %select_n3A_16 : vector<1264x1xf32> to vector<1264x128xf32>
    %mul3A_21 = arith.mulf %get3A_19, %mul3A_20 : vector<1264x128xf32>
    %convert_element_type3A = arith.truncf %mul3A_21 : vector<1264x128xf32> to vector<1264x128xbf16>
    %slice3A_22 = vector.extract_strided_slice %convert_element_type3A {offsets = [0, 0], sizes = [1264, 64], strides = [1, 1]} : vector<1264x128xbf16> to vector<1264x64xbf16>
    %swap3A = arith.constant 0 : index
    %swap3A_23 = arith.constant 0 : index
    %swap3A_24 = arith.constant 0 : index
    %swap3A_25 = vector.load %arg3[%swap3A, %swap3A_23, %swap3A_24] : memref<2x1264x64xbf16, #tpu.memory_space<vmem>>, vector<1x1264x64xbf16>
    %swap3A_26 = vector.shape_cast %swap3A_25 : vector<1x1264x64xbf16> to vector<1264x64xbf16>
    %swap3A_27 = vector.shape_cast %slice3A_22 : vector<1264x64xbf16> to vector<1x1264x64xbf16>
    tpu.vector_store %arg3[%swap3A, %swap3A_23, %swap3A_24], %swap3A_27 {strides = array<i32>} : memref<2x1264x64xbf16, #tpu.memory_space<vmem>>, vector<1x1264x64xbf16>,
    %slice3A_28 = vector.extract_strided_slice %convert_element_type3A {offsets = [0, 64], sizes = [1264, 64], strides = [1, 1]} : vector<1264x128xbf16> to vector<1264x64xbf16>
    %swap3A_29 = arith.constant 1 : index
    %swap3A_30 = arith.constant 0 : index
    %swap3A_31 = arith.constant 0 : index
    %swap3A_32 = vector.load %arg3[%swap3A_29, %swap3A_30, %swap3A_31] : memref<2x1264x64xbf16, #tpu.memory_space<vmem>>, vector<1x1264x64xbf16>
    %swap3A_33 = vector.shape_cast %swap3A_32 : vector<1x1264x64xbf16> to vector<1264x64xbf16>
    %swap3A_34 = vector.shape_cast %slice3A_28 : vector<1264x64xbf16> to vector<1x1264x64xbf16>
    tpu.vector_store %arg3[%swap3A_29, %swap3A_30, %swap3A_31], %swap3A_34 {strides = array<i32>} : memref<2x1264x64xbf16, #tpu.memory_space<vmem>>, vector<1x1264x64xbf16>,
    %broadcast_in_dim3A_35 = vector.shape_cast %select_n3A_16 : vector<1264x1xf32> to vector<1264x1xf32>
    %broadcast_in_dim3A_36 = vector.broadcast %broadcast_in_dim3A_35 : vector<1264x1xf32> to vector<1264x128xf32>
    %swap3A_37 = arith.constant 0 : index
    %swap3A_38 = arith.constant 0 : index
    %swap3A_39 = vector.load %arg4[%swap3A_37, %swap3A_38] : memref<1264x128xf32, #tpu.memory_space<vmem>>, vector<1264x128xf32>
    tpu.vector_store %arg4[%swap3A_37, %swap3A_38], %broadcast_in_dim3A_36 {strides = array<i32>} : memref<1264x128xf32, #tpu.memory_space<vmem>>, vector<1264x128xf32>,
    return
  }
  func.func @transform_0(%arg0: i32) -> (i32, i32, i32) {
    %c0_i32 = arith.constant 0 : i32
    %c0_i32_0 = arith.constant 0 : i32
    %c0_i32_1 = arith.constant 0 : i32
    return %c0_i32, %arg0, %c0_i32_0 : i32, i32, i32
  }
  func.func @transform_1(%arg0: i32) -> (i32, i32) {
    %c0_i32 = arith.constant 0 : i32
    %c0_i32_0 = arith.constant 0 : i32
    return %arg0, %c0_i32 : i32, i32
  }
  func.func @transform_2(%arg0: i32) -> (i32, i32, i32) {
    %c0_i32 = arith.constant 0 : i32
    %c0_i32_0 = arith.constant 0 : i32
    %c0_i32_1 = arith.constant 0 : i32
    return %c0_i32, %arg0, %c0_i32_0 : i32, i32, i32
  }
  func.func @transform_3(%arg0: i32) -> (i32, i32) {
    %c0_i32 = arith.constant 0 : i32
    %c0_i32_0 = arith.constant 0 : i32
    return %arg0, %c0_i32 : i32, i32
  }
}

module attributes {stable_mosaic.version = 14 : i64} {
  func.func @_k1_body(%arg0: i32, %arg1: memref<1264x128xf32, #tpu.memory_space<vmem>>, %arg2: memref<2x1264x64xbf16, #tpu.memory_space<vmem>>, %arg3: memref<128x128xf32, #tpu.memory_space<vmem>>, %arg4: memref<128xf32, #tpu.memory_space<vmem>>, %arg5: memref<2x1264x64xbf16, #tpu.memory_space<vmem>>) attributes {dimension_semantics = [#tpu.dimension_semantics<arbitrary>], iteration_bounds = array<i64: 8>, scalar_prefetch = 0 : i64, scratch_operands = 0 : i64, tpu.core_type = #tpu.core_type<tc>, window_params = [{transform_indices = @transform_0, window_bounds = array<i64: 1264, 128>}, {transform_indices = @transform_1, window_bounds = array<i64: 2, 1264, 64>}, {pipeline_mode = #tpu.pipeline_mode<synchronous>, transform_indices = @transform_2, window_bounds = array<i64: 128, 128>}, {pipeline_mode = #tpu.pipeline_mode<synchronous>, transform_indices = @transform_3, window_bounds = array<i64: 128>}, {transform_indices = @transform_4, window_bounds = array<i64: 2, 1264, 64>}]} {
    %get3A = arith.constant 0 : index
    %get3A_0 = arith.constant 0 : index
    %get3A_1 = vector.load %arg1[%get3A, %get3A_0] : memref<1264x128xf32, #tpu.memory_space<vmem>>, vector<1264x1xf32>
    %get3A_2 = arith.constant 0 : index
    %get3A_3 = arith.constant 0 : index
    %get3A_4 = arith.constant 0 : index
    %get3A_5 = vector.load %arg2[%get3A_2, %get3A_3, %get3A_4] : memref<2x1264x64xbf16, #tpu.memory_space<vmem>>, vector<1x1264x64xbf16>
    %get3A_6 = vector.shape_cast %get3A_5 : vector<1x1264x64xbf16> to vector<1264x64xbf16>
    %get3A_7 = arith.constant 1 : index
    %get3A_8 = arith.constant 0 : index
    %get3A_9 = arith.constant 0 : index
    %get3A_10 = vector.load %arg2[%get3A_7, %get3A_8, %get3A_9] : memref<2x1264x64xbf16, #tpu.memory_space<vmem>>, vector<1x1264x64xbf16>
    %get3A_11 = vector.shape_cast %get3A_10 : vector<1x1264x64xbf16> to vector<1264x64xbf16>
    %concatenate3A = tpu.concatenate %get3A_6, %get3A_11 in 1 : vector<1264x64xbf16>, vector<1264x64xbf16> -> vector<1264x128xbf16>
    %convert_element_type3A = arith.extf %concatenate3A : vector<1264x128xbf16> to vector<1264x128xf32>
    %mul3A = vector.broadcast %get3A_1 : vector<1264x1xf32> to vector<1264x128xf32>
    %mul3A_12 = arith.mulf %convert_element_type3A, %mul3A : vector<1264x128xf32>
    %get3A_13 = arith.constant 0 : index
    %get3A_14 = arith.constant 0 : index
    %get3A_15 = vector.load %arg3[%get3A_13, %get3A_14] : memref<128x128xf32, #tpu.memory_space<vmem>>, vector<128x128xf32>
    %dot_general3A = arith.constant dense<0.000000e+00> : vector<1264x128xf32>
    %dot_general3A_16 = tpu.matmul %mul3A_12, %get3A_15, %dot_general3A {dimension_numbers = #tpu.dot_dimension_numbers<[1], [0], [0], [1], [0, 0, 1, 1], [], []>, transpose_lhs_hint = false} : vector<1264x128xf32>, vector<128x128xf32>, vector<1264x128xf32> -> vector<1264x128xf32>
    %get3A_17 = arith.constant 0 : index
    %get3A_18 = vector.load %arg4[%get3A_17] : memref<128xf32, #tpu.memory_space<vmem>>, vector<128xf32>
    %broadcast_in_dim3A = vector.shape_cast %get3A_18 : vector<128xf32> to vector<1x128xf32>
    %add3A = vector.broadcast %broadcast_in_dim3A : vector<1x128xf32> to vector<1264x128xf32>
    %add3A_19 = arith.addf %dot_general3A_16, %add3A : vector<1264x128xf32>
    %max3A = arith.constant 0.000000e+00 : f32
    %max3A_20 = vector.broadcast %max3A : f32 to vector<1264x128xf32>
    %max3A_21 = arith.maximumf %add3A_19, %max3A_20 : vector<1264x128xf32>
    %mul3A_22 = vector.broadcast %get3A_1 : vector<1264x1xf32> to vector<1264x128xf32>
    %mul3A_23 = arith.mulf %max3A_21, %mul3A_22 : vector<1264x128xf32>
    %convert_element_type3A_24 = arith.truncf %mul3A_23 : vector<1264x128xf32> to vector<1264x128xbf16>
    %slice3A = vector.extract_strided_slice %convert_element_type3A_24 {offsets = [0, 0], sizes = [1264, 64], strides = [1, 1]} : vector<1264x128xbf16> to vector<1264x64xbf16>
    %swap3A = arith.constant 0 : index
    %swap3A_25 = arith.constant 0 : index
    %swap3A_26 = arith.constant 0 : index
    %swap3A_27 = vector.load %arg5[%swap3A, %swap3A_25, %swap3A_26] : memref<2x1264x64xbf16, #tpu.memory_space<vmem>>, vector<1x1264x64xbf16>
    %swap3A_28 = vector.shape_cast %swap3A_27 : vector<1x1264x64xbf16> to vector<1264x64xbf16>
    %swap3A_29 = vector.shape_cast %slice3A : vector<1264x64xbf16> to vector<1x1264x64xbf16>
    tpu.vector_store %arg5[%swap3A, %swap3A_25, %swap3A_26], %swap3A_29 {strides = array<i32>} : memref<2x1264x64xbf16, #tpu.memory_space<vmem>>, vector<1x1264x64xbf16>,
    %slice3A_30 = vector.extract_strided_slice %convert_element_type3A_24 {offsets = [0, 64], sizes = [1264, 64], strides = [1, 1]} : vector<1264x128xbf16> to vector<1264x64xbf16>
    %swap3A_31 = arith.constant 1 : index
    %swap3A_32 = arith.constant 0 : index
    %swap3A_33 = arith.constant 0 : index
    %swap3A_34 = vector.load %arg5[%swap3A_31, %swap3A_32, %swap3A_33] : memref<2x1264x64xbf16, #tpu.memory_space<vmem>>, vector<1x1264x64xbf16>
    %swap3A_35 = vector.shape_cast %swap3A_34 : vector<1x1264x64xbf16> to vector<1264x64xbf16>
    %swap3A_36 = vector.shape_cast %slice3A_30 : vector<1264x64xbf16> to vector<1x1264x64xbf16>
    tpu.vector_store %arg5[%swap3A_31, %swap3A_32, %swap3A_33], %swap3A_36 {strides = array<i32>} : memref<2x1264x64xbf16, #tpu.memory_space<vmem>>, vector<1x1264x64xbf16>,
    return
  }
  func.func @transform_0(%arg0: i32) -> (i32, i32) {
    %c0_i32 = arith.constant 0 : i32
    %c0_i32_0 = arith.constant 0 : i32
    return %arg0, %c0_i32 : i32, i32
  }
  func.func @transform_1(%arg0: i32) -> (i32, i32, i32) {
    %c0_i32 = arith.constant 0 : i32
    %c0_i32_0 = arith.constant 0 : i32
    %c0_i32_1 = arith.constant 0 : i32
    return %c0_i32, %arg0, %c0_i32_0 : i32, i32, i32
  }
  func.func @transform_2(%arg0: i32) -> (i32, i32) {
    %c0_i32 = arith.constant 0 : i32
    %c0_i32_0 = arith.constant 0 : i32
    %c0_i32_1 = arith.constant 0 : i32
    return %c0_i32, %c0_i32_0 : i32, i32
  }
  func.func @transform_3(%arg0: i32) -> i32 {
    %c0_i32 = arith.constant 0 : i32
    %c0_i32_0 = arith.constant 0 : i32
    return %c0_i32 : i32
  }
  func.func @transform_4(%arg0: i32) -> (i32, i32, i32) {
    %c0_i32 = arith.constant 0 : i32
    %c0_i32_0 = arith.constant 0 : i32
    %c0_i32_1 = arith.constant 0 : i32
    return %c0_i32, %arg0, %c0_i32_0 : i32, i32, i32
  }
}

module attributes {stable_mosaic.version = 14 : i64} {
  func.func @_k2_body(%arg0: i32, %arg1: memref<1264x128xf32, #tpu.memory_space<vmem>>, %arg2: memref<2x1264x64xbf16, #tpu.memory_space<vmem>>, %arg3: memref<128x128xf32, #tpu.memory_space<vmem>>, %arg4: memref<128xf32, #tpu.memory_space<vmem>>, %arg5: memref<128x16xf32, #tpu.memory_space<vmem>>, %arg6: memref<1264x16xf32, #tpu.memory_space<vmem>>) attributes {dimension_semantics = [#tpu.dimension_semantics<arbitrary>], iteration_bounds = array<i64: 8>, scalar_prefetch = 0 : i64, scratch_operands = 0 : i64, tpu.core_type = #tpu.core_type<tc>, window_params = [{transform_indices = @transform_0, window_bounds = array<i64: 1264, 128>}, {transform_indices = @transform_1, window_bounds = array<i64: 2, 1264, 64>}, {pipeline_mode = #tpu.pipeline_mode<synchronous>, transform_indices = @transform_2, window_bounds = array<i64: 128, 128>}, {pipeline_mode = #tpu.pipeline_mode<synchronous>, transform_indices = @transform_3, window_bounds = array<i64: 128>}, {pipeline_mode = #tpu.pipeline_mode<synchronous>, transform_indices = @transform_4, window_bounds = array<i64: 128, 16>}, {transform_indices = @transform_5, window_bounds = array<i64: 1264, 16>}]} {
    %get3A = arith.constant 0 : index
    %get3A_0 = arith.constant 0 : index
    %get3A_1 = vector.load %arg1[%get3A, %get3A_0] : memref<1264x128xf32, #tpu.memory_space<vmem>>, vector<1264x1xf32>
    %get3A_2 = arith.constant 0 : index
    %get3A_3 = arith.constant 0 : index
    %get3A_4 = arith.constant 0 : index
    %get3A_5 = vector.load %arg2[%get3A_2, %get3A_3, %get3A_4] : memref<2x1264x64xbf16, #tpu.memory_space<vmem>>, vector<1x1264x64xbf16>
    %get3A_6 = vector.shape_cast %get3A_5 : vector<1x1264x64xbf16> to vector<1264x64xbf16>
    %get3A_7 = arith.constant 1 : index
    %get3A_8 = arith.constant 0 : index
    %get3A_9 = arith.constant 0 : index
    %get3A_10 = vector.load %arg2[%get3A_7, %get3A_8, %get3A_9] : memref<2x1264x64xbf16, #tpu.memory_space<vmem>>, vector<1x1264x64xbf16>
    %get3A_11 = vector.shape_cast %get3A_10 : vector<1x1264x64xbf16> to vector<1264x64xbf16>
    %concatenate3A = tpu.concatenate %get3A_6, %get3A_11 in 1 : vector<1264x64xbf16>, vector<1264x64xbf16> -> vector<1264x128xbf16>
    %convert_element_type3A = arith.extf %concatenate3A : vector<1264x128xbf16> to vector<1264x128xf32>
    %mul3A = vector.broadcast %get3A_1 : vector<1264x1xf32> to vector<1264x128xf32>
    %mul3A_12 = arith.mulf %convert_element_type3A, %mul3A : vector<1264x128xf32>
    %get3A_13 = arith.constant 0 : index
    %get3A_14 = arith.constant 0 : index
    %get3A_15 = vector.load %arg3[%get3A_13, %get3A_14] : memref<128x128xf32, #tpu.memory_space<vmem>>, vector<128x128xf32>
    %dot_general3A = arith.constant dense<0.000000e+00> : vector<1264x128xf32>
    %dot_general3A_16 = tpu.matmul %mul3A_12, %get3A_15, %dot_general3A {dimension_numbers = #tpu.dot_dimension_numbers<[1], [0], [0], [1], [0, 0, 1, 1], [], []>, transpose_lhs_hint = false} : vector<1264x128xf32>, vector<128x128xf32>, vector<1264x128xf32> -> vector<1264x128xf32>
    %get3A_17 = arith.constant 0 : index
    %get3A_18 = vector.load %arg4[%get3A_17] : memref<128xf32, #tpu.memory_space<vmem>>, vector<128xf32>
    %broadcast_in_dim3A = vector.shape_cast %get3A_18 : vector<128xf32> to vector<1x128xf32>
    %add3A = vector.broadcast %broadcast_in_dim3A : vector<1x128xf32> to vector<1264x128xf32>
    %add3A_19 = arith.addf %dot_general3A_16, %add3A : vector<1264x128xf32>
    %max3A = arith.constant 0.000000e+00 : f32
    %max3A_20 = vector.broadcast %max3A : f32 to vector<1264x128xf32>
    %max3A_21 = arith.maximumf %add3A_19, %max3A_20 : vector<1264x128xf32>
    %mul3A_22 = vector.broadcast %get3A_1 : vector<1264x1xf32> to vector<1264x128xf32>
    %mul3A_23 = arith.mulf %max3A_21, %mul3A_22 : vector<1264x128xf32>
    %get3A_24 = arith.constant 0 : index
    %get3A_25 = arith.constant 0 : index
    %get3A_26 = vector.load %arg5[%get3A_24, %get3A_25] : memref<128x16xf32, #tpu.memory_space<vmem>>, vector<128x16xf32>
    %dot_general3A_27 = arith.constant dense<0.000000e+00> : vector<1264x16xf32>
    %dot_general3A_28 = tpu.matmul %mul3A_23, %get3A_26, %dot_general3A_27 {dimension_numbers = #tpu.dot_dimension_numbers<[1], [0], [0], [1], [0, 0, 1, 1], [], []>, transpose_lhs_hint = false} : vector<1264x128xf32>, vector<128x16xf32>, vector<1264x16xf32> -> vector<1264x16xf32>
    %swap3A = arith.constant 0 : index
    %swap3A_29 = arith.constant 0 : index
    %swap3A_30 = vector.load %arg6[%swap3A, %swap3A_29] : memref<1264x16xf32, #tpu.memory_space<vmem>>, vector<1264x16xf32>
    tpu.vector_store %arg6[%swap3A, %swap3A_29], %dot_general3A_28 {strides = array<i32>} : memref<1264x16xf32, #tpu.memory_space<vmem>>, vector<1264x16xf32>,
    return
  }
  func.func @transform_0(%arg0: i32) -> (i32, i32) {
    %c0_i32 = arith.constant 0 : i32
    %c0_i32_0 = arith.constant 0 : i32
    return %arg0, %c0_i32 : i32, i32
  }
  func.func @transform_1(%arg0: i32) -> (i32, i32, i32) {
    %c0_i32 = arith.constant 0 : i32
    %c0_i32_0 = arith.constant 0 : i32
    %c0_i32_1 = arith.constant 0 : i32
    return %c0_i32, %arg0, %c0_i32_0 : i32, i32, i32
  }
  func.func @transform_2(%arg0: i32) -> (i32, i32) {
    %c0_i32 = arith.constant 0 : i32
    %c0_i32_0 = arith.constant 0 : i32
    %c0_i32_1 = arith.constant 0 : i32
    return %c0_i32, %c0_i32_0 : i32, i32
  }
  func.func @transform_3(%arg0: i32) -> i32 {
    %c0_i32 = arith.constant 0 : i32
    %c0_i32_0 = arith.constant 0 : i32
    return %c0_i32 : i32
  }
  func.func @transform_4(%arg0: i32) -> (i32, i32) {
    %c0_i32 = arith.constant 0 : i32
    %c0_i32_0 = arith.constant 0 : i32
    %c0_i32_1 = arith.constant 0 : i32
    return %c0_i32, %c0_i32_0 : i32, i32
  }
  func.func @transform_5(%arg0: i32) -> (i32, i32) {
    %c0_i32 = arith.constant 0 : i32
    %c0_i32_0 = arith.constant 0 : i32
    return %arg0, %c0_i32 : i32, i32
  }
}

module attributes {stable_mosaic.version = 14 : i64} {
  func.func @_k3_body(%arg0: i32, %arg1: memref<1000x128xf32, #tpu.memory_space<vmem>>, %arg2: memref<2x1000x16xf32, #tpu.memory_space<vmem>>, %arg3: memref<16xf32, #tpu.memory_space<vmem>>, %arg4: memref<1000x16xf32, #tpu.memory_space<vmem>>) attributes {dimension_semantics = [#tpu.dimension_semantics<arbitrary>], iteration_bounds = array<i64: 10>, scalar_prefetch = 0 : i64, scratch_operands = 0 : i64, tpu.core_type = #tpu.core_type<tc>, window_params = [{transform_indices = @transform_0, window_bounds = array<i64: 1000, 128>}, {transform_indices = @transform_1, window_bounds = array<i64: 2, 1000, 16>}, {pipeline_mode = #tpu.pipeline_mode<synchronous>, transform_indices = @transform_2, window_bounds = array<i64: 16>}, {transform_indices = @transform_3, window_bounds = array<i64: 1000, 16>}]} {
    %get3A = arith.constant 0 : index
    %get3A_0 = arith.constant 0 : index
    %get3A_1 = arith.constant 0 : index
    %get3A_2 = vector.load %arg2[%get3A, %get3A_0, %get3A_1] : memref<2x1000x16xf32, #tpu.memory_space<vmem>>, vector<1x1000x16xf32>
    %get3A_3 = vector.shape_cast %get3A_2 : vector<1x1000x16xf32> to vector<1000x16xf32>
    %get3A_4 = arith.constant 1 : index
    %get3A_5 = arith.constant 0 : index
    %get3A_6 = arith.constant 0 : index
    %get3A_7 = vector.load %arg2[%get3A_4, %get3A_5, %get3A_6] : memref<2x1000x16xf32, #tpu.memory_space<vmem>>, vector<1x1000x16xf32>
    %get3A_8 = vector.shape_cast %get3A_7 : vector<1x1000x16xf32> to vector<1000x16xf32>
    %add3A = arith.addf %get3A_3, %get3A_8 : vector<1000x16xf32>
    %get3A_9 = arith.constant 0 : index
    %get3A_10 = arith.constant 0 : index
    %get3A_11 = vector.load %arg1[%get3A_9, %get3A_10] : memref<1000x128xf32, #tpu.memory_space<vmem>>, vector<1000x1xf32>
    %mul3A = vector.broadcast %get3A_11 : vector<1000x1xf32> to vector<1000x16xf32>
    %mul3A_12 = arith.mulf %add3A, %mul3A : vector<1000x16xf32>
    %get3A_13 = arith.constant 0 : index
    %get3A_14 = vector.load %arg3[%get3A_13] : memref<16xf32, #tpu.memory_space<vmem>>, vector<16xf32>
    %broadcast_in_dim3A = vector.shape_cast %get3A_14 : vector<16xf32> to vector<1x16xf32>
    %add3A_15 = vector.broadcast %broadcast_in_dim3A : vector<1x16xf32> to vector<1000x16xf32>
    %add3A_16 = arith.addf %mul3A_12, %add3A_15 : vector<1000x16xf32>
    %swap3A = arith.constant 0 : index
    %swap3A_17 = arith.constant 0 : index
    %swap3A_18 = vector.load %arg4[%swap3A, %swap3A_17] : memref<1000x16xf32, #tpu.memory_space<vmem>>, vector<1000x16xf32>
    tpu.vector_store %arg4[%swap3A, %swap3A_17], %add3A_16 {strides = array<i32>} : memref<1000x16xf32, #tpu.memory_space<vmem>>, vector<1000x16xf32>,
    return
  }
  func.func @transform_0(%arg0: i32) -> (i32, i32) {
    %c0_i32 = arith.constant 0 : i32
    %c0_i32_0 = arith.constant 0 : i32
    return %arg0, %c0_i32 : i32, i32
  }
  func.func @transform_1(%arg0: i32) -> (i32, i32, i32) {
    %c0_i32 = arith.constant 0 : i32
    %c0_i32_0 = arith.constant 0 : i32
    %c0_i32_1 = arith.constant 0 : i32
    return %c0_i32, %arg0, %c0_i32_0 : i32, i32, i32
  }
  func.func @transform_2(%arg0: i32) -> i32 {
    %c0_i32 = arith.constant 0 : i32
    %c0_i32_0 = arith.constant 0 : i32
    return %c0_i32 : i32
  }
  func.func @transform_3(%arg0: i32) -> (i32, i32) {
    %c0_i32 = arith.constant 0 : i32
    %c0_i32_0 = arith.constant 0 : i32
    return %arg0, %c0_i32 : i32, i32
  }
}

</mosaic_0001>

<sc_bundles>
// kernel: kernel.11.cloned.1.call-start
scs
__scs_entry_jumppad:
0x0: {  	(pc) =	sbr.rel $0x88, $3  }
0x1: {  	(tag) =	ssettag $0x0;
	lr =	simm.s32 $0x1  }
0x2: {  	[smem:$0x3F99] =	sst lr;
	_ =	strace $0xD0000000  }
0x3: {  	_ = 	snop  }
0x4: {  	_ = 	snop  }
0x5: {  	_ = 	snop  }
0x6: {  	_ = 	snop  }
0x7: {  	_ = 	snop  }
__scs_overlays_trampoline_lowered:
0x8: {  	[smem:$0x3FA8] =	sst s0  }
0x9: {  	[smem:$0x3FA9] =	sst s1  }
0xa: {  	[smem:$0x3FAA] =	sst s2  }
0xb: {  	[smem:$0x3FAB] =	sst s3  }
0xc: {  	[smem:$0x3FAC] =	sst s4  }
0xd: {  	[smem:$0x3FAD] =	sst s5  }
0xe: {  	[smem:$0x3FAE] =	sst s6  }
0xf: {  	[smem:$0x3FAF] =	sst s7  }
0x10: {  	[smem:$0x3FB0] =	sst s8  }
0x11: {  	[smem:$0x3FB1] =	sst s9;
	s0 =	simm.s32 @!p0 $0x0  }
0x12: {  	s1 =	sld [smem:$0x3F97];
	s0 =	simm.s32 @p0 $0x1  }
0x13: {  	[smem:$0x3FB2] =	sst s0;
	s0 =	simm.s32 @!p1 $0x0  }
0x14: {  	s2 =	sld [smem:$0x3F96];
	s0 =	simm.s32 @p1 $0x1  }
0x15: {  	[smem:$0x3FB3] =	sst s0;
	s0 =	simm.s32 @!p2 $0x0  }
0x16: {  	s3 =	sld [smem:$0x3FDB];
	s0 =	simm.s32 @p2 $0x1  }
0x17: {  	s4 =	simm.s32 $0x1BF5;
	[smem:$0x3FB5] =	sst s0  }
0x18: {  	s0 =	sld [smem:$0x3F98];
	_ =	swait.ge [sflag:s4], $0x0  }
0x19: {  	s7 =	sld [smem:$0x3F99]  }
0x1a: {  	s8 =	sadd.s32 $0xFFFFE003, lr  }
0x1b: {  	s9 =	sadd.s32 $0xFFFFFEF7, lr;
	s5 =	simm.s32 $0xFFFFFFFF;
	p2 =	slt.u32 s8, $0xFFFFF086  }
0x1c: {  	p1 =	slt.u32 s9, $0xF7A;
	s5 =	simm.s32 @!p2 $0x0  }
0x1d: {  	s5 =	simm.s32 @p1 $0x1;
	p0 =	seq.s32 s7, s2  }
0x1e: {  	s7 =	smul.u32 @!p0 $0xF7A, s2;
	p2 =	seq.s32 @!p0 s5, $0x0  }
0x1f: {  	s9 =	smul.u32 $0xF7A, s1;
	s8 =	simm.s32 @!p0 $0x1BF5;
	p2 =	por !p2, p0  }
0x20: {  	[sflag:s8] =	ssyncset.s32 @!p0 $0xFFFFF086;
	s6 =	sadd.s32 @!p0 s3, s7;
	s7 =	simm.s32 @!p0 $0x108  }
0x21: {  	s3 =	sadd.s32 s3, s9;
	s6 =	sadd.s32 @!p0 $0x88, s6;
	s7 =	simm.s32 @p2 $0x1082  }
0x22: {  	[simem:s7], [sflag:s8] =	dma.local @!p0 [hbm:s6], $0xF7A  }
0x23: {  	s9 =	sor.u32 $0xD0000000, s2;
	s6 =	simm.s32 $0x108;
	_ =	swait.ge @!p0 [sflag:s8], $0x0  }
0x24: {  	s3 =	sadd.s32 $0x88, s3;
	s6 =	simm.s32 @!p1 $0x1082;
	[sflag:s4] =	ssyncset.s32 $0xFFFFF086  }
0x25: {  	[simem:s6], [sflag:s4] =	dma.local [hbm:s3], $0xF7A  }
0x26: {  	[smem:$0x3F99] =	sst s1;
	(tag) =	ssettag s2;
	_ =	strace s9  }
0x27: {  	s1 =	sld [smem:$0x3FA9]  }
0x28: {  	s2 =	sld [smem:$0x3FAA]  }
0x29: {  	s4 =	sld [smem:$0x3FAC]  }
0x2a: {  	p0 =	seq.s32 s5, $0x0;
	s5 =	sld [smem:$0x3FAD]  }
0x2b: {  	s6 =	sld [smem:$0x3FAE]  }
0x2c: {  	s7 =	sld [smem:$0x3FAF]  }
0x2d: {  	s3 =	simm.s32 $0x108;
	s8 =	sld [smem:$0x3FB0]  }
0x2e: {  	s3 =	simm.s32 @!p0 $0x1082;
	s9 =	sld [smem:$0x3FB1]  }
0x2f: {  	lr =	sadd.s32 s0, s3;
	s0 =	sld [smem:$0x3FA8]  }
0x30: {  	s3 =	sld [smem:$0x3FAB]  }
0x31: {  	[smem:$0x3FB4] =	sst s10  }
0x32: {  	s10 =	sld [smem:$0x3FB2];
	_ =	sdelay $0x3  }
0x33: {  	p0 =	seq.s32 s10, $0x1;
	s10 =	sld [smem:$0x3FB4];
	_ =	sdelay $0x3  }
0x34: {  	[smem:$0x3FB4] =	sst s10  }
0x35: {  	s10 =	sld [smem:$0x3FB3];
	_ =	sdelay $0x3  }
0x36: {  	p1 =	seq.s32 s10, $0x1;
	s10 =	sld [smem:$0x3FB4];
	_ =	sdelay $0x3  }
0x37: {  	[smem:$0x3FB4] =	sst s10  }
0x38: {  	s10 =	sld [smem:$0x3FB5]  }
0x39: {  	_ = 	snop;
	(pc) =	sbr.ind lr, $3  }
0x3a: {  	_ = 	snop  }
0x3b: {  	_ = 	snop  }
0x3c: {  	p2 =	seq.s32 s10, $0x1;
	s10 =	sld [smem:$0x3FB4]  }
0x3d: {  	_ =	shalt  }
0x3e: {  	_ =	shalt  }
0x3f: {  	_ =	shalt  }
0x40: {  	_ =	shalt  }
0x41: {  	_ =	shalt  }
0x42: {  	_ =	shalt  }
0x43: {  	_ =	shalt  }
0x44: {  	_ =	shalt  }
0x45: {  	_ =	shalt  }
0x46: {  	_ =	shalt  }
0x47: {  	_ =	shalt  }
0x48: {  	_ =	shalt  }
0x49: {  	_ =	shalt  }
0x4a: {  	_ =	shalt  }
0x4b: {  	_ =	shalt  }
0x4c: {  	_ =	shalt  }
0x4d: {  	_ =	shalt  }
0x4e: {  	_ =	shalt  }
0x4f: {  	_ =	shalt  }
0x50: {  	_ =	shalt  }
0x51: {  	_ =	shalt  }
0x52: {  	_ =	shalt  }
0x53: {  	_ =	shalt  }
0x54: {  	_ =	shalt  }
0x55: {  	_ =	shalt  }
0x56: {  	_ =	shalt  }
0x57: {  	_ =	shalt  }
0x58: {  	_ =	shalt  }
0x59: {  	_ =	shalt  }
0x5a: {  	_ =	shalt  }
0x5b: {  	_ =	shalt  }
0x5c: {  	_ =	shalt  }
0x5d: {  	_ =	shalt  }
0x5e: {  	_ =	shalt  }
0x5f: {  	_ =	shalt  }
0x60: {  	_ =	shalt  }
0x61: {  	_ =	shalt  }
0x62: {  	_ =	shalt  }
0x63: {  	_ =	shalt  }
0x64: {  	_ =	shalt  }
0x65: {  	_ =	shalt  }
0x66: {  	_ =	shalt  }
0x67: {  	_ =	shalt  }
0x68: {  	_ =	shalt  }
0x69: {  	_ =	shalt  }
0x6a: {  	_ =	shalt  }
0x6b: {  	_ =	shalt  }
0x6c: {  	_ =	shalt  }
0x6d: {  	_ =	shalt  }
0x6e: {  	_ =	shalt  }
0x6f: {  	_ =	shalt  }
0x70: {  	_ =	shalt  }
0x71: {  	_ =	shalt  }
0x72: {  	_ =	shalt  }
0x73: {  	_ =	shalt  }
0x74: {  	_ =	shalt  }
0x75: {  	_ =	shalt  }
0x76: {  	_ =	shalt  }
0x77: {  	_ =	shalt  }
0x78: {  	_ =	shalt  }
0x79: {  	_ =	shalt  }
0x7a: {  	_ =	shalt  }
0x7b: {  	_ =	shalt  }
0x7c: {  	_ =	shalt  }
0x7d: {  	_ =	shalt  }
0x7e: {  	_ =	shalt  }
0x7f: {  	_ =	shalt  }
0x80: {  	_ =	shalt  }
0x81: {  	_ =	shalt  }
0x82: {  	_ =	shalt  }
0x83: {  	_ =	shalt  }
0x84: {  	_ =	shalt  }
0x85: {  	_ =	shalt  }
0x86: {  	_ =	shalt  }
0x87: {  	_ =	shalt  }
.Lfunc_end0:
.L_simem_size_0:
called_computation_lowered:
.L_overlay_start_0:
0x88: {  	s2 =	sld [smem:$0x3FD9]  }
0x89: {  	s3 =	sld [smem:$0x3FFE];
	_ =	sdelay $0x1  }
0x8a: {  	s1 =	srdreg.scid  }
0x8b: {  	s0 =	sand.u32 $0x1, s1  }
0x8c: {  	s17 =	sshll.u32 s0, $0xA;
	s2 =	sadd.s32 s3, s2  }
0x8d: {  	s2 =	sadd.s32 s2, s17  }
0x8e: {  	[smem:$0x3FC0] =	sst s2  }
0x8f: {  	_ = 	snop  }
0x90: {  	s2 =	sld [smem:$0x3FD0];
	(tm) =	ssettm $0x1  }
0x91: {  	s18 =	sld [smem:$0x3FFB];
	_ =	sdelay $0x3  }
0x92: {  	_ =	strace s18  }
0x93: {  	s3 =	sld [smem:$0x3FFC];
	_ =	sdelay $0x3  }
0x94: {  	_ =	strace s3  }
0x95: {  	s3 =	sld [smem:$0x3FFD];
	_ =	sdelay $0x3  }
0x96: {  	_ =	strace s3  }
0x97: {  	_ =	strace $0x8FFFFFFF  }
0x98: {  	s19 =	sld [smem:$0x3FDB];
	_ =	sdelay $0x1  }
0x99: {  	s4 =	simm.s32 $_scs_section_size  }
0x9a: {  	s5 =	simm.s32 $_size__tile_overlayer_lowered;
	s6 =	simm.s32 $_tile_overlayer_lowered  }
0x9b: {  	s22 =	simm.s32 $0x1BFF;
	s21 =	sshll.u32 s6, $0x1;
	s3 =	sadd.s32 s4, s19  }
0x9c: {  	s7 =	simm.s32 $0x0;
	s20 =	sshll.u32 s5, $0x1;
	s5 =	sadd.s32 s21, s3  }
0x9d: {  	[timem:s7], [sflag:s22] =	dma.local [hbm:s5], s20  }
0x9e: {  	_ =	swait.ge [sflag:s22], s20  }
0x9f: {  	s4 =	ssub.s32 $0x0, s20;
	[sflag:s22] =	ssyncset.done $0x0  }
0xa0: {  	[sflag:s22] =	ssyncadd.s32 s4;
	_ =	sdelay $0x1  }
0xa1: {  	s23 =	simm.s32 $0x1B8B  }
0xa2: {  	_ =	swait.ge [sflag:s23], $0x1  }
0xa3: {  	[sflag:s23] =	ssyncset.done $0x0  }
0xa4: {  	s25 =	simm.s32 $0x1B8E;
	s24 =	sld [smem:$0x3FFE];
	[sflag:s23] =	ssyncadd.s32 $0xFFFFFFFF  }
0xa5: {  	s26 =	simm.s32 $execute0_lowered;
	[smem:$0x3FD2] =	sst s25  }
0xa6: {  	s5 =	sshll.u32 s26, $0x1;
	_ =	strace $0x80000046;
	[dreg:$0x1] =	wrdreg $0xFFFFFFFF  }
0xa7: {  	s28 =	simm.s32 $_size_execute0_lowered;
	s3 =	sadd.s32 s3, s5;
	[dreg:$0x0] =	wrdreg $0x0  }
0xa8: {  	s5 =	sshll.u32 s28, $0x1;
	[dreg:$0x2] =	wrdreg s3  }
0xa9: {  	[dreg:$0x3] =	wrdreg s5  }
0xaa: {  	[dreg:$0x4] =	wrdreg $0xC0  }
0xab: {  	_ =	task [dreg:s7], $0x5FFFF  }
0xac: {  	[dreg:$0x1] =	wrdreg $0xFFFFFFFF  }
0xad: {  	[dreg:$0x0] =	wrdreg $0x60  }
0xae: {  	[dreg:$0x2] =	wrdreg s24  }
0xaf: {  	[dreg:$0x3] =	wrdreg s2  }
0xb0: {  	[dreg:$0x4] =	wrdreg $0x30000  }
0xb1: {  	[dreg:$0x5] =	wrdreg $0x9  }
0xb2: {  	_ =	task.clear_ibuf [dreg:s7], $0x6FFFF;
	_ =	strace $0x90000046  }
0xb3: {  	s29 =	simm.s32 $0x9;
	_ =	strace $0x80000048  }
0xb4: {  	_ =	swait.ge [sflag:s29], $0x1  }
0xb5: {  	[sflag:s29] =	ssyncadd.s32 $0xFFFFFFFF  }
0xb6: {  	_ =	strace $0x90000048  }
0xb7: {  	_ =	sfence  }
0xb8: {  	s30 =	sld [smem:$0x0];
	_ =	sdelay $0x2  }
0xb9: {  	s31 =	sshll.u32 s1, $0xD;
	s1 =	sshrl.u32 s1, $0x2  }
0xba: {  	s3 =	sand.u32 $0x4000, s31;
	s1 =	sadd.s32 s1, s30  }
0xbb: {  	s0 =	sor.u32 s3, s0;
	s1 =	sshll.u32 s1, $0x11  }
0xbc: {  	s0 =	sor.u32 s1, s0  }
0xbd: {  	s0 =	sadd.s32 $0x8F2B, s0  }
0xbe: {  	[sflag:s0] =	ssyncadd.remote.s32 $0x1  }
0xbf: {  	_ =	sfence.sel $0xFFFF  }
0xc0: {  	[dreg:$0x0] =	wrdreg $0xFFFFFFFF;
	(pc) =	sbr.abs _section_cstart, $3  }
0xc1: {  	[dreg:$0x1] =	wrdreg $0xFFFFFFFF  }
0xc2: {  	_ =	task.clear_ibuf [dreg:s7], $0x2FFFF;
	_ =	strace $0x9FFFFFFF  }
0xc3: {  	(tm) =	ssettm $0x7FFFFFFF  }
tec
execute0_lowered:
.L_overlay_start_1:
0x0: {  	(tag) =	ssettag $0x1  }
0x1: {  	s6 =	rddreg [dreg:$0x0]  }
0x2: {  	s5 =	rddreg [dreg:$0x1]  }
0x3: {  	s2 =	rddreg [dreg:$0x2]  }
0x4: {  	s0 =	rddreg [dreg:$0x3]  }
0x5: {  	s4 =	srdreg.scid;
	s1 =	stileid.u32;
	s3 =	simm.s32 $0x0  }
0x6: {  	s12 =	simm.s32 $0x2800;
	s13 =	simm.s32 $0x80;
	s14 =	simm.s32 $0x100  }
0x7: {  	s15 =	simm.s32 $0x180;
	s16 =	simm.s32 $0x1;
	s17 =	simm.s32 $0x2  }
0x8: {  	s18 =	simm.s32 $0x3;
	s19 =	simm.s32 $0x4;
	s20 =	simm.s32 $0x0  }
0x9: {  	s4 =	sand.u32 $0x1, s4;
	s7 =	smul.u32 $0x2780, s1;
	[smem:$0x7FF] =	sst s3  }
0xa: {  	s31 =	sshll.u32 s1, $0x6;
	s8 =	smul.u32 $0x27800, s4;
	_ =	strace $0x80000047  }
0xb: {  	s9 =	sshll.u32 s4, $0x4;
	s10 =	ssub.s32 $0x2, s4;
	s4 =	sadd.s32 $0x16800, s6  }
0xc: {  	s28 =	sor.u32 s1, s9;
	s29 =	sshrl.u32 s10, $0x1;
	s30 =	sadd.s32 s7, s2  }
0xd: {  	s8 =	sadd.s32 s7, s8;
	s11 =	smul.u32 $0x2800, s28;
	s9 =	ssub.s32 s10, s29  }
0xe: {  	s7 =	sshrl.u32 s7, $0x3;
	s10 =	sshrl.u32 s30, $0x3;
	s8 =	sshrl.u32 s8, $0x3  }
0xf: {  	s5 =	sadd.s32 s5, s7;
	s9 =	smax.u32 s9, $0x1;
	s11 =	sshrl.u32 s11, $0x3  }
0x10: {  	s8 =	sadd.s32 s8, s6;
	s11 =	sadd.s32 s6, s11;
	s6 =	sor.u32 $0x1C05, s31  }
0x11: {  	s8 =	sadd.s32 $0x16A00, s8;
	s7 =	sadd.s32 $0xC800, s11;
	s11 =	simm.s32 $0x5  }
.LBB2_1:
0x12: {  	[spmem:s10], [sflag:s6] =	dma.local [hbm:s5], $0x4F0  }
0x13: {  	_ =	swait.ge [sflag:s11], $0x4F0  }
0x14: {  	[sflag:s11] =	ssyncset.done $0x0  }
0x15: {  	[sflag:s11] =	ssyncadd.s32 $0xFFFFFB10  }
0x16: {  	[tilespmem:s3], [sflag:$0x5] =	stream.linear.gather [hbm4b:s7+s3], $0x2800, $0x38;
	[tilespmem:$0x5780] =	vst v63  }
0x17: {  	_ =	swait.ge [sflag:s11], $0x2800  }
0x18: {  	[sflag:s11] =	ssyncset.done $0x0  }
0x19: {  	[sflag:s11] =	ssyncadd.s32 $0xFFFFD800  }
0x1a: {  	[tilespmem:s12], [sflag:$0x5] =	stream.linear.gather [hbm4b:s4+s3], $0x800, $0x38;
	[tilespmem:$0x5780] =	vst v63  }
0x1b: {  	_ =	swait.ge [sflag:s11], $0x800  }
0x1c: {  	[sflag:s11] =	ssyncset.done $0x0  }
0x1d: {  	[sflag:s11] =	ssyncadd.s32 $0xFFFFF800  }
0x1e: {  	[bflag:$0x0] =	sbarrier.arrive $0xFFFF  }
0x1f: {  	[spmem:s2] =	stream.indirect.scatter.add.f32 [tilespmem:s12], [sflag:$0x1], $0x10, s3, s13, $0xb8;
	[tilespmem:$0x5780] =	vst v63  }
0x20: {  	_ = 	snop  }
0x21: {  	[spmem:s2] =	stream.indirect.scatter.add.f32 [tilespmem:s12], [sflag:$0x2], $0x10, s13, s13, $0xb8;
	[tilespmem:$0x5780] =	vst v63  }
0x22: {  	_ = 	snop  }
0x23: {  	[spmem:s2] =	stream.indirect.scatter.add.f32 [tilespmem:s12], [sflag:$0x3], $0x10, s14, s13, $0xb8;
	[tilespmem:$0x5780] =	vst v63  }
0x24: {  	_ = 	snop  }
0x25: {  	[spmem:s2] =	stream.indirect.scatter.add.f32 [tilespmem:s12], [sflag:$0x4], $0x10, s15, s13, $0xb8;
	[tilespmem:$0x5780] =	vst v63  }
0x26: {  	_ =	swait.ge [sflag:s16], $0x800  }
0x27: {  	[sflag:s16] =	ssyncset.done $0x0  }
0x28: {  	s21 =	simm.s32 $0x200;
	[sflag:s16] =	ssyncadd.s32 $0xFFFFF800  }
0x29: {  	[spmem:s2] =	stream.indirect.scatter.add.f32 [tilespmem:s12], [sflag:$0x1], $0x10, s21, s13, $0xb8;
	[tilespmem:$0x5780] =	vst v63  }
0x2a: {  	_ =	swait.ge [sflag:s17], $0x800  }
0x2b: {  	[sflag:s17] =	ssyncset.done $0x0  }
0x2c: {  	s30 =	simm.s32 $0x280;
	[sflag:s17] =	ssyncadd.s32 $0xFFFFF800  }
0x2d: {  	[spmem:s2] =	stream.indirect.scatter.add.f32 [tilespmem:s12], [sflag:$0x2], $0x10, s30, s13, $0xb8;
	[tilespmem:$0x5780] =	vst v63  }
0x2e: {  	_ =	swait.ge [sflag:s18], $0x800  }
0x2f: {  	[sflag:s18] =	ssyncset.done $0x0  }
0x30: {  	s31 =	simm.s32 $0x300;
	[sflag:s18] =	ssyncadd.s32 $0xFFFFF800  }
0x31: {  	[spmem:s2] =	stream.indirect.scatter.add.f32 [tilespmem:s12], [sflag:$0x3], $0x10, s31, s13, $0xb8;
	[tilespmem:$0x5780] =	vst v63  }
0x32: {  	_ =	swait.ge [sflag:s19], $0x800  }
0x33: {  	[sflag:s19] =	ssyncset.done $0x0  }
0x34: {  	s22 =	simm.s32 $0x380;
	s21 =	simm.s32 $0xFFFF7000;
	[sflag:s19] =	ssyncadd.s32 $0xFFFFF800  }
.LBB2_2:
0x35: {  	[spmem:s2] =	stream.indirect.scatter.add.f32 [tilespmem:s12], [sflag:$0x4], $0x10, s22, s13, $0xb8;
	[tilespmem:$0x5780] =	vst v63  }
0x36: {  	s22 =	smov.u32 s21  }
0x37: {  	p0 =	sne.s32 s21, $0xFFFFF800;
	s21 =	sadd.s32 $0x800, s21;
	_ =	swait.ge [sflag:s16], $0x800  }
0x38: {  	s22 =	sshra.s32 s22, $0x2;
	[sflag:s16] =	ssyncset.done $0x0  }
0x39: {  	s23 =	sadd.s32 $0x2800, s22;
	[sflag:s16] =	ssyncadd.s32 $0xFFFFF800  }
0x3a: {  	[spmem:s2] =	stream.indirect.scatter.add.f32 [tilespmem:s12], [sflag:$0x1], $0x10, s23, s13, $0xb8;
	[tilespmem:$0x5780] =	vst v63  }
0x3b: {  	_ =	swait.ge [sflag:s17], $0x800  }
0x3c: {  	[sflag:s17] =	ssyncset.done $0x0  }
0x3d: {  	s23 =	sadd.s32 $0x2880, s22;
	[sflag:s17] =	ssyncadd.s32 $0xFFFFF800  }
0x3e: {  	[spmem:s2] =	stream.indirect.scatter.add.f32 [tilespmem:s12], [sflag:$0x2], $0x10, s23, s13, $0xb8;
	[tilespmem:$0x5780] =	vst v63  }
0x3f: {  	_ =	swait.ge [sflag:s18], $0x800  }
0x40: {  	[sflag:s18] =	ssyncset.done $0x0  }
.Ltmp0:
0x41: {  	s23 =	sadd.s32 $0x2900, s22;
	[sflag:s18] =	ssyncadd.s32 $0xFFFFF800;
	(pc) =	sbr.rel @p0 .LBB2_2-.Ltmp0, $4  }
0x42: {  	[spmem:s2] =	stream.indirect.scatter.add.f32 [tilespmem:s12], [sflag:$0x3], $0x10, s23, s13, $0xb8;
	[tilespmem:$0x5780] =	vst v63  }
0x43: {  	_ =	swait.ge [sflag:s19], $0x800  }
0x44: {  	[sflag:s19] =	ssyncset.done $0x0  }
0x45: {  	s22 =	sadd.s32 $0x2980, s22;
	[sflag:s19] =	ssyncadd.s32 $0xFFFFF800  }
0x46: {  	[spmem:s2] =	stream.indirect.scatter.add.f32 [tilespmem:s12], [sflag:$0x4], $0x10, s22, s13, $0xb8;
	[tilespmem:$0x5780] =	vst v63  }
0x47: {  	_ =	swait.ge [sflag:s16], $0x800  }
0x48: {  	[sflag:s16] =	ssyncset.done $0x0  }
0x49: {  	[sflag:s16] =	ssyncadd.s32 $0xFFFFF800  }
0x4a: {  	_ =	swait.ge [sflag:s17], $0x800  }
0x4b: {  	[sflag:s17] =	ssyncset.done $0x0  }
0x4c: {  	[sflag:s17] =	ssyncadd.s32 $0xFFFFF800  }
0x4d: {  	_ =	swait.ge [sflag:s18], $0x800  }
0x4e: {  	[sflag:s18] =	ssyncset.done $0x0  }
0x4f: {  	[sflag:s18] =	ssyncadd.s32 $0xFFFFF800  }
0x50: {  	_ =	swait.ge [sflag:s19], $0x800  }
0x51: {  	s20 =	sadd.s32 $0x1, s20;
	[sflag:s19] =	ssyncset.done $0x0  }
0x52: {  	p0 =	sne.s32 s20, s9;
	[sflag:s19] =	ssyncadd.s32 $0xFFFFF800  }
.Ltmp1:
0x53: {  	[bflag:$0x0] =	sbarrier.arrive $0xFFFF;
	(pc) =	sbr.rel @p0 .LBB2_1-.Ltmp1, $4  }
0x54: {  	[hbm:s8], [sflag:s6] =	dma.local [spmem:s10], $0x4F0  }
0x55: {  	_ =	swait.ge [sflag:s11], $0x4F0  }
0x56: {  	[sflag:s11] =	ssyncset.done $0x0  }
0x57: {  	[sflag:s11] =	ssyncadd.s32 $0xFFFFFB10  }
0x58: {  	_ =	sfence.sel $0x180000  }
0x59: {  	[bflag:$0x0] =	sbarrier.arrive $0xFFFF  }
0x5a: {  	p0 =	sne.s32 s1, $0x0;
	_ =	strace $0x90000047  }
0x5b: {  	s0 =	sadd.s32 @!p0 $0x100000, s0;
	[bflag:$0x2] =	sbarrier.arrive $0xFFFF  }
0x5c: {  	[sflag:s0] =	ssyncadd.tile.s32 @!p0 $0x1;
	_ =	shalt  }
.Lfunc_end2:
_tile_overlayer_lowered:
.L_overlay_start_2:
0x5d: {  	(tag) =	ssettag $0x2  }
0x5e: {  	s0 =	rddreg [dreg:$0x0];
	s2 =	stileid.u32  }
0x5f: {  	s1 =	rddreg [dreg:$0x1];
	p0 =	sne.s32 s2, $0x0  }
0x60: {  	s3 =	rddreg [dreg:$0x2];
	[bflag:$0x3] =	sbarrier.arrive $0xFFFF;
	s2 =	simm.s32 @!p0 $0x1C05  }
0x61: {  	[timem:s3], [sflag:s2] =	dma.local @!p0 [hbm:s0], s1  }
0x62: {  	s0 =	simm.s32 @!p0 $0x5  }
0x63: {  	_ =	swait.ge @!p0 [sflag:s0], s1  }
0x64: {  	s1 =	ssub.s32 @!p0 $0x0, s1;
	[sflag:s0] =	ssyncset.done @!p0 $0x0  }
0x65: {  	[sflag:s0] =	ssyncadd.s32 @!p0 s1  }
0x66: {  	[bflag:$0x3] =	sbarrier.arrive $0xFFFF  }
0x67: {  	_ =	shalt  }

// kernel: kernel.14.cloned.1.call-start
scs
__scs_entry_jumppad:
0x0: {  	(pc) =	sbr.rel $0x88, $3  }
0x1: {  	(tag) =	ssettag $0x0;
	lr =	simm.s32 $0x1  }
0x2: {  	[smem:$0x3F99] =	sst lr;
	_ =	strace $0xD0000000  }
0x3: {  	_ = 	snop  }
0x4: {  	_ = 	snop  }
0x5: {  	_ = 	snop  }
0x6: {  	_ = 	snop  }
0x7: {  	_ = 	snop  }
__scs_overlays_trampoline_lowered:
0x8: {  	[smem:$0x3FA8] =	sst s0  }
0x9: {  	[smem:$0x3FA9] =	sst s1  }
0xa: {  	[smem:$0x3FAA] =	sst s2  }
0xb: {  	[smem:$0x3FAB] =	sst s3  }
0xc: {  	[smem:$0x3FAC] =	sst s4  }
0xd: {  	[smem:$0x3FAD] =	sst s5  }
0xe: {  	[smem:$0x3FAE] =	sst s6  }
0xf: {  	[smem:$0x3FAF] =	sst s7  }
0x10: {  	[smem:$0x3FB0] =	sst s8  }
0x11: {  	[smem:$0x3FB1] =	sst s9;
	s0 =	simm.s32 @!p0 $0x0  }
0x12: {  	s1 =	sld [smem:$0x3F97];
	s0 =	simm.s32 @p0 $0x1  }
0x13: {  	[smem:$0x3FB2] =	sst s0;
	s0 =	simm.s32 @!p1 $0x0  }
0x14: {  	s2 =	sld [smem:$0x3F96];
	s0 =	simm.s32 @p1 $0x1  }
0x15: {  	[smem:$0x3FB3] =	sst s0;
	s0 =	simm.s32 @!p2 $0x0  }
0x16: {  	s3 =	sld [smem:$0x3FDB];
	s0 =	simm.s32 @p2 $0x1  }
0x17: {  	s4 =	simm.s32 $0x1BF5;
	[smem:$0x3FB5] =	sst s0  }
0x18: {  	s0 =	sld [smem:$0x3F98];
	_ =	swait.ge [sflag:s4], $0x0  }
0x19: {  	s7 =	sld [smem:$0x3F99]  }
0x1a: {  	s8 =	sadd.s32 $0xFFFFE003, lr  }
0x1b: {  	s9 =	sadd.s32 $0xFFFFFEF7, lr;
	s5 =	simm.s32 $0xFFFFFFFF;
	p2 =	slt.u32 s8, $0xFFFFF086  }
0x1c: {  	p1 =	slt.u32 s9, $0xF7A;
	s5 =	simm.s32 @!p2 $0x0  }
0x1d: {  	s5 =	simm.s32 @p1 $0x1;
	p0 =	seq.s32 s7, s2  }
0x1e: {  	s7 =	smul.u32 @!p0 $0xF7A, s2;
	p2 =	seq.s32 @!p0 s5, $0x0  }
0x1f: {  	s9 =	smul.u32 $0xF7A, s1;
	s8 =	simm.s32 @!p0 $0x1BF5;
	p2 =	por !p2, p0  }
0x20: {  	[sflag:s8] =	ssyncset.s32 @!p0 $0xFFFFF086;
	s6 =	sadd.s32 @!p0 s3, s7;
	s7 =	simm.s32 @!p0 $0x108  }
0x21: {  	s3 =	sadd.s32 s3, s9;
	s6 =	sadd.s32 @!p0 $0x88, s6;
	s7 =	simm.s32 @p2 $0x1082  }
0x22: {  	[simem:s7], [sflag:s8] =	dma.local @!p0 [hbm:s6], $0xF7A  }
0x23: {  	s9 =	sor.u32 $0xD0000000, s2;
	s6 =	simm.s32 $0x108;
	_ =	swait.ge @!p0 [sflag:s8], $0x0  }
0x24: {  	s3 =	sadd.s32 $0x88, s3;
	s6 =	simm.s32 @!p1 $0x1082;
	[sflag:s4] =	ssyncset.s32 $0xFFFFF086  }
0x25: {  	[simem:s6], [sflag:s4] =	dma.local [hbm:s3], $0xF7A  }
0x26: {  	[smem:$0x3F99] =	sst s1;
	(tag) =	ssettag s2;
	_ =	strace s9  }
0x27: {  	s1 =	sld [smem:$0x3FA9]  }
0x28: {  	s2 =	sld [smem:$0x3FAA]  }
0x29: {  	s4 =	sld [smem:$0x3FAC]  }
0x2a: {  	p0 =	seq.s32 s5, $0x0;
	s5 =	sld [smem:$0x3FAD]  }
0x2b: {  	s6 =	sld [smem:$0x3FAE]  }
0x2c: {  	s7 =	sld [smem:$0x3FAF]  }
0x2d: {  	s3 =	simm.s32 $0x108;
	s8 =	sld [smem:$0x3FB0]  }
0x2e: {  	s3 =	simm.s32 @!p0 $0x1082;
	s9 =	sld [smem:$0x3FB1]  }
0x2f: {  	lr =	sadd.s32 s0, s3;
	s0 =	sld [smem:$0x3FA8]  }
0x30: {  	s3 =	sld [smem:$0x3FAB]  }
0x31: {  	[smem:$0x3FB4] =	sst s10  }
0x32: {  	s10 =	sld [smem:$0x3FB2];
	_ =	sdelay $0x3  }
0x33: {  	p0 =	seq.s32 s10, $0x1;
	s10 =	sld [smem:$0x3FB4];
	_ =	sdelay $0x3  }
0x34: {  	[smem:$0x3FB4] =	sst s10  }
0x35: {  	s10 =	sld [smem:$0x3FB3];
	_ =	sdelay $0x3  }
0x36: {  	p1 =	seq.s32 s10, $0x1;
	s10 =	sld [smem:$0x3FB4];
	_ =	sdelay $0x3  }
0x37: {  	[smem:$0x3FB4] =	sst s10  }
0x38: {  	s10 =	sld [smem:$0x3FB5]  }
0x39: {  	_ = 	snop;
	(pc) =	sbr.ind lr, $3  }
0x3a: {  	_ = 	snop  }
0x3b: {  	_ = 	snop  }
0x3c: {  	p2 =	seq.s32 s10, $0x1;
	s10 =	sld [smem:$0x3FB4]  }
0x3d: {  	_ =	shalt  }
0x3e: {  	_ =	shalt  }
0x3f: {  	_ =	shalt  }
0x40: {  	_ =	shalt  }
0x41: {  	_ =	shalt  }
0x42: {  	_ =	shalt  }
0x43: {  	_ =	shalt  }
0x44: {  	_ =	shalt  }
0x45: {  	_ =	shalt  }
0x46: {  	_ =	shalt  }
0x47: {  	_ =	shalt  }
0x48: {  	_ =	shalt  }
0x49: {  	_ =	shalt  }
0x4a: {  	_ =	shalt  }
0x4b: {  	_ =	shalt  }
0x4c: {  	_ =	shalt  }
0x4d: {  	_ =	shalt  }
0x4e: {  	_ =	shalt  }
0x4f: {  	_ =	shalt  }
0x50: {  	_ =	shalt  }
0x51: {  	_ =	shalt  }
0x52: {  	_ =	shalt  }
0x53: {  	_ =	shalt  }
0x54: {  	_ =	shalt  }
0x55: {  	_ =	shalt  }
0x56: {  	_ =	shalt  }
0x57: {  	_ =	shalt  }
0x58: {  	_ =	shalt  }
0x59: {  	_ =	shalt  }
0x5a: {  	_ =	shalt  }
0x5b: {  	_ =	shalt  }
0x5c: {  	_ =	shalt  }
0x5d: {  	_ =	shalt  }
0x5e: {  	_ =	shalt  }
0x5f: {  	_ =	shalt  }
0x60: {  	_ =	shalt  }
0x61: {  	_ =	shalt  }
0x62: {  	_ =	shalt  }
0x63: {  	_ =	shalt  }
0x64: {  	_ =	shalt  }
0x65: {  	_ =	shalt  }
0x66: {  	_ =	shalt  }
0x67: {  	_ =	shalt  }
0x68: {  	_ =	shalt  }
0x69: {  	_ =	shalt  }
0x6a: {  	_ =	shalt  }
0x6b: {  	_ =	shalt  }
0x6c: {  	_ =	shalt  }
0x6d: {  	_ =	shalt  }
0x6e: {  	_ =	shalt  }
0x6f: {  	_ =	shalt  }
0x70: {  	_ =	shalt  }
0x71: {  	_ =	shalt  }
0x72: {  	_ =	shalt  }
0x73: {  	_ =	shalt  }
0x74: {  	_ =	shalt  }
0x75: {  	_ =	shalt  }
0x76: {  	_ =	shalt  }
0x77: {  	_ =	shalt  }
0x78: {  	_ =	shalt  }
0x79: {  	_ =	shalt  }
0x7a: {  	_ =	shalt  }
0x7b: {  	_ =	shalt  }
0x7c: {  	_ =	shalt  }
0x7d: {  	_ =	shalt  }
0x7e: {  	_ =	shalt  }
0x7f: {  	_ =	shalt  }
0x80: {  	_ =	shalt  }
0x81: {  	_ =	shalt  }
0x82: {  	_ =	shalt  }
0x83: {  	_ =	shalt  }
0x84: {  	_ =	shalt  }
0x85: {  	_ =	shalt  }
0x86: {  	_ =	shalt  }
0x87: {  	_ =	shalt  }
.Lfunc_end0:
.L_simem_size_0:
called_computation.1_lowered:
.L_overlay_start_0:
0x88: {  	s2 =	sld [smem:$0x3FD9]  }
0x89: {  	s3 =	sld [smem:$0x3FFE];
	_ =	sdelay $0x1  }
0x8a: {  	s1 =	srdreg.scid  }
0x8b: {  	s0 =	sand.u32 $0x1, s1  }
0x8c: {  	s16 =	sshll.u32 s0, $0xA;
	s2 =	sadd.s32 s3, s2  }
0x8d: {  	s2 =	sadd.s32 s2, s16  }
0x8e: {  	[smem:$0x3FC0] =	sst s2  }
0x8f: {  	_ = 	snop  }
0x90: {  	(tm) =	ssettm $0x1  }
0x91: {  	s17 =	sld [smem:$0x3FFB];
	_ =	sdelay $0x3  }
0x92: {  	_ =	strace s17  }
0x93: {  	s2 =	sld [smem:$0x3FFC];
	_ =	sdelay $0x3  }
0x94: {  	_ =	strace s2  }
0x95: {  	s2 =	sld [smem:$0x3FFD];
	_ =	sdelay $0x3  }
0x96: {  	_ =	strace s2  }
0x97: {  	_ =	strace $0x8FFFFFFF  }
0x98: {  	s18 =	sld [smem:$0x3FDB];
	_ =	sdelay $0x1  }
0x99: {  	s19 =	simm.s32 $_scs_section_size  }
0x9a: {  	s4 =	simm.s32 $_size__tile_overlayer_lowered;
	s5 =	simm.s32 $_tile_overlayer_lowered  }
0x9b: {  	s22 =	simm.s32 $0x1BFF;
	s21 =	sshll.u32 s5, $0x1;
	s2 =	sadd.s32 s19, s18  }
0x9c: {  	s6 =	simm.s32 $0x0;
	s20 =	sshll.u32 s4, $0x1;
	s4 =	sadd.s32 s21, s2  }
0x9d: {  	[timem:s6], [sflag:s22] =	dma.local [hbm:s4], s20  }
0x9e: {  	_ =	swait.ge [sflag:s22], s20  }
0x9f: {  	s3 =	ssub.s32 $0x0, s20;
	[sflag:s22] =	ssyncset.done $0x0  }
0xa0: {  	[sflag:s22] =	ssyncadd.s32 s3;
	_ =	sdelay $0x1  }
0xa1: {  	s23 =	simm.s32 $0x1B8B  }
0xa2: {  	_ =	swait.ge [sflag:s23], $0x1  }
0xa3: {  	[sflag:s23] =	ssyncset.done $0x0  }
0xa4: {  	s25 =	simm.s32 $0x1B8E;
	s24 =	sld [smem:$0x3FFE];
	[sflag:s23] =	ssyncadd.s32 $0xFFFFFFFF  }
0xa5: {  	s26 =	simm.s32 $execute0_lowered;
	[smem:$0x3FD2] =	sst s25  }
0xa6: {  	s4 =	sshll.u32 s26, $0x1;
	_ =	strace $0x80000049;
	[dreg:$0x1] =	wrdreg $0xFFFFFFFF  }
0xa7: {  	s28 =	simm.s32 $_size_execute0_lowered;
	s2 =	sadd.s32 s2, s4;
	[dreg:$0x0] =	wrdreg $0x0  }
0xa8: {  	s4 =	sshll.u32 s28, $0x1;
	[dreg:$0x2] =	wrdreg s2  }
0xa9: {  	[dreg:$0x3] =	wrdreg s4  }
0xaa: {  	[dreg:$0x4] =	wrdreg $0xC0  }
0xab: {  	_ =	task [dreg:s6], $0x5FFFF  }
0xac: {  	[dreg:$0x1] =	wrdreg $0xFFFFFFFF  }
0xad: {  	[dreg:$0x0] =	wrdreg $0x60  }
0xae: {  	[dreg:$0x2] =	wrdreg s24  }
0xaf: {  	[dreg:$0x3] =	wrdreg $0x12F000  }
0xb0: {  	[dreg:$0x4] =	wrdreg $0xE0000  }
0xb1: {  	[dreg:$0x5] =	wrdreg $0x9  }
0xb2: {  	_ =	task.clear_ibuf [dreg:s6], $0x6FFFF;
	_ =	strace $0x90000049  }
0xb3: {  	s29 =	simm.s32 $0x9;
	_ =	strace $0x8000004B  }
0xb4: {  	_ =	swait.ge [sflag:s29], $0x1  }
0xb5: {  	[sflag:s29] =	ssyncadd.s32 $0xFFFFFFFF  }
0xb6: {  	_ =	strace $0x9000004B  }
0xb7: {  	_ =	sfence  }
0xb8: {  	s30 =	sld [smem:$0x0];
	_ =	sdelay $0x2  }
0xb9: {  	s31 =	sshll.u32 s1, $0xD;
	s1 =	sshrl.u32 s1, $0x2  }
0xba: {  	s3 =	sand.u32 $0x4000, s31;
	s1 =	sadd.s32 s1, s30  }
0xbb: {  	s0 =	sor.u32 s3, s0;
	s1 =	sshll.u32 s1, $0x11  }
0xbc: {  	s0 =	sor.u32 s1, s0  }
0xbd: {  	s0 =	sadd.s32 $0x8F2B, s0  }
0xbe: {  	[sflag:s0] =	ssyncadd.remote.s32 $0x1  }
0xbf: {  	_ =	sfence.sel $0xFFFF  }
0xc0: {  	[dreg:$0x0] =	wrdreg $0xFFFFFFFF;
	(pc) =	sbr.abs _section_cstart, $3  }
0xc1: {  	[dreg:$0x1] =	wrdreg $0xFFFFFFFF  }
0xc2: {  	_ =	task.clear_ibuf [dreg:s6], $0x2FFFF;
	_ =	strace $0x9FFFFFFF  }
0xc3: {  	(tm) =	ssettm $0x7FFFFFFF  }
tec
execute0_lowered:
.L_overlay_start_1:
0x0: {  	(tag) =	ssettag $0x1  }
0x1: {  	s0 =	rddreg [dreg:$0x0]  }
0x2: {  	s1 =	rddreg [dreg:$0x1];
	s2 =	srdreg.scid  }
0x3: {  	s3 =	rddreg [dreg:$0x2];
	s12 =	stileid.u32;
	s4 =	simm.s32 $0x0  }
0x4: {  	s16 =	simm.s32 $0x80;
	s17 =	simm.s32 $0xA000;
	s18 =	simm.s32 $0xB000  }
0x5: {  	s20 =	simm.s32 $0xC000;
	s21 =	simm.s32 $0x1;
	s23 =	simm.s32 $0xD000  }
0x6: {  	s24 =	simm.s32 $0x2;
	s26 =	simm.s32 $0x5;
	s29 =	simm.s32 $0x3  }
0x7: {  	s31 =	simm.s32 $0x6;
	s22 =	simm.s32 $0x7;
	s25 =	simm.s32 $0x8  }
0x8: {  	s2 =	sand.u32 $0x1, s2;
	s6 =	smul.u32 $0x5000, s12;
	[smem:$0x7FF] =	sst s4  }
0x9: {  	s8 =	smul.u32 $0x9E00, s12;
	s30 =	sshll.u32 s12, $0x6;
	s12 =	simm.s32 $0x9  }
0xa: {  	s5 =	smul.u32 $0x9E000, s2;
	_ =	strace $0x8000004A;
	s2 =	ssub.s32 $0x2, s2  }
0xb: {  	s6 =	sshrl.u32 s6, $0x3;
	s13 =	sshrl.u32 s8, $0x4;
	s10 =	sshrl.u32 s2, $0x1  }
0xc: {  	s7 =	sshrl.u32 s5, $0x4;
	s9 =	sadd.s32 s6, s0;
	s5 =	sadd.s32 s8, s5  }
0xd: {  	s28 =	sadd.s32 s13, s0;
	s2 =	ssub.s32 s2, s10;
	s8 =	sshrl.u32 s8, $0x1  }
0xe: {  	s6 =	sor.u32 $0x1C09, s30;
	s7 =	sadd.s32 s7, s0;
	s5 =	sshrl.u32 s5, $0x4  }
0xf: {  	s11 =	sadd.s32 s8, s1;
	s14 =	sadd.s32 s8, s3;
	s8 =	sadd.s32 $0xC800, s9  }
0x10: {  	s10 =	smax.u32 s2, $0x1;
	s2 =	simm.s32 $0x4;
	s0 =	sadd.s32 s5, s0  }
0x11: {  	s5 =	sadd.s32 $0x20800, s28;
	s15 =	sadd.s32 $0x2A600, s7;
	s7 =	sadd.s32 $0x2800, s9  }
0x12: {  	s11 =	sshrl.u32 s11, $0x3;
	s14 =	sshrl.u32 s14, $0x3;
	s9 =	sadd.s32 $0x3E200, s0  }
0x13: {  	s13 =	sadd.s32 s13, s15;
	s15 =	simm.s32 $0x5000;
	s0 =	simm.s32 $0x0  }
.LBB2_1:
0x14: {  	[spmem:s11], [sflag:s6] =	dma.local [hbm:s5], $0x9E0  }
0x15: {  	_ =	swait.ge [sflag:s12], $0x9E0  }
0x16: {  	[sflag:s12] =	ssyncset.done $0x0  }
0x17: {  	[sflag:s12] =	ssyncadd.s32 $0xFFFFF620  }
0x18: {  	[spmem:s14], [sflag:s6] =	dma.local [hbm:s13], $0x9E0  }
0x19: {  	_ =	swait.ge [sflag:s12], $0x9E0  }
0x1a: {  	[sflag:s12] =	ssyncset.done $0x0  }
0x1b: {  	[sflag:s12] =	ssyncadd.s32 $0xFFFFF620  }
0x1c: {  	[tilespmem:s4], [sflag:$0x9] =	stream.linear.gather [hbm4b:s7+s4], $0x5000, $0x38;
	[tilespmem:$0x17E00] =	vst v63  }
0x1d: {  	_ =	swait.ge [sflag:s12], $0x5000  }
0x1e: {  	[sflag:s12] =	ssyncset.done $0x0  }
0x1f: {  	[sflag:s12] =	ssyncadd.s32 $0xFFFFB000  }
0x20: {  	[tilespmem:s15], [sflag:$0x9] =	stream.linear.gather [hbm4b:s8+s4], $0x5000, $0x38;
	[tilespmem:$0x17E00] =	vst v63  }
0x21: {  	_ =	swait.ge [sflag:s12], $0x5000  }
0x22: {  	[sflag:s12] =	ssyncset.done $0x0  }
0x23: {  	[sflag:s12] =	ssyncadd.s32 $0xFFFFB000  }
0x24: {  	[bflag:$0x0] =	sbarrier.arrive $0xFFFF  }
0x25: {  	[tilespmem:s17], [sflag:$0x1] =	stream.indirect.gather [spmem:s3], $0x20, s4, s16, $0xb8;
	[tilespmem:$0x17E00] =	vst v63  }
0x26: {  	_ = 	snop  }
0x27: {  	[tilespmem:s18], [sflag:$0x2] =	stream.indirect.gather [spmem:s3], $0x20, s16, s16, $0xb8;
	[tilespmem:$0x17E00] =	vst v63  }
0x28: {  	s19 =	simm.s32 $0x100  }
0x29: {  	[tilespmem:s20], [sflag:$0x3] =	stream.indirect.gather [spmem:s3], $0x20, s19, s16, $0xb8;
	[tilespmem:$0x17E00] =	vst v63  }
0x2a: {  	_ =	swait.ge [sflag:s21], $0x1000  }
0x2b: {  	[sflag:s21] =	ssyncset.done $0x0  }
0x2c: {  	[sflag:s21] =	ssyncadd.s32 $0xFFFFF000  }
0x2d: {  	[spmem:s1] =	stream.indirect.scatter.add.bf16 [tilespmem:s17], [sflag:$0x5], $0x20, s15, s16, $0xb8;
	[tilespmem:$0x17E00] =	vst v63  }
0x2e: {  	s30 =	simm.s32 $0x180  }
0x2f: {  	[tilespmem:s23], [sflag:$0x4] =	stream.indirect.gather [spmem:s3], $0x20, s30, s16, $0xb8;
	[tilespmem:$0x17E00] =	vst v63  }
0x30: {  	_ =	swait.ge [sflag:s24], $0x1000  }
0x31: {  	[sflag:s24] =	ssyncset.done $0x0  }
0x32: {  	s30 =	simm.s32 $0x5080;
	[sflag:s24] =	ssyncadd.s32 $0xFFFFF000  }
0x33: {  	[spmem:s1] =	stream.indirect.scatter.add.bf16 [tilespmem:s18], [sflag:$0x6], $0x20, s30, s16, $0xb8;
	[tilespmem:$0x17E00] =	vst v63  }
0x34: {  	_ =	swait.ge [sflag:s26], $0x1000  }
0x35: {  	[sflag:s26] =	ssyncset.done $0x0  }
0x36: {  	s30 =	simm.s32 $0x200;
	[sflag:s26] =	ssyncadd.s32 $0xFFFFF000  }
0x37: {  	[tilespmem:s17], [sflag:$0x1] =	stream.indirect.gather [spmem:s3], $0x20, s30, s16, $0xb8;
	[tilespmem:$0x17E00] =	vst v63  }
0x38: {  	_ =	swait.ge [sflag:s29], $0x1000  }
0x39: {  	[sflag:s29] =	ssyncset.done $0x0  }
0x3a: {  	s30 =	simm.s32 $0x5100;
	[sflag:s29] =	ssyncadd.s32 $0xFFFFF000  }
0x3b: {  	[spmem:s1] =	stream.indirect.scatter.add.bf16 [tilespmem:s20], [sflag:$0x7], $0x20, s30, s16, $0xb8;
	[tilespmem:$0x17E00] =	vst v63  }
0x3c: {  	_ =	swait.ge [sflag:s31], $0x1000  }
0x3d: {  	[sflag:s31] =	ssyncset.done $0x0  }
0x3e: {  	s30 =	simm.s32 $0x280;
	[sflag:s31] =	ssyncadd.s32 $0xFFFFF000  }
0x3f: {  	[tilespmem:s18], [sflag:$0x2] =	stream.indirect.gather [spmem:s3], $0x20, s30, s16, $0xb8;
	[tilespmem:$0x17E00] =	vst v63  }
0x40: {  	_ =	swait.ge [sflag:s2], $0x1000  }
0x41: {  	[sflag:s2] =	ssyncset.done $0x0  }
0x42: {  	s30 =	simm.s32 $0x5180;
	[sflag:s2] =	ssyncadd.s32 $0xFFFFF000  }
0x43: {  	[spmem:s1] =	stream.indirect.scatter.add.bf16 [tilespmem:s23], [sflag:$0x8], $0x20, s30, s16, $0xb8;
	[tilespmem:$0x17E00] =	vst v63  }
0x44: {  	_ =	swait.ge [sflag:s22], $0x1000  }
0x45: {  	[sflag:s22] =	ssyncset.done $0x0  }
0x46: {  	s30 =	simm.s32 $0x300;
	[sflag:s22] =	ssyncadd.s32 $0xFFFFF000  }
0x47: {  	[tilespmem:s20], [sflag:$0x3] =	stream.indirect.gather [spmem:s3], $0x20, s30, s16, $0xb8;
	[tilespmem:$0x17E00] =	vst v63  }
0x48: {  	_ =	swait.ge [sflag:s21], $0x1000  }
0x49: {  	[sflag:s21] =	ssyncset.done $0x0  }
0x4a: {  	s30 =	simm.s32 $0x5200;
	[sflag:s21] =	ssyncadd.s32 $0xFFFFF000  }
0x4b: {  	[spmem:s1] =	stream.indirect.scatter.add.bf16 [tilespmem:s17], [sflag:$0x5], $0x20, s30, s16, $0xb8;
	[tilespmem:$0x17E00] =	vst v63  }
0x4c: {  	_ =	swait.ge [sflag:s25], $0x1000  }
0x4d: {  	[sflag:s25] =	ssyncset.done $0x0  }
0x4e: {  	s30 =	simm.s32 $0x380;
	[sflag:s25] =	ssyncadd.s32 $0xFFFFF000  }
0x4f: {  	[tilespmem:s23], [sflag:$0x4] =	stream.indirect.gather [spmem:s3], $0x20, s30, s16, $0xb8;
	[tilespmem:$0x17E00] =	vst v63  }
0x50: {  	_ =	swait.ge [sflag:s24], $0x1000  }
0x51: {  	[sflag:s24] =	ssyncset.done $0x0  }
0x52: {  	s30 =	simm.s32 $0x5280;
	[sflag:s24] =	ssyncadd.s32 $0xFFFFF000  }
0x53: {  	[spmem:s1] =	stream.indirect.scatter.add.bf16 [tilespmem:s18], [sflag:$0x6], $0x20, s30, s16, $0xb8;
	[tilespmem:$0x17E00] =	vst v63  }
0x54: {  	_ =	swait.ge [sflag:s26], $0x1000  }
0x55: {  	[sflag:s26] =	ssyncset.done $0x0  }
0x56: {  	s30 =	simm.s32 $0x400;
	[sflag:s26] =	ssyncadd.s32 $0xFFFFF000  }
0x57: {  	[tilespmem:s17], [sflag:$0x1] =	stream.indirect.gather [spmem:s3], $0x20, s30, s16, $0xb8;
	[tilespmem:$0x17E00] =	vst v63  }
0x58: {  	_ =	swait.ge [sflag:s29], $0x1000  }
0x59: {  	[sflag:s29] =	ssyncset.done $0x0  }
0x5a: {  	s30 =	simm.s32 $0x5300;
	[sflag:s29] =	ssyncadd.s32 $0xFFFFF000  }
0x5b: {  	[spmem:s1] =	stream.indirect.scatter.add.bf16 [tilespmem:s20], [sflag:$0x7], $0x20, s30, s16, $0xb8;
	[tilespmem:$0x17E00] =	vst v63  }
0x5c: {  	_ =	swait.ge [sflag:s31], $0x1000  }
0x5d: {  	[sflag:s31] =	ssyncset.done $0x0  }
0x5e: {  	s30 =	simm.s32 $0x480;
	[sflag:s31] =	ssyncadd.s32 $0xFFFFF000  }
0x5f: {  	[tilespmem:s18], [sflag:$0x2] =	stream.indirect.gather [spmem:s3], $0x20, s30, s16, $0xb8;
	[tilespmem:$0x17E00] =	vst v63  }
0x60: {  	_ =	swait.ge [sflag:s2], $0x1000  }
0x61: {  	[sflag:s2] =	ssyncset.done $0x0  }
0x62: {  	s28 =	simm.s32 $0x5380;
	s19 =	simm.s32 $0x800;
	[sflag:s2] =	ssyncadd.s32 $0xFFFFF000  }
.LBB2_2:
0x63: {  	[spmem:s1] =	stream.indirect.scatter.add.bf16 [tilespmem:s23], [sflag:$0x8], $0x20, s28, s16, $0xb8;
	[tilespmem:$0x17E00] =	vst v63  }
0x64: {  	s28 =	smov.u32 s19  }
0x65: {  	p0 =	sne.s32 s19, $0x12800;
	s19 =	sadd.s32 $0x800, s19;
	_ =	swait.ge [sflag:s22], $0x1000  }
0x66: {  	s28 =	sshra.s32 s28, $0x2;
	[sflag:s22] =	ssyncset.done $0x0  }
0x67: {  	s30 =	sadd.s32 $0x300, s28;
	[sflag:s22] =	ssyncadd.s32 $0xFFFFF000  }
0x68: {  	[tilespmem:s20], [sflag:$0x3] =	stream.indirect.gather [spmem:s3], $0x20, s30, s16, $0xb8;
	[tilespmem:$0x17E00] =	vst v63  }
0x69: {  	_ =	swait.ge [sflag:s21], $0x1000  }
0x6a: {  	[sflag:s21] =	ssyncset.done $0x0  }
0x6b: {  	s30 =	sadd.s32 $0x5200, s28;
	[sflag:s21] =	ssyncadd.s32 $0xFFFFF000  }
0x6c: {  	[spmem:s1] =	stream.indirect.scatter.add.bf16 [tilespmem:s17], [sflag:$0x5], $0x20, s30, s16, $0xb8;
	[tilespmem:$0x17E00] =	vst v63  }
0x6d: {  	_ =	swait.ge [sflag:s25], $0x1000  }
0x6e: {  	[sflag:s25] =	ssyncset.done $0x0  }
0x6f: {  	s30 =	sadd.s32 $0x380, s28;
	[sflag:s25] =	ssyncadd.s32 $0xFFFFF000  }
0x70: {  	[tilespmem:s23], [sflag:$0x4] =	stream.indirect.gather [spmem:s3], $0x20, s30, s16, $0xb8;
	[tilespmem:$0x17E00] =	vst v63  }
0x71: {  	_ =	swait.ge [sflag:s24], $0x1000  }
0x72: {  	[sflag:s24] =	ssyncset.done $0x0  }
0x73: {  	s30 =	sadd.s32 $0x5280, s28;
	[sflag:s24] =	ssyncadd.s32 $0xFFFFF000  }
0x74: {  	[spmem:s1] =	stream.indirect.scatter.add.bf16 [tilespmem:s18], [sflag:$0x6], $0x20, s30, s16, $0xb8;
	[tilespmem:$0x17E00] =	vst v63  }
0x75: {  	_ =	swait.ge [sflag:s26], $0x1000  }
0x76: {  	[sflag:s26] =	ssyncset.done $0x0  }
0x77: {  	s30 =	sadd.s32 $0x400, s28;
	[sflag:s26] =	ssyncadd.s32 $0xFFFFF000  }
0x78: {  	[tilespmem:s17], [sflag:$0x1] =	stream.indirect.gather [spmem:s3], $0x20, s30, s16, $0xb8;
	[tilespmem:$0x17E00] =	vst v63  }
0x79: {  	_ =	swait.ge [sflag:s29], $0x1000  }
0x7a: {  	[sflag:s29] =	ssyncset.done $0x0  }
0x7b: {  	s30 =	sadd.s32 $0x5300, s28;
	[sflag:s29] =	ssyncadd.s32 $0xFFFFF000  }
0x7c: {  	[spmem:s1] =	stream.indirect.scatter.add.bf16 [tilespmem:s20], [sflag:$0x7], $0x20, s30, s16, $0xb8;
	[tilespmem:$0x17E00] =	vst v63  }
0x7d: {  	_ =	swait.ge [sflag:s31], $0x1000  }
0x7e: {  	[sflag:s31] =	ssyncset.done $0x0  }
.Ltmp0:
0x7f: {  	s30 =	sadd.s32 $0x480, s28;
	[sflag:s31] =	ssyncadd.s32 $0xFFFFF000;
	(pc) =	sbr.rel @p0 .LBB2_2-.Ltmp0, $4  }
0x80: {  	[tilespmem:s18], [sflag:$0x2] =	stream.indirect.gather [spmem:s3], $0x20, s30, s16, $0xb8;
	[tilespmem:$0x17E00] =	vst v63  }
0x81: {  	_ =	swait.ge [sflag:s2], $0x1000  }
0x82: {  	[sflag:s2] =	ssyncset.done $0x0  }
0x83: {  	s28 =	sadd.s32 $0x5380, s28;
	[sflag:s2] =	ssyncadd.s32 $0xFFFFF000  }
0x84: {  	[spmem:s1] =	stream.indirect.scatter.add.bf16 [tilespmem:s23], [sflag:$0x8], $0x20, s28, s16, $0xb8;
	[tilespmem:$0x17E00] =	vst v63  }
0x85: {  	_ =	swait.ge [sflag:s22], $0x1000  }
0x86: {  	[sflag:s22] =	ssyncset.done $0x0  }
0x87: {  	s19 =	simm.s32 $0x4F00;
	[sflag:s22] =	ssyncadd.s32 $0xFFFFF000  }
0x88: {  	[tilespmem:s20], [sflag:$0x3] =	stream.indirect.gather [spmem:s3], $0x20, s19, s16, $0xb8;
	[tilespmem:$0x17E00] =	vst v63  }
0x89: {  	_ =	swait.ge [sflag:s21], $0x1000  }
0x8a: {  	[sflag:s21] =	ssyncset.done $0x0  }
0x8b: {  	s30 =	simm.s32 $0x9E00;
	[sflag:s21] =	ssyncadd.s32 $0xFFFFF000  }
0x8c: {  	[spmem:s1] =	stream.indirect.scatter.add.bf16 [tilespmem:s17], [sflag:$0x5], $0x20, s30, s16, $0xb8;
	[tilespmem:$0x17E00] =	vst v63  }
0x8d: {  	_ =	swait.ge [sflag:s25], $0x1000  }
0x8e: {  	[sflag:s25] =	ssyncset.done $0x0  }
0x8f: {  	s28 =	simm.s32 $0x4F80;
	[sflag:s25] =	ssyncadd.s32 $0xFFFFF000  }
0x90: {  	[tilespmem:s23], [sflag:$0x4] =	stream.indirect.gather [spmem:s3], $0x20, s28, s16, $0xb8;
	[tilespmem:$0x17E00] =	vst v63  }
0x91: {  	_ =	swait.ge [sflag:s24], $0x1000  }
0x92: {  	[sflag:s24] =	ssyncset.done $0x0  }
0x93: {  	s30 =	simm.s32 $0x9E80;
	[sflag:s24] =	ssyncadd.s32 $0xFFFFF000  }
0x94: {  	[spmem:s1] =	stream.indirect.scatter.add.bf16 [tilespmem:s18], [sflag:$0x6], $0x20, s30, s16, $0xb8;
	[tilespmem:$0x17E00] =	vst v63  }
0x95: {  	_ =	swait.ge [sflag:s26], $0x1000  }
0x96: {  	[sflag:s26] =	ssyncset.done $0x0  }
0x97: {  	[sflag:s26] =	ssyncadd.s32 $0xFFFFF000  }
0x98: {  	_ =	swait.ge [sflag:s29], $0x1000  }
0x99: {  	[sflag:s29] =	ssyncset.done $0x0  }
0x9a: {  	s28 =	simm.s32 $0x9F00;
	[sflag:s29] =	ssyncadd.s32 $0xFFFFF000  }
0x9b: {  	[spmem:s1] =	stream.indirect.scatter.add.bf16 [tilespmem:s20], [sflag:$0x7], $0x20, s28, s16, $0xb8;
	[tilespmem:$0x17E00] =	vst v63  }
0x9c: {  	_ =	swait.ge [sflag:s31], $0x1000  }
0x9d: {  	[sflag:s31] =	ssyncset.done $0x0  }
0x9e: {  	[sflag:s31] =	ssyncadd.s32 $0xFFFFF000  }
0x9f: {  	_ =	swait.ge [sflag:s2], $0x1000  }
0xa0: {  	[sflag:s2] =	ssyncset.done $0x0  }
0xa1: {  	s30 =	simm.s32 $0x9F80;
	[sflag:s2] =	ssyncadd.s32 $0xFFFFF000  }
0xa2: {  	[spmem:s1] =	stream.indirect.scatter.add.bf16 [tilespmem:s23], [sflag:$0x8], $0x20, s30, s16, $0xb8;
	[tilespmem:$0x17E00] =	vst v63  }
0xa3: {  	_ =	swait.ge [sflag:s22], $0x1000  }
0xa4: {  	[sflag:s22] =	ssyncset.done $0x0  }
0xa5: {  	[sflag:s22] =	ssyncadd.s32 $0xFFFFF000  }
0xa6: {  	_ =	swait.ge [sflag:s25], $0x1000  }
0xa7: {  	s0 =	sadd.s32 $0x1, s0;
	[sflag:s25] =	ssyncset.done $0x0  }
0xa8: {  	p0 =	sne.s32 s0, s10;
	[sflag:s25] =	ssyncadd.s32 $0xFFFFF000  }
.Ltmp1:
0xa9: {  	[bflag:$0x0] =	sbarrier.arrive $0xFFFF;
	(pc) =	sbr.rel @p0 .LBB2_1-.Ltmp1, $4  }
0xaa: {  	[hbm:s9], [sflag:s6] =	dma.local [spmem:s11], $0x9E0  }
0xab: {  	_ =	swait.ge [sflag:s12], $0x9E0  }
0xac: {  	[sflag:s12] =	ssyncset.done $0x0  }
0xad: {  	[sflag:s12] =	ssyncadd.s32 $0xFFFFF620  }
0xae: {  	_ =	sfence.sel $0x180000  }
0xaf: {  	[bflag:$0x0] =	sbarrier.arrive $0xFFFF  }
0xb0: {  	_ =	strace $0x9000004A  }
0xb1: {  	s0 =	stileid.u32;
	[bflag:$0x2] =	sbarrier.arrive $0xFFFF  }
0xb2: {  	p0 =	sne.s32 s0, $0x0;
	s0 =	rddreg [dreg:$0x3]  }
0xb3: {  	s0 =	sadd.s32 @!p0 $0x100000, s0  }
0xb4: {  	[sflag:s0] =	ssyncadd.tile.s32 @!p0 $0x1;
	_ =	shalt  }
.Lfunc_end2:
_tile_overlayer_lowered:
.L_overlay_start_2:
0xb5: {  	(tag) =	ssettag $0x2  }
0xb6: {  	s0 =	rddreg [dreg:$0x0];
	s2 =	stileid.u32  }
0xb7: {  	s1 =	rddreg [dreg:$0x1];
	p0 =	sne.s32 s2, $0x0  }
0xb8: {  	s3 =	rddreg [dreg:$0x2];
	[bflag:$0x3] =	sbarrier.arrive $0xFFFF;
	s2 =	simm.s32 @!p0 $0x1C09  }
0xb9: {  	[timem:s3], [sflag:s2] =	dma.local @!p0 [hbm:s0], s1  }
0xba: {  	s0 =	simm.s32 @!p0 $0x9  }
0xbb: {  	_ =	swait.ge @!p0 [sflag:s0], s1  }
0xbc: {  	s1 =	ssub.s32 @!p0 $0x0, s1;
	[sflag:s0] =	ssyncset.done @!p0 $0x0  }
0xbd: {  	[sflag:s0] =	ssyncadd.s32 @!p0 s1  }
0xbe: {  	[bflag:$0x3] =	sbarrier.arrive $0xFFFF  }
0xbf: {  	_ =	shalt  }

// kernel: kernel.17.cloned.1.call-start
scs
__scs_entry_jumppad:
0x0: {  	(pc) =	sbr.rel $0x88, $3  }
0x1: {  	(tag) =	ssettag $0x0;
	lr =	simm.s32 $0x1  }
0x2: {  	[smem:$0x3F99] =	sst lr;
	_ =	strace $0xD0000000  }
0x3: {  	_ = 	snop  }
0x4: {  	_ = 	snop  }
0x5: {  	_ = 	snop  }
0x6: {  	_ = 	snop  }
0x7: {  	_ = 	snop  }
__scs_overlays_trampoline_lowered:
0x8: {  	[smem:$0x3FA8] =	sst s0  }
0x9: {  	[smem:$0x3FA9] =	sst s1  }
0xa: {  	[smem:$0x3FAA] =	sst s2  }
0xb: {  	[smem:$0x3FAB] =	sst s3  }
0xc: {  	[smem:$0x3FAC] =	sst s4  }
0xd: {  	[smem:$0x3FAD] =	sst s5  }
0xe: {  	[smem:$0x3FAE] =	sst s6  }
0xf: {  	[smem:$0x3FAF] =	sst s7  }
0x10: {  	[smem:$0x3FB0] =	sst s8  }
0x11: {  	[smem:$0x3FB1] =	sst s9;
	s0 =	simm.s32 @!p0 $0x0  }
0x12: {  	s1 =	sld [smem:$0x3F97];
	s0 =	simm.s32 @p0 $0x1  }
0x13: {  	[smem:$0x3FB2] =	sst s0;
	s0 =	simm.s32 @!p1 $0x0  }
0x14: {  	s2 =	sld [smem:$0x3F96];
	s0 =	simm.s32 @p1 $0x1  }
0x15: {  	[smem:$0x3FB3] =	sst s0;
	s0 =	simm.s32 @!p2 $0x0  }
0x16: {  	s3 =	sld [smem:$0x3FDB];
	s0 =	simm.s32 @p2 $0x1  }
0x17: {  	s4 =	simm.s32 $0x1BF5;
	[smem:$0x3FB5] =	sst s0  }
0x18: {  	s0 =	sld [smem:$0x3F98];
	_ =	swait.ge [sflag:s4], $0x0  }
0x19: {  	s7 =	sld [smem:$0x3F99]  }
0x1a: {  	s8 =	sadd.s32 $0xFFFFE003, lr  }
0x1b: {  	s9 =	sadd.s32 $0xFFFFFEF7, lr;
	s5 =	simm.s32 $0xFFFFFFFF;
	p2 =	slt.u32 s8, $0xFFFFF086  }
0x1c: {  	p1 =	slt.u32 s9, $0xF7A;
	s5 =	simm.s32 @!p2 $0x0  }
0x1d: {  	s5 =	simm.s32 @p1 $0x1;
	p0 =	seq.s32 s7, s2  }
0x1e: {  	s7 =	smul.u32 @!p0 $0xF7A, s2;
	p2 =	seq.s32 @!p0 s5, $0x0  }
0x1f: {  	s9 =	smul.u32 $0xF7A, s1;
	s8 =	simm.s32 @!p0 $0x1BF5;
	p2 =	por !p2, p0  }
0x20: {  	[sflag:s8] =	ssyncset.s32 @!p0 $0xFFFFF086;
	s6 =	sadd.s32 @!p0 s3, s7;
	s7 =	simm.s32 @!p0 $0x108  }
0x21: {  	s3 =	sadd.s32 s3, s9;
	s6 =	sadd.s32 @!p0 $0x88, s6;
	s7 =	simm.s32 @p2 $0x1082  }
0x22: {  	[simem:s7], [sflag:s8] =	dma.local @!p0 [hbm:s6], $0xF7A  }
0x23: {  	s9 =	sor.u32 $0xD0000000, s2;
	s6 =	simm.s32 $0x108;
	_ =	swait.ge @!p0 [sflag:s8], $0x0  }
0x24: {  	s3 =	sadd.s32 $0x88, s3;
	s6 =	simm.s32 @!p1 $0x1082;
	[sflag:s4] =	ssyncset.s32 $0xFFFFF086  }
0x25: {  	[simem:s6], [sflag:s4] =	dma.local [hbm:s3], $0xF7A  }
0x26: {  	[smem:$0x3F99] =	sst s1;
	(tag) =	ssettag s2;
	_ =	strace s9  }
0x27: {  	s1 =	sld [smem:$0x3FA9]  }
0x28: {  	s2 =	sld [smem:$0x3FAA]  }
0x29: {  	s4 =	sld [smem:$0x3FAC]  }
0x2a: {  	p0 =	seq.s32 s5, $0x0;
	s5 =	sld [smem:$0x3FAD]  }
0x2b: {  	s6 =	sld [smem:$0x3FAE]  }
0x2c: {  	s7 =	sld [smem:$0x3FAF]  }
0x2d: {  	s3 =	simm.s32 $0x108;
	s8 =	sld [smem:$0x3FB0]  }
0x2e: {  	s3 =	simm.s32 @!p0 $0x1082;
	s9 =	sld [smem:$0x3FB1]  }
0x2f: {  	lr =	sadd.s32 s0, s3;
	s0 =	sld [smem:$0x3FA8]  }
0x30: {  	s3 =	sld [smem:$0x3FAB]  }
0x31: {  	[smem:$0x3FB4] =	sst s10  }
0x32: {  	s10 =	sld [smem:$0x3FB2];
	_ =	sdelay $0x3  }
0x33: {  	p0 =	seq.s32 s10, $0x1;
	s10 =	sld [smem:$0x3FB4];
	_ =	sdelay $0x3  }
0x34: {  	[smem:$0x3FB4] =	sst s10  }
0x35: {  	s10 =	sld [smem:$0x3FB3];
	_ =	sdelay $0x3  }
0x36: {  	p1 =	seq.s32 s10, $0x1;
	s10 =	sld [smem:$0x3FB4];
	_ =	sdelay $0x3  }
0x37: {  	[smem:$0x3FB4] =	sst s10  }
0x38: {  	s10 =	sld [smem:$0x3FB5]  }
0x39: {  	_ = 	snop;
	(pc) =	sbr.ind lr, $3  }
0x3a: {  	_ = 	snop  }
0x3b: {  	_ = 	snop  }
0x3c: {  	p2 =	seq.s32 s10, $0x1;
	s10 =	sld [smem:$0x3FB4]  }
0x3d: {  	_ =	shalt  }
0x3e: {  	_ =	shalt  }
0x3f: {  	_ =	shalt  }
0x40: {  	_ =	shalt  }
0x41: {  	_ =	shalt  }
0x42: {  	_ =	shalt  }
0x43: {  	_ =	shalt  }
0x44: {  	_ =	shalt  }
0x45: {  	_ =	shalt  }
0x46: {  	_ =	shalt  }
0x47: {  	_ =	shalt  }
0x48: {  	_ =	shalt  }
0x49: {  	_ =	shalt  }
0x4a: {  	_ =	shalt  }
0x4b: {  	_ =	shalt  }
0x4c: {  	_ =	shalt  }
0x4d: {  	_ =	shalt  }
0x4e: {  	_ =	shalt  }
0x4f: {  	_ =	shalt  }
0x50: {  	_ =	shalt  }
0x51: {  	_ =	shalt  }
0x52: {  	_ =	shalt  }
0x53: {  	_ =	shalt  }
0x54: {  	_ =	shalt  }
0x55: {  	_ =	shalt  }
0x56: {  	_ =	shalt  }
0x57: {  	_ =	shalt  }
0x58: {  	_ =	shalt  }
0x59: {  	_ =	shalt  }
0x5a: {  	_ =	shalt  }
0x5b: {  	_ =	shalt  }
0x5c: {  	_ =	shalt  }
0x5d: {  	_ =	shalt  }
0x5e: {  	_ =	shalt  }
0x5f: {  	_ =	shalt  }
0x60: {  	_ =	shalt  }
0x61: {  	_ =	shalt  }
0x62: {  	_ =	shalt  }
0x63: {  	_ =	shalt  }
0x64: {  	_ =	shalt  }
0x65: {  	_ =	shalt  }
0x66: {  	_ =	shalt  }
0x67: {  	_ =	shalt  }
0x68: {  	_ =	shalt  }
0x69: {  	_ =	shalt  }
0x6a: {  	_ =	shalt  }
0x6b: {  	_ =	shalt  }
0x6c: {  	_ =	shalt  }
0x6d: {  	_ =	shalt  }
0x6e: {  	_ =	shalt  }
0x6f: {  	_ =	shalt  }
0x70: {  	_ =	shalt  }
0x71: {  	_ =	shalt  }
0x72: {  	_ =	shalt  }
0x73: {  	_ =	shalt  }
0x74: {  	_ =	shalt  }
0x75: {  	_ =	shalt  }
0x76: {  	_ =	shalt  }
0x77: {  	_ =	shalt  }
0x78: {  	_ =	shalt  }
0x79: {  	_ =	shalt  }
0x7a: {  	_ =	shalt  }
0x7b: {  	_ =	shalt  }
0x7c: {  	_ =	shalt  }
0x7d: {  	_ =	shalt  }
0x7e: {  	_ =	shalt  }
0x7f: {  	_ =	shalt  }
0x80: {  	_ =	shalt  }
0x81: {  	_ =	shalt  }
0x82: {  	_ =	shalt  }
0x83: {  	_ =	shalt  }
0x84: {  	_ =	shalt  }
0x85: {  	_ =	shalt  }
0x86: {  	_ =	shalt  }
0x87: {  	_ =	shalt  }
.Lfunc_end0:
.L_simem_size_0:
called_computation.2_lowered:
.L_overlay_start_0:
0x88: {  	s2 =	sld [smem:$0x3FD9]  }
0x89: {  	s3 =	sld [smem:$0x3FFE];
	_ =	sdelay $0x1  }
0x8a: {  	s1 =	srdreg.scid  }
0x8b: {  	s0 =	sand.u32 $0x1, s1  }
0x8c: {  	s16 =	sshll.u32 s0, $0xA;
	s2 =	sadd.s32 s3, s2  }
0x8d: {  	s2 =	sadd.s32 s2, s16  }
0x8e: {  	[smem:$0x3FC0] =	sst s2  }
0x8f: {  	_ = 	snop  }
0x90: {  	(tm) =	ssettm $0x1  }
0x91: {  	s17 =	sld [smem:$0x3FFB];
	_ =	sdelay $0x3  }
0x92: {  	_ =	strace s17  }
0x93: {  	s2 =	sld [smem:$0x3FFC];
	_ =	sdelay $0x3  }
0x94: {  	_ =	strace s2  }
0x95: {  	s2 =	sld [smem:$0x3FFD];
	_ =	sdelay $0x3  }
0x96: {  	_ =	strace s2  }
0x97: {  	_ =	strace $0x8FFFFFFF  }
0x98: {  	s18 =	sld [smem:$0x3FDB];
	_ =	sdelay $0x1  }
0x99: {  	s19 =	simm.s32 $_scs_section_size  }
0x9a: {  	s4 =	simm.s32 $_size__tile_overlayer_lowered;
	s5 =	simm.s32 $_tile_overlayer_lowered  }
0x9b: {  	s22 =	simm.s32 $0x1BFF;
	s21 =	sshll.u32 s5, $0x1;
	s2 =	sadd.s32 s19, s18  }
0x9c: {  	s6 =	simm.s32 $0x0;
	s20 =	sshll.u32 s4, $0x1;
	s4 =	sadd.s32 s21, s2  }
0x9d: {  	[timem:s6], [sflag:s22] =	dma.local [hbm:s4], s20  }
0x9e: {  	_ =	swait.ge [sflag:s22], s20  }
0x9f: {  	s3 =	ssub.s32 $0x0, s20;
	[sflag:s22] =	ssyncset.done $0x0  }
0xa0: {  	[sflag:s22] =	ssyncadd.s32 s3;
	_ =	sdelay $0x1  }
0xa1: {  	s23 =	simm.s32 $0x1B8B  }
0xa2: {  	_ =	swait.ge [sflag:s23], $0x1  }
0xa3: {  	[sflag:s23] =	ssyncset.done $0x0  }
0xa4: {  	s25 =	simm.s32 $0x1B8E;
	s24 =	sld [smem:$0x3FFE];
	[sflag:s23] =	ssyncadd.s32 $0xFFFFFFFF  }
0xa5: {  	s26 =	simm.s32 $execute0_lowered;
	[smem:$0x3FD2] =	sst s25  }
0xa6: {  	s4 =	sshll.u32 s26, $0x1;
	_ =	strace $0x8000004C;
	[dreg:$0x1] =	wrdreg $0xFFFFFFFF  }
0xa7: {  	s28 =	simm.s32 $_size_execute0_lowered;
	s2 =	sadd.s32 s2, s4;
	[dreg:$0x0] =	wrdreg $0x0  }
0xa8: {  	s4 =	sshll.u32 s28, $0x1;
	[dreg:$0x2] =	wrdreg s2  }
0xa9: {  	[dreg:$0x3] =	wrdreg s4  }
0xaa: {  	[dreg:$0x4] =	wrdreg $0xC0  }
0xab: {  	_ =	task [dreg:s6], $0x5FFFF  }
0xac: {  	[dreg:$0x1] =	wrdreg $0xFFFFFFFF  }
0xad: {  	[dreg:$0x0] =	wrdreg $0x60  }
0xae: {  	[dreg:$0x2] =	wrdreg s24  }
0xaf: {  	[dreg:$0x3] =	wrdreg $0x12F000  }
0xb0: {  	[dreg:$0x4] =	wrdreg $0xE0000  }
0xb1: {  	[dreg:$0x5] =	wrdreg $0x9  }
0xb2: {  	_ =	task.clear_ibuf [dreg:s6], $0x6FFFF;
	_ =	strace $0x9000004C  }
0xb3: {  	s29 =	simm.s32 $0x9;
	_ =	strace $0x8000004E  }
0xb4: {  	_ =	swait.ge [sflag:s29], $0x1  }
0xb5: {  	[sflag:s29] =	ssyncadd.s32 $0xFFFFFFFF  }
0xb6: {  	_ =	strace $0x9000004E  }
0xb7: {  	_ =	sfence  }
0xb8: {  	s30 =	sld [smem:$0x0];
	_ =	sdelay $0x2  }
0xb9: {  	s31 =	sshll.u32 s1, $0xD;
	s1 =	sshrl.u32 s1, $0x2  }
0xba: {  	s3 =	sand.u32 $0x4000, s31;
	s1 =	sadd.s32 s1, s30  }
0xbb: {  	s0 =	sor.u32 s3, s0;
	s1 =	sshll.u32 s1, $0x11  }
0xbc: {  	s0 =	sor.u32 s1, s0  }
0xbd: {  	s0 =	sadd.s32 $0x8F2B, s0  }
0xbe: {  	[sflag:s0] =	ssyncadd.remote.s32 $0x1  }
0xbf: {  	_ =	sfence.sel $0xFFFF  }
0xc0: {  	[dreg:$0x0] =	wrdreg $0xFFFFFFFF;
	(pc) =	sbr.abs _section_cstart, $3  }
0xc1: {  	[dreg:$0x1] =	wrdreg $0xFFFFFFFF  }
0xc2: {  	_ =	task.clear_ibuf [dreg:s6], $0x2FFFF;
	_ =	strace $0x9FFFFFFF  }
0xc3: {  	(tm) =	ssettm $0x7FFFFFFF  }
tec
execute0_lowered:
.L_overlay_start_1:
0x0: {  	(tag) =	ssettag $0x1  }
0x1: {  	s0 =	rddreg [dreg:$0x0]  }
0x2: {  	s1 =	rddreg [dreg:$0x1];
	s2 =	srdreg.scid  }
0x3: {  	s3 =	rddreg [dreg:$0x2];
	s12 =	stileid.u32;
	s4 =	simm.s32 $0x0  }
0x4: {  	s16 =	simm.s32 $0x80;
	s17 =	simm.s32 $0xA000;
	s18 =	simm.s32 $0xB000  }
0x5: {  	s20 =	simm.s32 $0xC000;
	s21 =	simm.s32 $0x1;
	s23 =	simm.s32 $0xD000  }
0x6: {  	s24 =	simm.s32 $0x2;
	s26 =	simm.s32 $0x5;
	s29 =	simm.s32 $0x3  }
0x7: {  	s31 =	simm.s32 $0x6;
	s22 =	simm.s32 $0x7;
	s25 =	simm.s32 $0x8  }
0x8: {  	s2 =	sand.u32 $0x1, s2;
	s6 =	smul.u32 $0x5000, s12;
	[smem:$0x7FF] =	sst s4  }
0x9: {  	s8 =	smul.u32 $0x9E00, s12;
	s30 =	sshll.u32 s12, $0x6;
	s12 =	simm.s32 $0x9  }
0xa: {  	s5 =	smul.u32 $0x9E000, s2;
	_ =	strace $0x8000004D;
	s2 =	ssub.s32 $0x2, s2  }
0xb: {  	s6 =	sshrl.u32 s6, $0x3;
	s13 =	sshrl.u32 s8, $0x4;
	s10 =	sshrl.u32 s2, $0x1  }
0xc: {  	s7 =	sshrl.u32 s5, $0x4;
	s9 =	sadd.s32 s6, s0;
	s5 =	sadd.s32 s8, s5  }
0xd: {  	s28 =	sadd.s32 s13, s0;
	s2 =	ssub.s32 s2, s10;
	s8 =	sshrl.u32 s8, $0x1  }
0xe: {  	s6 =	sor.u32 $0x1C09, s30;
	s7 =	sadd.s32 s7, s0;
	s5 =	sshrl.u32 s5, $0x4  }
0xf: {  	s11 =	sadd.s32 s8, s1;
	s14 =	sadd.s32 s8, s3;
	s8 =	sadd.s32 $0xC800, s9  }
0x10: {  	s10 =	smax.u32 s2, $0x1;
	s2 =	simm.s32 $0x4;
	s0 =	sadd.s32 s5, s0  }
0x11: {  	s5 =	sadd.s32 $0x20800, s28;
	s15 =	sadd.s32 $0x2A600, s7;
	s7 =	sadd.s32 $0x2800, s9  }
0x12: {  	s11 =	sshrl.u32 s11, $0x3;
	s14 =	sshrl.u32 s14, $0x3;
	s9 =	sadd.s32 $0x3E200, s0  }
0x13: {  	s13 =	sadd.s32 s13, s15;
	s15 =	simm.s32 $0x5000;
	s0 =	simm.s32 $0x0  }
.LBB2_1:
0x14: {  	[spmem:s11], [sflag:s6] =	dma.local [hbm:s5], $0x9E0  }
0x15: {  	_ =	swait.ge [sflag:s12], $0x9E0  }
0x16: {  	[sflag:s12] =	ssyncset.done $0x0  }
0x17: {  	[sflag:s12] =	ssyncadd.s32 $0xFFFFF620  }
0x18: {  	[spmem:s14], [sflag:s6] =	dma.local [hbm:s13], $0x9E0  }
0x19: {  	_ =	swait.ge [sflag:s12], $0x9E0  }
0x1a: {  	[sflag:s12] =	ssyncset.done $0x0  }
0x1b: {  	[sflag:s12] =	ssyncadd.s32 $0xFFFFF620  }
0x1c: {  	[tilespmem:s4], [sflag:$0x9] =	stream.linear.gather [hbm4b:s7+s4], $0x5000, $0x38;
	[tilespmem:$0x17E00] =	vst v63  }
0x1d: {  	_ =	swait.ge [sflag:s12], $0x5000  }
0x1e: {  	[sflag:s12] =	ssyncset.done $0x0  }
0x1f: {  	[sflag:s12] =	ssyncadd.s32 $0xFFFFB000  }
0x20: {  	[tilespmem:s15], [sflag:$0x9] =	stream.linear.gather [hbm4b:s8+s4], $0x5000, $0x38;
	[tilespmem:$0x17E00] =	vst v63  }
0x21: {  	_ =	swait.ge [sflag:s12], $0x5000  }
0x22: {  	[sflag:s12] =	ssyncset.done $0x0  }
0x23: {  	[sflag:s12] =	ssyncadd.s32 $0xFFFFB000  }
0x24: {  	[bflag:$0x0] =	sbarrier.arrive $0xFFFF  }
0x25: {  	[tilespmem:s17], [sflag:$0x1] =	stream.indirect.gather [spmem:s3], $0x20, s4, s16, $0xb8;
	[tilespmem:$0x17E00] =	vst v63  }
0x26: {  	_ = 	snop  }
0x27: {  	[tilespmem:s18], [sflag:$0x2] =	stream.indirect.gather [spmem:s3], $0x20, s16, s16, $0xb8;
	[tilespmem:$0x17E00] =	vst v63  }
0x28: {  	s19 =	simm.s32 $0x100  }
0x29: {  	[tilespmem:s20], [sflag:$0x3] =	stream.indirect.gather [spmem:s3], $0x20, s19, s16, $0xb8;
	[tilespmem:$0x17E00] =	vst v63  }
0x2a: {  	_ =	swait.ge [sflag:s21], $0x1000  }
0x2b: {  	[sflag:s21] =	ssyncset.done $0x0  }
0x2c: {  	[sflag:s21] =	ssyncadd.s32 $0xFFFFF000  }
0x2d: {  	[spmem:s1] =	stream.indirect.scatter.add.bf16 [tilespmem:s17], [sflag:$0x5], $0x20, s15, s16, $0xb8;
	[tilespmem:$0x17E00] =	vst v63  }
0x2e: {  	s30 =	simm.s32 $0x180  }
0x2f: {  	[tilespmem:s23], [sflag:$0x4] =	stream.indirect.gather [spmem:s3], $0x20, s30, s16, $0xb8;
	[tilespmem:$0x17E00] =	vst v63  }
0x30: {  	_ =	swait.ge [sflag:s24], $0x1000  }
0x31: {  	[sflag:s24] =	ssyncset.done $0x0  }
0x32: {  	s30 =	simm.s32 $0x5080;
	[sflag:s24] =	ssyncadd.s32 $0xFFFFF000  }
0x33: {  	[spmem:s1] =	stream.indirect.scatter.add.bf16 [tilespmem:s18], [sflag:$0x6], $0x20, s30, s16, $0xb8;
	[tilespmem:$0x17E00] =	vst v63  }
0x34: {  	_ =	swait.ge [sflag:s26], $0x1000  }
0x35: {  	[sflag:s26] =	ssyncset.done $0x0  }
0x36: {  	s30 =	simm.s32 $0x200;
	[sflag:s26] =	ssyncadd.s32 $0xFFFFF000  }
0x37: {  	[tilespmem:s17], [sflag:$0x1] =	stream.indirect.gather [spmem:s3], $0x20, s30, s16, $0xb8;
	[tilespmem:$0x17E00] =	vst v63  }
0x38: {  	_ =	swait.ge [sflag:s29], $0x1000  }
0x39: {  	[sflag:s29] =	ssyncset.done $0x0  }
0x3a: {  	s30 =	simm.s32 $0x5100;
	[sflag:s29] =	ssyncadd.s32 $0xFFFFF000  }
0x3b: {  	[spmem:s1] =	stream.indirect.scatter.add.bf16 [tilespmem:s20], [sflag:$0x7], $0x20, s30, s16, $0xb8;
	[tilespmem:$0x17E00] =	vst v63  }
0x3c: {  	_ =	swait.ge [sflag:s31], $0x1000  }
0x3d: {  	[sflag:s31] =	ssyncset.done $0x0  }
0x3e: {  	s30 =	simm.s32 $0x280;
	[sflag:s31] =	ssyncadd.s32 $0xFFFFF000  }
0x3f: {  	[tilespmem:s18], [sflag:$0x2] =	stream.indirect.gather [spmem:s3], $0x20, s30, s16, $0xb8;
	[tilespmem:$0x17E00] =	vst v63  }
0x40: {  	_ =	swait.ge [sflag:s2], $0x1000  }
0x41: {  	[sflag:s2] =	ssyncset.done $0x0  }
0x42: {  	s30 =	simm.s32 $0x5180;
	[sflag:s2] =	ssyncadd.s32 $0xFFFFF000  }
0x43: {  	[spmem:s1] =	stream.indirect.scatter.add.bf16 [tilespmem:s23], [sflag:$0x8], $0x20, s30, s16, $0xb8;
	[tilespmem:$0x17E00] =	vst v63  }
0x44: {  	_ =	swait.ge [sflag:s22], $0x1000  }
0x45: {  	[sflag:s22] =	ssyncset.done $0x0  }
0x46: {  	s30 =	simm.s32 $0x300;
	[sflag:s22] =	ssyncadd.s32 $0xFFFFF000  }
0x47: {  	[tilespmem:s20], [sflag:$0x3] =	stream.indirect.gather [spmem:s3], $0x20, s30, s16, $0xb8;
	[tilespmem:$0x17E00] =	vst v63  }
0x48: {  	_ =	swait.ge [sflag:s21], $0x1000  }
0x49: {  	[sflag:s21] =	ssyncset.done $0x0  }
0x4a: {  	s30 =	simm.s32 $0x5200;
	[sflag:s21] =	ssyncadd.s32 $0xFFFFF000  }
0x4b: {  	[spmem:s1] =	stream.indirect.scatter.add.bf16 [tilespmem:s17], [sflag:$0x5], $0x20, s30, s16, $0xb8;
	[tilespmem:$0x17E00] =	vst v63  }
0x4c: {  	_ =	swait.ge [sflag:s25], $0x1000  }
0x4d: {  	[sflag:s25] =	ssyncset.done $0x0  }
0x4e: {  	s30 =	simm.s32 $0x380;
	[sflag:s25] =	ssyncadd.s32 $0xFFFFF000  }
0x4f: {  	[tilespmem:s23], [sflag:$0x4] =	stream.indirect.gather [spmem:s3], $0x20, s30, s16, $0xb8;
	[tilespmem:$0x17E00] =	vst v63  }
0x50: {  	_ =	swait.ge [sflag:s24], $0x1000  }
0x51: {  	[sflag:s24] =	ssyncset.done $0x0  }
0x52: {  	s30 =	simm.s32 $0x5280;
	[sflag:s24] =	ssyncadd.s32 $0xFFFFF000  }
0x53: {  	[spmem:s1] =	stream.indirect.scatter.add.bf16 [tilespmem:s18], [sflag:$0x6], $0x20, s30, s16, $0xb8;
	[tilespmem:$0x17E00] =	vst v63  }
0x54: {  	_ =	swait.ge [sflag:s26], $0x1000  }
0x55: {  	[sflag:s26] =	ssyncset.done $0x0  }
0x56: {  	s30 =	simm.s32 $0x400;
	[sflag:s26] =	ssyncadd.s32 $0xFFFFF000  }
0x57: {  	[tilespmem:s17], [sflag:$0x1] =	stream.indirect.gather [spmem:s3], $0x20, s30, s16, $0xb8;
	[tilespmem:$0x17E00] =	vst v63  }
0x58: {  	_ =	swait.ge [sflag:s29], $0x1000  }
0x59: {  	[sflag:s29] =	ssyncset.done $0x0  }
0x5a: {  	s30 =	simm.s32 $0x5300;
	[sflag:s29] =	ssyncadd.s32 $0xFFFFF000  }
0x5b: {  	[spmem:s1] =	stream.indirect.scatter.add.bf16 [tilespmem:s20], [sflag:$0x7], $0x20, s30, s16, $0xb8;
	[tilespmem:$0x17E00] =	vst v63  }
0x5c: {  	_ =	swait.ge [sflag:s31], $0x1000  }
0x5d: {  	[sflag:s31] =	ssyncset.done $0x0  }
0x5e: {  	s30 =	simm.s32 $0x480;
	[sflag:s31] =	ssyncadd.s32 $0xFFFFF000  }
0x5f: {  	[tilespmem:s18], [sflag:$0x2] =	stream.indirect.gather [spmem:s3], $0x20, s30, s16, $0xb8;
	[tilespmem:$0x17E00] =	vst v63  }
0x60: {  	_ =	swait.ge [sflag:s2], $0x1000  }
0x61: {  	[sflag:s2] =	ssyncset.done $0x0  }
0x62: {  	s28 =	simm.s32 $0x5380;
	s19 =	simm.s32 $0x800;
	[sflag:s2] =	ssyncadd.s32 $0xFFFFF000  }
.LBB2_2:
0x63: {  	[spmem:s1] =	stream.indirect.scatter.add.bf16 [tilespmem:s23], [sflag:$0x8], $0x20, s28, s16, $0xb8;
	[tilespmem:$0x17E00] =	vst v63  }
0x64: {  	s28 =	smov.u32 s19  }
0x65: {  	p0 =	sne.s32 s19, $0x12800;
	s19 =	sadd.s32 $0x800, s19;
	_ =	swait.ge [sflag:s22], $0x1000  }
0x66: {  	s28 =	sshra.s32 s28, $0x2;
	[sflag:s22] =	ssyncset.done $0x0  }
0x67: {  	s30 =	sadd.s32 $0x300, s28;
	[sflag:s22] =	ssyncadd.s32 $0xFFFFF000  }
0x68: {  	[tilespmem:s20], [sflag:$0x3] =	stream.indirect.gather [spmem:s3], $0x20, s30, s16, $0xb8;
	[tilespmem:$0x17E00] =	vst v63  }
0x69: {  	_ =	swait.ge [sflag:s21], $0x1000  }
0x6a: {  	[sflag:s21] =	ssyncset.done $0x0  }
0x6b: {  	s30 =	sadd.s32 $0x5200, s28;
	[sflag:s21] =	ssyncadd.s32 $0xFFFFF000  }
0x6c: {  	[spmem:s1] =	stream.indirect.scatter.add.bf16 [tilespmem:s17], [sflag:$0x5], $0x20, s30, s16, $0xb8;
	[tilespmem:$0x17E00] =	vst v63  }
0x6d: {  	_ =	swait.ge [sflag:s25], $0x1000  }
0x6e: {  	[sflag:s25] =	ssyncset.done $0x0  }
0x6f: {  	s30 =	sadd.s32 $0x380, s28;
	[sflag:s25] =	ssyncadd.s32 $0xFFFFF000  }
0x70: {  	[tilespmem:s23], [sflag:$0x4] =	stream.indirect.gather [spmem:s3], $0x20, s30, s16, $0xb8;
	[tilespmem:$0x17E00] =	vst v63  }
0x71: {  	_ =	swait.ge [sflag:s24], $0x1000  }
0x72: {  	[sflag:s24] =	ssyncset.done $0x0  }
0x73: {  	s30 =	sadd.s32 $0x5280, s28;
	[sflag:s24] =	ssyncadd.s32 $0xFFFFF000  }
0x74: {  	[spmem:s1] =	stream.indirect.scatter.add.bf16 [tilespmem:s18], [sflag:$0x6], $0x20, s30, s16, $0xb8;
	[tilespmem:$0x17E00] =	vst v63  }
0x75: {  	_ =	swait.ge [sflag:s26], $0x1000  }
0x76: {  	[sflag:s26] =	ssyncset.done $0x0  }
0x77: {  	s30 =	sadd.s32 $0x400, s28;
	[sflag:s26] =	ssyncadd.s32 $0xFFFFF000  }
0x78: {  	[tilespmem:s17], [sflag:$0x1] =	stream.indirect.gather [spmem:s3], $0x20, s30, s16, $0xb8;
	[tilespmem:$0x17E00] =	vst v63  }
0x79: {  	_ =	swait.ge [sflag:s29], $0x1000  }
0x7a: {  	[sflag:s29] =	ssyncset.done $0x0  }
0x7b: {  	s30 =	sadd.s32 $0x5300, s28;
	[sflag:s29] =	ssyncadd.s32 $0xFFFFF000  }
0x7c: {  	[spmem:s1] =	stream.indirect.scatter.add.bf16 [tilespmem:s20], [sflag:$0x7], $0x20, s30, s16, $0xb8;
	[tilespmem:$0x17E00] =	vst v63  }
0x7d: {  	_ =	swait.ge [sflag:s31], $0x1000  }
0x7e: {  	[sflag:s31] =	ssyncset.done $0x0  }
.Ltmp0:
0x7f: {  	s30 =	sadd.s32 $0x480, s28;
	[sflag:s31] =	ssyncadd.s32 $0xFFFFF000;
	(pc) =	sbr.rel @p0 .LBB2_2-.Ltmp0, $4  }
0x80: {  	[tilespmem:s18], [sflag:$0x2] =	stream.indirect.gather [spmem:s3], $0x20, s30, s16, $0xb8;
	[tilespmem:$0x17E00] =	vst v63  }
0x81: {  	_ =	swait.ge [sflag:s2], $0x1000  }
0x82: {  	[sflag:s2] =	ssyncset.done $0x0  }
0x83: {  	s28 =	sadd.s32 $0x5380, s28;
	[sflag:s2] =	ssyncadd.s32 $0xFFFFF000  }
0x84: {  	[spmem:s1] =	stream.indirect.scatter.add.bf16 [tilespmem:s23], [sflag:$0x8], $0x20, s28, s16, $0xb8;
	[tilespmem:$0x17E00] =	vst v63  }
0x85: {  	_ =	swait.ge [sflag:s22], $0x1000  }
0x86: {  	[sflag:s22] =	ssyncset.done $0x0  }
0x87: {  	s19 =	simm.s32 $0x4F00;
	[sflag:s22] =	ssyncadd.s32 $0xFFFFF000  }
0x88: {  	[tilespmem:s20], [sflag:$0x3] =	stream.indirect.gather [spmem:s3], $0x20, s19, s16, $0xb8;
	[tilespmem:$0x17E00] =	vst v63  }
0x89: {  	_ =	swait.ge [sflag:s21], $0x1000  }
0x8a: {  	[sflag:s21] =	ssyncset.done $0x0  }
0x8b: {  	s30 =	simm.s32 $0x9E00;
	[sflag:s21] =	ssyncadd.s32 $0xFFFFF000  }
0x8c: {  	[spmem:s1] =	stream.indirect.scatter.add.bf16 [tilespmem:s17], [sflag:$0x5], $0x20, s30, s16, $0xb8;
	[tilespmem:$0x17E00] =	vst v63  }
0x8d: {  	_ =	swait.ge [sflag:s25], $0x1000  }
0x8e: {  	[sflag:s25] =	ssyncset.done $0x0  }
0x8f: {  	s28 =	simm.s32 $0x4F80;
	[sflag:s25] =	ssyncadd.s32 $0xFFFFF000  }
0x90: {  	[tilespmem:s23], [sflag:$0x4] =	stream.indirect.gather [spmem:s3], $0x20, s28, s16, $0xb8;
	[tilespmem:$0x17E00] =	vst v63  }
0x91: {  	_ =	swait.ge [sflag:s24], $0x1000  }
0x92: {  	[sflag:s24] =	ssyncset.done $0x0  }
0x93: {  	s30 =	simm.s32 $0x9E80;
	[sflag:s24] =	ssyncadd.s32 $0xFFFFF000  }
0x94: {  	[spmem:s1] =	stream.indirect.scatter.add.bf16 [tilespmem:s18], [sflag:$0x6], $0x20, s30, s16, $0xb8;
	[tilespmem:$0x17E00] =	vst v63  }
0x95: {  	_ =	swait.ge [sflag:s26], $0x1000  }
0x96: {  	[sflag:s26] =	ssyncset.done $0x0  }
0x97: {  	[sflag:s26] =	ssyncadd.s32 $0xFFFFF000  }
0x98: {  	_ =	swait.ge [sflag:s29], $0x1000  }
0x99: {  	[sflag:s29] =	ssyncset.done $0x0  }
0x9a: {  	s28 =	simm.s32 $0x9F00;
	[sflag:s29] =	ssyncadd.s32 $0xFFFFF000  }
0x9b: {  	[spmem:s1] =	stream.indirect.scatter.add.bf16 [tilespmem:s20], [sflag:$0x7], $0x20, s28, s16, $0xb8;
	[tilespmem:$0x17E00] =	vst v63  }
0x9c: {  	_ =	swait.ge [sflag:s31], $0x1000  }
0x9d: {  	[sflag:s31] =	ssyncset.done $0x0  }
0x9e: {  	[sflag:s31] =	ssyncadd.s32 $0xFFFFF000  }
0x9f: {  	_ =	swait.ge [sflag:s2], $0x1000  }
0xa0: {  	[sflag:s2] =	ssyncset.done $0x0  }
0xa1: {  	s30 =	simm.s32 $0x9F80;
	[sflag:s2] =	ssyncadd.s32 $0xFFFFF000  }
0xa2: {  	[spmem:s1] =	stream.indirect.scatter.add.bf16 [tilespmem:s23], [sflag:$0x8], $0x20, s30, s16, $0xb8;
	[tilespmem:$0x17E00] =	vst v63  }
0xa3: {  	_ =	swait.ge [sflag:s22], $0x1000  }
0xa4: {  	[sflag:s22] =	ssyncset.done $0x0  }
0xa5: {  	[sflag:s22] =	ssyncadd.s32 $0xFFFFF000  }
0xa6: {  	_ =	swait.ge [sflag:s25], $0x1000  }
0xa7: {  	s0 =	sadd.s32 $0x1, s0;
	[sflag:s25] =	ssyncset.done $0x0  }
0xa8: {  	p0 =	sne.s32 s0, s10;
	[sflag:s25] =	ssyncadd.s32 $0xFFFFF000  }
.Ltmp1:
0xa9: {  	[bflag:$0x0] =	sbarrier.arrive $0xFFFF;
	(pc) =	sbr.rel @p0 .LBB2_1-.Ltmp1, $4  }
0xaa: {  	[hbm:s9], [sflag:s6] =	dma.local [spmem:s11], $0x9E0  }
0xab: {  	_ =	swait.ge [sflag:s12], $0x9E0  }
0xac: {  	[sflag:s12] =	ssyncset.done $0x0  }
0xad: {  	[sflag:s12] =	ssyncadd.s32 $0xFFFFF620  }
0xae: {  	_ =	sfence.sel $0x180000  }
0xaf: {  	[bflag:$0x0] =	sbarrier.arrive $0xFFFF  }
0xb0: {  	_ =	strace $0x9000004D  }
0xb1: {  	s0 =	stileid.u32;
	[bflag:$0x2] =	sbarrier.arrive $0xFFFF  }
0xb2: {  	p0 =	sne.s32 s0, $0x0;
	s0 =	rddreg [dreg:$0x3]  }
0xb3: {  	s0 =	sadd.s32 @!p0 $0x100000, s0  }
0xb4: {  	[sflag:s0] =	ssyncadd.tile.s32 @!p0 $0x1;
	_ =	shalt  }
.Lfunc_end2:
_tile_overlayer_lowered:
.L_overlay_start_2:
0xb5: {  	(tag) =	ssettag $0x2  }
0xb6: {  	s0 =	rddreg [dreg:$0x0];
	s2 =	stileid.u32  }
0xb7: {  	s1 =	rddreg [dreg:$0x1];
	p0 =	sne.s32 s2, $0x0  }
0xb8: {  	s3 =	rddreg [dreg:$0x2];
	[bflag:$0x3] =	sbarrier.arrive $0xFFFF;
	s2 =	simm.s32 @!p0 $0x1C09  }
0xb9: {  	[timem:s3], [sflag:s2] =	dma.local @!p0 [hbm:s0], s1  }
0xba: {  	s0 =	simm.s32 @!p0 $0x9  }
0xbb: {  	_ =	swait.ge @!p0 [sflag:s0], s1  }
0xbc: {  	s1 =	ssub.s32 @!p0 $0x0, s1;
	[sflag:s0] =	ssyncset.done @!p0 $0x0  }
0xbd: {  	[sflag:s0] =	ssyncadd.s32 @!p0 s1  }
0xbe: {  	[bflag:$0x3] =	sbarrier.arrive $0xFFFF  }
0xbf: {  	_ =	shalt  }

// kernel: kernel.20.cloned.1.call-start
scs
__scs_entry_jumppad:
0x0: {  	(pc) =	sbr.rel $0x88, $3  }
0x1: {  	(tag) =	ssettag $0x0;
	lr =	simm.s32 $0x1  }
0x2: {  	[smem:$0x3F99] =	sst lr;
	_ =	strace $0xD0000000  }
0x3: {  	_ = 	snop  }
0x4: {  	_ = 	snop  }
0x5: {  	_ = 	snop  }
0x6: {  	_ = 	snop  }
0x7: {  	_ = 	snop  }
__scs_overlays_trampoline_lowered:
0x8: {  	[smem:$0x3FA8] =	sst s0  }
0x9: {  	[smem:$0x3FA9] =	sst s1  }
0xa: {  	[smem:$0x3FAA] =	sst s2  }
0xb: {  	[smem:$0x3FAB] =	sst s3  }
0xc: {  	[smem:$0x3FAC] =	sst s4  }
0xd: {  	[smem:$0x3FAD] =	sst s5  }
0xe: {  	[smem:$0x3FAE] =	sst s6  }
0xf: {  	[smem:$0x3FAF] =	sst s7  }
0x10: {  	[smem:$0x3FB0] =	sst s8  }
0x11: {  	[smem:$0x3FB1] =	sst s9;
	s0 =	simm.s32 @!p0 $0x0  }
0x12: {  	s1 =	sld [smem:$0x3F97];
	s0 =	simm.s32 @p0 $0x1  }
0x13: {  	[smem:$0x3FB2] =	sst s0;
	s0 =	simm.s32 @!p1 $0x0  }
0x14: {  	s2 =	sld [smem:$0x3F96];
	s0 =	simm.s32 @p1 $0x1  }
0x15: {  	[smem:$0x3FB3] =	sst s0;
	s0 =	simm.s32 @!p2 $0x0  }
0x16: {  	s3 =	sld [smem:$0x3FDB];
	s0 =	simm.s32 @p2 $0x1  }
0x17: {  	s4 =	simm.s32 $0x1BF5;
	[smem:$0x3FB5] =	sst s0  }
0x18: {  	s0 =	sld [smem:$0x3F98];
	_ =	swait.ge [sflag:s4], $0x0  }
0x19: {  	s7 =	sld [smem:$0x3F99]  }
0x1a: {  	s8 =	sadd.s32 $0xFFFFE003, lr  }
0x1b: {  	s9 =	sadd.s32 $0xFFFFFEF7, lr;
	s5 =	simm.s32 $0xFFFFFFFF;
	p2 =	slt.u32 s8, $0xFFFFF086  }
0x1c: {  	p1 =	slt.u32 s9, $0xF7A;
	s5 =	simm.s32 @!p2 $0x0  }
0x1d: {  	s5 =	simm.s32 @p1 $0x1;
	p0 =	seq.s32 s7, s2  }
0x1e: {  	s7 =	smul.u32 @!p0 $0xF7A, s2;
	p2 =	seq.s32 @!p0 s5, $0x0  }
0x1f: {  	s9 =	smul.u32 $0xF7A, s1;
	s8 =	simm.s32 @!p0 $0x1BF5;
	p2 =	por !p2, p0  }
0x20: {  	[sflag:s8] =	ssyncset.s32 @!p0 $0xFFFFF086;
	s6 =	sadd.s32 @!p0 s3, s7;
	s7 =	simm.s32 @!p0 $0x108  }
0x21: {  	s3 =	sadd.s32 s3, s9;
	s6 =	sadd.s32 @!p0 $0x88, s6;
	s7 =	simm.s32 @p2 $0x1082  }
0x22: {  	[simem:s7], [sflag:s8] =	dma.local @!p0 [hbm:s6], $0xF7A  }
0x23: {  	s9 =	sor.u32 $0xD0000000, s2;
	s6 =	simm.s32 $0x108;
	_ =	swait.ge @!p0 [sflag:s8], $0x0  }
0x24: {  	s3 =	sadd.s32 $0x88, s3;
	s6 =	simm.s32 @!p1 $0x1082;
	[sflag:s4] =	ssyncset.s32 $0xFFFFF086  }
0x25: {  	[simem:s6], [sflag:s4] =	dma.local [hbm:s3], $0xF7A  }
0x26: {  	[smem:$0x3F99] =	sst s1;
	(tag) =	ssettag s2;
	_ =	strace s9  }
0x27: {  	s1 =	sld [smem:$0x3FA9]  }
0x28: {  	s2 =	sld [smem:$0x3FAA]  }
0x29: {  	s4 =	sld [smem:$0x3FAC]  }
0x2a: {  	p0 =	seq.s32 s5, $0x0;
	s5 =	sld [smem:$0x3FAD]  }
0x2b: {  	s6 =	sld [smem:$0x3FAE]  }
0x2c: {  	s7 =	sld [smem:$0x3FAF]  }
0x2d: {  	s3 =	simm.s32 $0x108;
	s8 =	sld [smem:$0x3FB0]  }
0x2e: {  	s3 =	simm.s32 @!p0 $0x1082;
	s9 =	sld [smem:$0x3FB1]  }
0x2f: {  	lr =	sadd.s32 s0, s3;
	s0 =	sld [smem:$0x3FA8]  }
0x30: {  	s3 =	sld [smem:$0x3FAB]  }
0x31: {  	[smem:$0x3FB4] =	sst s10  }
0x32: {  	s10 =	sld [smem:$0x3FB2];
	_ =	sdelay $0x3  }
0x33: {  	p0 =	seq.s32 s10, $0x1;
	s10 =	sld [smem:$0x3FB4];
	_ =	sdelay $0x3  }
0x34: {  	[smem:$0x3FB4] =	sst s10  }
0x35: {  	s10 =	sld [smem:$0x3FB3];
	_ =	sdelay $0x3  }
0x36: {  	p1 =	seq.s32 s10, $0x1;
	s10 =	sld [smem:$0x3FB4];
	_ =	sdelay $0x3  }
0x37: {  	[smem:$0x3FB4] =	sst s10  }
0x38: {  	s10 =	sld [smem:$0x3FB5]  }
0x39: {  	_ = 	snop;
	(pc) =	sbr.ind lr, $3  }
0x3a: {  	_ = 	snop  }
0x3b: {  	_ = 	snop  }
0x3c: {  	p2 =	seq.s32 s10, $0x1;
	s10 =	sld [smem:$0x3FB4]  }
0x3d: {  	_ =	shalt  }
0x3e: {  	_ =	shalt  }
0x3f: {  	_ =	shalt  }
0x40: {  	_ =	shalt  }
0x41: {  	_ =	shalt  }
0x42: {  	_ =	shalt  }
0x43: {  	_ =	shalt  }
0x44: {  	_ =	shalt  }
0x45: {  	_ =	shalt  }
0x46: {  	_ =	shalt  }
0x47: {  	_ =	shalt  }
0x48: {  	_ =	shalt  }
0x49: {  	_ =	shalt  }
0x4a: {  	_ =	shalt  }
0x4b: {  	_ =	shalt  }
0x4c: {  	_ =	shalt  }
0x4d: {  	_ =	shalt  }
0x4e: {  	_ =	shalt  }
0x4f: {  	_ =	shalt  }
0x50: {  	_ =	shalt  }
0x51: {  	_ =	shalt  }
0x52: {  	_ =	shalt  }
0x53: {  	_ =	shalt  }
0x54: {  	_ =	shalt  }
0x55: {  	_ =	shalt  }
0x56: {  	_ =	shalt  }
0x57: {  	_ =	shalt  }
0x58: {  	_ =	shalt  }
0x59: {  	_ =	shalt  }
0x5a: {  	_ =	shalt  }
0x5b: {  	_ =	shalt  }
0x5c: {  	_ =	shalt  }
0x5d: {  	_ =	shalt  }
0x5e: {  	_ =	shalt  }
0x5f: {  	_ =	shalt  }
0x60: {  	_ =	shalt  }
0x61: {  	_ =	shalt  }
0x62: {  	_ =	shalt  }
0x63: {  	_ =	shalt  }
0x64: {  	_ =	shalt  }
0x65: {  	_ =	shalt  }
0x66: {  	_ =	shalt  }
0x67: {  	_ =	shalt  }
0x68: {  	_ =	shalt  }
0x69: {  	_ =	shalt  }
0x6a: {  	_ =	shalt  }
0x6b: {  	_ =	shalt  }
0x6c: {  	_ =	shalt  }
0x6d: {  	_ =	shalt  }
0x6e: {  	_ =	shalt  }
0x6f: {  	_ =	shalt  }
0x70: {  	_ =	shalt  }
0x71: {  	_ =	shalt  }
0x72: {  	_ =	shalt  }
0x73: {  	_ =	shalt  }
0x74: {  	_ =	shalt  }
0x75: {  	_ =	shalt  }
0x76: {  	_ =	shalt  }
0x77: {  	_ =	shalt  }
0x78: {  	_ =	shalt  }
0x79: {  	_ =	shalt  }
0x7a: {  	_ =	shalt  }
0x7b: {  	_ =	shalt  }
0x7c: {  	_ =	shalt  }
0x7d: {  	_ =	shalt  }
0x7e: {  	_ =	shalt  }
0x7f: {  	_ =	shalt  }
0x80: {  	_ =	shalt  }
0x81: {  	_ =	shalt  }
0x82: {  	_ =	shalt  }
0x83: {  	_ =	shalt  }
0x84: {  	_ =	shalt  }
0x85: {  	_ =	shalt  }
0x86: {  	_ =	shalt  }
0x87: {  	_ =	shalt  }
.Lfunc_end0:
.L_simem_size_0:
called_computation.3_lowered:
.L_overlay_start_0:
0x88: {  	s2 =	sld [smem:$0x3FD9]  }
0x89: {  	s3 =	sld [smem:$0x3FFE];
	_ =	sdelay $0x1  }
0x8a: {  	s1 =	srdreg.scid  }
0x8b: {  	s0 =	sand.u32 $0x1, s1  }
0x8c: {  	s17 =	sshll.u32 s0, $0xA;
	s2 =	sadd.s32 s3, s2  }
0x8d: {  	s2 =	sadd.s32 s2, s17  }
0x8e: {  	[smem:$0x3FC0] =	sst s2  }
0x8f: {  	_ = 	snop  }
0x90: {  	s2 =	sld [smem:$0x3FD0];
	(tm) =	ssettm $0x1  }
0x91: {  	s18 =	sld [smem:$0x3FFB];
	_ =	sdelay $0x3  }
0x92: {  	_ =	strace s18  }
0x93: {  	s3 =	sld [smem:$0x3FFC];
	_ =	sdelay $0x3  }
0x94: {  	_ =	strace s3  }
0x95: {  	s3 =	sld [smem:$0x3FFD];
	_ =	sdelay $0x3  }
0x96: {  	_ =	strace s3  }
0x97: {  	_ =	strace $0x8FFFFFFF  }
0x98: {  	s19 =	sld [smem:$0x3FDB];
	_ =	sdelay $0x1  }
0x99: {  	s4 =	simm.s32 $_scs_section_size  }
0x9a: {  	s5 =	simm.s32 $_size__tile_overlayer_lowered;
	s6 =	simm.s32 $_tile_overlayer_lowered  }
0x9b: {  	s22 =	simm.s32 $0x1BFF;
	s21 =	sshll.u32 s6, $0x1;
	s3 =	sadd.s32 s4, s19  }
0x9c: {  	s7 =	simm.s32 $0x0;
	s20 =	sshll.u32 s5, $0x1;
	s5 =	sadd.s32 s21, s3  }
0x9d: {  	[timem:s7], [sflag:s22] =	dma.local [hbm:s5], s20  }
0x9e: {  	_ =	swait.ge [sflag:s22], s20  }
0x9f: {  	s4 =	ssub.s32 $0x0, s20;
	[sflag:s22] =	ssyncset.done $0x0  }
0xa0: {  	[sflag:s22] =	ssyncadd.s32 s4;
	_ =	sdelay $0x1  }
0xa1: {  	s23 =	simm.s32 $0x1B8B  }
0xa2: {  	_ =	swait.ge [sflag:s23], $0x1  }
0xa3: {  	[sflag:s23] =	ssyncset.done $0x0  }
0xa4: {  	s25 =	simm.s32 $0x1B8E;
	s24 =	sld [smem:$0x3FFE];
	[sflag:s23] =	ssyncadd.s32 $0xFFFFFFFF  }
0xa5: {  	s26 =	simm.s32 $execute0_lowered;
	[smem:$0x3FD2] =	sst s25  }
0xa6: {  	s5 =	sshll.u32 s26, $0x1;
	_ =	strace $0x8000004F;
	[dreg:$0x1] =	wrdreg $0xFFFFFFFF  }
0xa7: {  	s28 =	simm.s32 $_size_execute0_lowered;
	s3 =	sadd.s32 s3, s5;
	[dreg:$0x0] =	wrdreg $0x0  }
0xa8: {  	s5 =	sshll.u32 s28, $0x1;
	[dreg:$0x2] =	wrdreg s3  }
0xa9: {  	[dreg:$0x3] =	wrdreg s5  }
0xaa: {  	[dreg:$0x4] =	wrdreg $0xC0  }
0xab: {  	_ =	task [dreg:s7], $0x5FFFF  }
0xac: {  	[dreg:$0x1] =	wrdreg $0xFFFFFFFF  }
0xad: {  	[dreg:$0x0] =	wrdreg $0x60  }
0xae: {  	[dreg:$0x2] =	wrdreg s24  }
0xaf: {  	[dreg:$0x3] =	wrdreg s2  }
0xb0: {  	[dreg:$0x4] =	wrdreg $0x97800  }
0xb1: {  	[dreg:$0x5] =	wrdreg $0x70000  }
0xb2: {  	[dreg:$0x6] =	wrdreg $0x9  }
0xb3: {  	_ =	task.clear_ibuf [dreg:s7], $0x7FFFF;
	_ =	strace $0x9000004F  }
0xb4: {  	s29 =	simm.s32 $0x9;
	_ =	strace $0x80000051  }
0xb5: {  	_ =	swait.ge [sflag:s29], $0x1  }
0xb6: {  	[sflag:s29] =	ssyncadd.s32 $0xFFFFFFFF  }
0xb7: {  	_ =	strace $0x90000051  }
0xb8: {  	_ =	sfence  }
0xb9: {  	s30 =	sld [smem:$0x0];
	_ =	sdelay $0x2  }
0xba: {  	s31 =	sshll.u32 s1, $0xD;
	s1 =	sshrl.u32 s1, $0x2  }
0xbb: {  	s3 =	sand.u32 $0x4000, s31;
	s1 =	sadd.s32 s1, s30  }
0xbc: {  	s0 =	sor.u32 s3, s0;
	s1 =	sshll.u32 s1, $0x11  }
0xbd: {  	s0 =	sor.u32 s1, s0  }
0xbe: {  	s0 =	sadd.s32 $0x8F2B, s0  }
0xbf: {  	[sflag:s0] =	ssyncadd.remote.s32 $0x1  }
0xc0: {  	_ =	sfence.sel $0xFFFF  }
0xc1: {  	[dreg:$0x0] =	wrdreg $0xFFFFFFFF;
	(pc) =	sbr.abs _section_cstart, $3  }
0xc2: {  	[dreg:$0x1] =	wrdreg $0xFFFFFFFF  }
0xc3: {  	_ =	task.clear_ibuf [dreg:s7], $0x2FFFF;
	_ =	strace $0x9FFFFFFF  }
0xc4: {  	(tm) =	ssettm $0x7FFFFFFF  }
0xc5: {  	_ =	shalt  }
tec
execute0_lowered:
.L_overlay_start_1:
0x0: {  	(tag) =	ssettag $0x1  }
0x1: {  	s0 =	rddreg [dreg:$0x0]  }
0x2: {  	s1 =	rddreg [dreg:$0x1]  }
0x3: {  	s2 =	rddreg [dreg:$0x2]  }
0x4: {  	s4 =	srdreg.scid;
	s3 =	rddreg [dreg:$0x3]  }
0x5: {  	s14 =	stileid.u32;
	s15 =	simm.s32 $0x2800;
	s16 =	simm.s32 $0x80  }
0x6: {  	s17 =	simm.s32 $0x5000;
	s18 =	simm.s32 $0x5800;
	s20 =	simm.s32 $0x6000  }
0x7: {  	s21 =	simm.s32 $0x1;
	s23 =	simm.s32 $0x6800;
	s24 =	simm.s32 $0x2  }
0x8: {  	s29 =	simm.s32 $0x3;
	s31 =	simm.s32 $0x6;
	s22 =	simm.s32 $0x7  }
0x9: {  	s25 =	simm.s32 $0x8;
	s5 =	sand.u32 $0x1, s4;
	s7 =	smul.u32 $0x2780, s14  }
0xa: {  	s4 =	simm.s32 $0x0;
	s28 =	sshll.u32 s14, $0x6;
	s6 =	sshll.u32 s5, $0x4  }
0xb: {  	s8 =	smul.u32 $0x27800, s5;
	[smem:$0x7FF] =	sst s4;
	s5 =	ssub.s32 $0x2, s5  }
0xc: {  	s6 =	sor.u32 s14, s6;
	s9 =	sshrl.u32 s7, $0x3;
	_ =	strace $0x80000050  }
0xd: {  	s26 =	sshrl.u32 s5, $0x1;
	s13 =	sadd.s32 s7, s2;
	s30 =	sadd.s32 s7, s3  }
0xe: {  	s6 =	smul.u32 $0x2800, s6;
	s10 =	sadd.s32 s9, s0;
	s8 =	sadd.s32 s7, s8  }
0xf: {  	s12 =	ssub.s32 s5, s26;
	s5 =	sadd.s32 s1, s9;
	s14 =	sshrl.u32 s30, $0x3  }
0x10: {  	s26 =	simm.s32 $0x5;
	s1 =	simm.s32 $0x4;
	s6 =	sshrl.u32 s6, $0x3  }
0x11: {  	s8 =	sshrl.u32 s8, $0x3;
	s7 =	sadd.s32 $0x16800, s10;
	s11 =	sadd.s32 s6, s0  }
0x12: {  	s0 =	sadd.s32 s8, s0;
	s6 =	sor.u32 $0x1C09, s28;
	s8 =	sadd.s32 $0x2800, s11  }
0x13: {  	s9 =	sadd.s32 $0xC800, s11;
	s10 =	sadd.s32 $0x1B800, s0;
	s11 =	smax.u32 s12, $0x1  }
0x14: {  	s12 =	sshrl.u32 s13, $0x3;
	s13 =	simm.s32 $0x9;
	s0 =	simm.s32 $0x0  }
.LBB2_1:
0x15: {  	[spmem:s12], [sflag:s6] =	dma.local [hbm:s5], $0x4F0  }
0x16: {  	_ =	swait.ge [sflag:s13], $0x4F0  }
0x17: {  	[sflag:s13] =	ssyncset.done $0x0  }
0x18: {  	[sflag:s13] =	ssyncadd.s32 $0xFFFFFB10  }
0x19: {  	[spmem:s14], [sflag:s6] =	dma.local [hbm:s7], $0x4F0  }
0x1a: {  	_ =	swait.ge [sflag:s13], $0x4F0  }
0x1b: {  	[sflag:s13] =	ssyncset.done $0x0  }
0x1c: {  	[sflag:s13] =	ssyncadd.s32 $0xFFFFFB10  }
0x1d: {  	[tilespmem:s4], [sflag:$0x9] =	stream.linear.gather [hbm4b:s8+s4], $0x2800, $0x38;
	[tilespmem:$0xBF00] =	vst v63  }
0x1e: {  	_ =	swait.ge [sflag:s13], $0x2800  }
0x1f: {  	[sflag:s13] =	ssyncset.done $0x0  }
0x20: {  	[sflag:s13] =	ssyncadd.s32 $0xFFFFD800  }
0x21: {  	[tilespmem:s15], [sflag:$0x9] =	stream.linear.gather [hbm4b:s9+s4], $0x2800, $0x38;
	[tilespmem:$0xBF00] =	vst v63  }
0x22: {  	_ =	swait.ge [sflag:s13], $0x2800  }
0x23: {  	[sflag:s13] =	ssyncset.done $0x0  }
0x24: {  	[sflag:s13] =	ssyncadd.s32 $0xFFFFD800  }
0x25: {  	[bflag:$0x0] =	sbarrier.arrive $0xFFFF  }
0x26: {  	[tilespmem:s17], [sflag:$0x1] =	stream.indirect.gather [spmem:s3], $0x10, s4, s16, $0xb8;
	[tilespmem:$0xBF00] =	vst v63  }
0x27: {  	_ = 	snop  }
0x28: {  	[tilespmem:s18], [sflag:$0x2] =	stream.indirect.gather [spmem:s3], $0x10, s16, s16, $0xb8;
	[tilespmem:$0xBF00] =	vst v63  }
0x29: {  	s19 =	simm.s32 $0x100  }
0x2a: {  	[tilespmem:s20], [sflag:$0x3] =	stream.indirect.gather [spmem:s3], $0x10, s19, s16, $0xb8;
	[tilespmem:$0xBF00] =	vst v63  }
0x2b: {  	_ =	swait.ge [sflag:s21], $0x800  }
0x2c: {  	[sflag:s21] =	ssyncset.done $0x0  }
0x2d: {  	[sflag:s21] =	ssyncadd.s32 $0xFFFFF800  }
0x2e: {  	[spmem:s2] =	stream.indirect.scatter.add.f32 [tilespmem:s17], [sflag:$0x5], $0x10, s15, s16, $0xb8;
	[tilespmem:$0xBF00] =	vst v63  }
0x2f: {  	s30 =	simm.s32 $0x180  }
0x30: {  	[tilespmem:s23], [sflag:$0x4] =	stream.indirect.gather [spmem:s3], $0x10, s30, s16, $0xb8;
	[tilespmem:$0xBF00] =	vst v63  }
0x31: {  	_ =	swait.ge [sflag:s24], $0x800  }
0x32: {  	[sflag:s24] =	ssyncset.done $0x0  }
0x33: {  	s30 =	simm.s32 $0x2880;
	[sflag:s24] =	ssyncadd.s32 $0xFFFFF800  }
0x34: {  	[spmem:s2] =	stream.indirect.scatter.add.f32 [tilespmem:s18], [sflag:$0x6], $0x10, s30, s16, $0xb8;
	[tilespmem:$0xBF00] =	vst v63  }
0x35: {  	_ =	swait.ge [sflag:s26], $0x800  }
0x36: {  	[sflag:s26] =	ssyncset.done $0x0  }
0x37: {  	s30 =	simm.s32 $0x200;
	[sflag:s26] =	ssyncadd.s32 $0xFFFFF800  }
0x38: {  	[tilespmem:s17], [sflag:$0x1] =	stream.indirect.gather [spmem:s3], $0x10, s30, s16, $0xb8;
	[tilespmem:$0xBF00] =	vst v63  }
0x39: {  	_ =	swait.ge [sflag:s29], $0x800  }
0x3a: {  	[sflag:s29] =	ssyncset.done $0x0  }
0x3b: {  	s30 =	simm.s32 $0x2900;
	[sflag:s29] =	ssyncadd.s32 $0xFFFFF800  }
0x3c: {  	[spmem:s2] =	stream.indirect.scatter.add.f32 [tilespmem:s20], [sflag:$0x7], $0x10, s30, s16, $0xb8;
	[tilespmem:$0xBF00] =	vst v63  }
0x3d: {  	_ =	swait.ge [sflag:s31], $0x800  }
0x3e: {  	[sflag:s31] =	ssyncset.done $0x0  }
0x3f: {  	s30 =	simm.s32 $0x280;
	[sflag:s31] =	ssyncadd.s32 $0xFFFFF800  }
0x40: {  	[tilespmem:s18], [sflag:$0x2] =	stream.indirect.gather [spmem:s3], $0x10, s30, s16, $0xb8;
	[tilespmem:$0xBF00] =	vst v63  }
0x41: {  	_ =	swait.ge [sflag:s1], $0x800  }
0x42: {  	[sflag:s1] =	ssyncset.done $0x0  }
0x43: {  	s30 =	simm.s32 $0x2980;
	[sflag:s1] =	ssyncadd.s32 $0xFFFFF800  }
0x44: {  	[spmem:s2] =	stream.indirect.scatter.add.f32 [tilespmem:s23], [sflag:$0x8], $0x10, s30, s16, $0xb8;
	[tilespmem:$0xBF00] =	vst v63  }
0x45: {  	_ =	swait.ge [sflag:s22], $0x800  }
0x46: {  	[sflag:s22] =	ssyncset.done $0x0  }
0x47: {  	s30 =	simm.s32 $0x300;
	[sflag:s22] =	ssyncadd.s32 $0xFFFFF800  }
0x48: {  	[tilespmem:s20], [sflag:$0x3] =	stream.indirect.gather [spmem:s3], $0x10, s30, s16, $0xb8;
	[tilespmem:$0xBF00] =	vst v63  }
0x49: {  	_ =	swait.ge [sflag:s21], $0x800  }
0x4a: {  	[sflag:s21] =	ssyncset.done $0x0  }
0x4b: {  	s30 =	simm.s32 $0x2A00;
	[sflag:s21] =	ssyncadd.s32 $0xFFFFF800  }
0x4c: {  	[spmem:s2] =	stream.indirect.scatter.add.f32 [tilespmem:s17], [sflag:$0x5], $0x10, s30, s16, $0xb8;
	[tilespmem:$0xBF00] =	vst v63  }
0x4d: {  	_ =	swait.ge [sflag:s25], $0x800  }
0x4e: {  	[sflag:s25] =	ssyncset.done $0x0  }
0x4f: {  	s30 =	simm.s32 $0x380;
	[sflag:s25] =	ssyncadd.s32 $0xFFFFF800  }
0x50: {  	[tilespmem:s23], [sflag:$0x4] =	stream.indirect.gather [spmem:s3], $0x10, s30, s16, $0xb8;
	[tilespmem:$0xBF00] =	vst v63  }
0x51: {  	_ =	swait.ge [sflag:s24], $0x800  }
0x52: {  	[sflag:s24] =	ssyncset.done $0x0  }
0x53: {  	s30 =	simm.s32 $0x2A80;
	[sflag:s24] =	ssyncadd.s32 $0xFFFFF800  }
0x54: {  	[spmem:s2] =	stream.indirect.scatter.add.f32 [tilespmem:s18], [sflag:$0x6], $0x10, s30, s16, $0xb8;
	[tilespmem:$0xBF00] =	vst v63  }
0x55: {  	_ =	swait.ge [sflag:s26], $0x800  }
0x56: {  	[sflag:s26] =	ssyncset.done $0x0  }
0x57: {  	s30 =	simm.s32 $0x400;
	[sflag:s26] =	ssyncadd.s32 $0xFFFFF800  }
0x58: {  	[tilespmem:s17], [sflag:$0x1] =	stream.indirect.gather [spmem:s3], $0x10, s30, s16, $0xb8;
	[tilespmem:$0xBF00] =	vst v63  }
0x59: {  	_ =	swait.ge [sflag:s29], $0x800  }
0x5a: {  	[sflag:s29] =	ssyncset.done $0x0  }
0x5b: {  	s30 =	simm.s32 $0x2B00;
	[sflag:s29] =	ssyncadd.s32 $0xFFFFF800  }
0x5c: {  	[spmem:s2] =	stream.indirect.scatter.add.f32 [tilespmem:s20], [sflag:$0x7], $0x10, s30, s16, $0xb8;
	[tilespmem:$0xBF00] =	vst v63  }
0x5d: {  	_ =	swait.ge [sflag:s31], $0x800  }
0x5e: {  	[sflag:s31] =	ssyncset.done $0x0  }
0x5f: {  	s30 =	simm.s32 $0x480;
	[sflag:s31] =	ssyncadd.s32 $0xFFFFF800  }
0x60: {  	[tilespmem:s18], [sflag:$0x2] =	stream.indirect.gather [spmem:s3], $0x10, s30, s16, $0xb8;
	[tilespmem:$0xBF00] =	vst v63  }
0x61: {  	_ =	swait.ge [sflag:s1], $0x800  }
0x62: {  	[sflag:s1] =	ssyncset.done $0x0  }
0x63: {  	s28 =	simm.s32 $0x2B80;
	s19 =	simm.s32 $0x800;
	[sflag:s1] =	ssyncadd.s32 $0xFFFFF800  }
.LBB2_2:
0x64: {  	[spmem:s2] =	stream.indirect.scatter.add.f32 [tilespmem:s23], [sflag:$0x8], $0x10, s28, s16, $0xb8;
	[tilespmem:$0xBF00] =	vst v63  }
0x65: {  	s28 =	smov.u32 s19  }
0x66: {  	p0 =	sne.s32 s19, $0x8800;
	s19 =	sadd.s32 $0x800, s19;
	_ =	swait.ge [sflag:s22], $0x800  }
0x67: {  	s28 =	sshra.s32 s28, $0x2;
	[sflag:s22] =	ssyncset.done $0x0  }
0x68: {  	s30 =	sadd.s32 $0x300, s28;
	[sflag:s22] =	ssyncadd.s32 $0xFFFFF800  }
0x69: {  	[tilespmem:s20], [sflag:$0x3] =	stream.indirect.gather [spmem:s3], $0x10, s30, s16, $0xb8;
	[tilespmem:$0xBF00] =	vst v63  }
0x6a: {  	_ =	swait.ge [sflag:s21], $0x800  }
0x6b: {  	[sflag:s21] =	ssyncset.done $0x0  }
0x6c: {  	s30 =	sadd.s32 $0x2A00, s28;
	[sflag:s21] =	ssyncadd.s32 $0xFFFFF800  }
0x6d: {  	[spmem:s2] =	stream.indirect.scatter.add.f32 [tilespmem:s17], [sflag:$0x5], $0x10, s30, s16, $0xb8;
	[tilespmem:$0xBF00] =	vst v63  }
0x6e: {  	_ =	swait.ge [sflag:s25], $0x800  }
0x6f: {  	[sflag:s25] =	ssyncset.done $0x0  }
0x70: {  	s30 =	sadd.s32 $0x380, s28;
	[sflag:s25] =	ssyncadd.s32 $0xFFFFF800  }
0x71: {  	[tilespmem:s23], [sflag:$0x4] =	stream.indirect.gather [spmem:s3], $0x10, s30, s16, $0xb8;
	[tilespmem:$0xBF00] =	vst v63  }
0x72: {  	_ =	swait.ge [sflag:s24], $0x800  }
0x73: {  	[sflag:s24] =	ssyncset.done $0x0  }
0x74: {  	s30 =	sadd.s32 $0x2A80, s28;
	[sflag:s24] =	ssyncadd.s32 $0xFFFFF800  }
0x75: {  	[spmem:s2] =	stream.indirect.scatter.add.f32 [tilespmem:s18], [sflag:$0x6], $0x10, s30, s16, $0xb8;
	[tilespmem:$0xBF00] =	vst v63  }
0x76: {  	_ =	swait.ge [sflag:s26], $0x800  }
0x77: {  	[sflag:s26] =	ssyncset.done $0x0  }
0x78: {  	s30 =	sadd.s32 $0x400, s28;
	[sflag:s26] =	ssyncadd.s32 $0xFFFFF800  }
0x79: {  	[tilespmem:s17], [sflag:$0x1] =	stream.indirect.gather [spmem:s3], $0x10, s30, s16, $0xb8;
	[tilespmem:$0xBF00] =	vst v63  }
0x7a: {  	_ =	swait.ge [sflag:s29], $0x800  }
0x7b: {  	[sflag:s29] =	ssyncset.done $0x0  }
0x7c: {  	s30 =	sadd.s32 $0x2B00, s28;
	[sflag:s29] =	ssyncadd.s32 $0xFFFFF800  }
0x7d: {  	[spmem:s2] =	stream.indirect.scatter.add.f32 [tilespmem:s20], [sflag:$0x7], $0x10, s30, s16, $0xb8;
	[tilespmem:$0xBF00] =	vst v63  }
0x7e: {  	_ =	swait.ge [sflag:s31], $0x800  }
0x7f: {  	[sflag:s31] =	ssyncset.done $0x0  }
.Ltmp0:
0x80: {  	s30 =	sadd.s32 $0x480, s28;
	[sflag:s31] =	ssyncadd.s32 $0xFFFFF800;
	(pc) =	sbr.rel @p0 .LBB2_2-.Ltmp0, $4  }
0x81: {  	[tilespmem:s18], [sflag:$0x2] =	stream.indirect.gather [spmem:s3], $0x10, s30, s16, $0xb8;
	[tilespmem:$0xBF00] =	vst v63  }
0x82: {  	_ =	swait.ge [sflag:s1], $0x800  }
0x83: {  	[sflag:s1] =	ssyncset.done $0x0  }
0x84: {  	s28 =	sadd.s32 $0x2B80, s28;
	[sflag:s1] =	ssyncadd.s32 $0xFFFFF800  }
0x85: {  	[spmem:s2] =	stream.indirect.scatter.add.f32 [tilespmem:s23], [sflag:$0x8], $0x10, s28, s16, $0xb8;
	[tilespmem:$0xBF00] =	vst v63  }
0x86: {  	_ =	swait.ge [sflag:s22], $0x800  }
0x87: {  	[sflag:s22] =	ssyncset.done $0x0  }
0x88: {  	s19 =	simm.s32 $0x2700;
	[sflag:s22] =	ssyncadd.s32 $0xFFFFF800  }
0x89: {  	[tilespmem:s20], [sflag:$0x3] =	stream.indirect.gather [spmem:s3], $0x10, s19, s16, $0xb8;
	[tilespmem:$0xBF00] =	vst v63  }
0x8a: {  	_ =	swait.ge [sflag:s21], $0x800  }
0x8b: {  	[sflag:s21] =	ssyncset.done $0x0  }
0x8c: {  	s30 =	simm.s32 $0x4E00;
	[sflag:s21] =	ssyncadd.s32 $0xFFFFF800  }
0x8d: {  	[spmem:s2] =	stream.indirect.scatter.add.f32 [tilespmem:s17], [sflag:$0x5], $0x10, s30, s16, $0xb8;
	[tilespmem:$0xBF00] =	vst v63  }
0x8e: {  	_ =	swait.ge [sflag:s25], $0x800  }
0x8f: {  	[sflag:s25] =	ssyncset.done $0x0  }
0x90: {  	s28 =	simm.s32 $0x2780;
	[sflag:s25] =	ssyncadd.s32 $0xFFFFF800  }
0x91: {  	[tilespmem:s23], [sflag:$0x4] =	stream.indirect.gather [spmem:s3], $0x10, s28, s16, $0xb8;
	[tilespmem:$0xBF00] =	vst v63  }
0x92: {  	_ =	swait.ge [sflag:s24], $0x800  }
0x93: {  	[sflag:s24] =	ssyncset.done $0x0  }
0x94: {  	s30 =	simm.s32 $0x4E80;
	[sflag:s24] =	ssyncadd.s32 $0xFFFFF800  }
0x95: {  	[spmem:s2] =	stream.indirect.scatter.add.f32 [tilespmem:s18], [sflag:$0x6], $0x10, s30, s16, $0xb8;
	[tilespmem:$0xBF00] =	vst v63  }
0x96: {  	_ =	swait.ge [sflag:s26], $0x800  }
0x97: {  	[sflag:s26] =	ssyncset.done $0x0  }
0x98: {  	[sflag:s26] =	ssyncadd.s32 $0xFFFFF800  }
0x99: {  	_ =	swait.ge [sflag:s29], $0x800  }
0x9a: {  	[sflag:s29] =	ssyncset.done $0x0  }
0x9b: {  	s28 =	simm.s32 $0x4F00;
	[sflag:s29] =	ssyncadd.s32 $0xFFFFF800  }
0x9c: {  	[spmem:s2] =	stream.indirect.scatter.add.f32 [tilespmem:s20], [sflag:$0x7], $0x10, s28, s16, $0xb8;
	[tilespmem:$0xBF00] =	vst v63  }
0x9d: {  	_ =	swait.ge [sflag:s31], $0x800  }
0x9e: {  	[sflag:s31] =	ssyncset.done $0x0  }
0x9f: {  	[sflag:s31] =	ssyncadd.s32 $0xFFFFF800  }
0xa0: {  	_ =	swait.ge [sflag:s1], $0x800  }
0xa1: {  	[sflag:s1] =	ssyncset.done $0x0  }
0xa2: {  	s30 =	simm.s32 $0x4F80;
	[sflag:s1] =	ssyncadd.s32 $0xFFFFF800  }
0xa3: {  	[spmem:s2] =	stream.indirect.scatter.add.f32 [tilespmem:s23], [sflag:$0x8], $0x10, s30, s16, $0xb8;
	[tilespmem:$0xBF00] =	vst v63  }
0xa4: {  	_ =	swait.ge [sflag:s22], $0x800  }
0xa5: {  	[sflag:s22] =	ssyncset.done $0x0  }
0xa6: {  	[sflag:s22] =	ssyncadd.s32 $0xFFFFF800  }
0xa7: {  	_ =	swait.ge [sflag:s25], $0x800  }
0xa8: {  	s0 =	sadd.s32 $0x1, s0;
	[sflag:s25] =	ssyncset.done $0x0  }
0xa9: {  	p0 =	sne.s32 s0, s11;
	[sflag:s25] =	ssyncadd.s32 $0xFFFFF800  }
.Ltmp1:
0xaa: {  	[bflag:$0x0] =	sbarrier.arrive $0xFFFF;
	(pc) =	sbr.rel @p0 .LBB2_1-.Ltmp1, $4  }
0xab: {  	[hbm:s10], [sflag:s6] =	dma.local [spmem:s12], $0x4F0  }
0xac: {  	_ =	swait.ge [sflag:s13], $0x4F0  }
0xad: {  	[sflag:s13] =	ssyncset.done $0x0  }
0xae: {  	[sflag:s13] =	ssyncadd.s32 $0xFFFFFB10  }
0xaf: {  	_ =	sfence.sel $0x180000  }
0xb0: {  	[bflag:$0x0] =	sbarrier.arrive $0xFFFF  }
0xb1: {  	_ =	strace $0x90000050  }
0xb2: {  	s0 =	stileid.u32;
	[bflag:$0x2] =	sbarrier.arrive $0xFFFF  }
0xb3: {  	p0 =	sne.s32 s0, $0x0;
	s0 =	rddreg [dreg:$0x4]  }
0xb4: {  	s0 =	sadd.s32 @!p0 $0x100000, s0  }
0xb5: {  	[sflag:s0] =	ssyncadd.tile.s32 @!p0 $0x1;
	_ =	shalt  }
.Lfunc_end2:
_tile_overlayer_lowered:
.L_overlay_start_2:
0xb6: {  	(tag) =	ssettag $0x2  }
0xb7: {  	s0 =	rddreg [dreg:$0x0];
	s2 =	stileid.u32  }
0xb8: {  	s1 =	rddreg [dreg:$0x1];
	p0 =	sne.s32 s2, $0x0  }
0xb9: {  	s3 =	rddreg [dreg:$0x2];
	[bflag:$0x3] =	sbarrier.arrive $0xFFFF;
	s2 =	simm.s32 @!p0 $0x1C09  }
0xba: {  	[timem:s3], [sflag:s2] =	dma.local @!p0 [hbm:s0], s1  }
0xbb: {  	s0 =	simm.s32 @!p0 $0x9  }
0xbc: {  	_ =	swait.ge @!p0 [sflag:s0], s1  }
0xbd: {  	s1 =	ssub.s32 @!p0 $0x0, s1;
	[sflag:s0] =	ssyncset.done @!p0 $0x0  }
0xbe: {  	[sflag:s0] =	ssyncadd.s32 @!p0 s1  }
0xbf: {  	[bflag:$0x3] =	sbarrier.arrive $0xFFFF  }
0xc0: {  	_ =	shalt  }

</sc_bundles>
